<compile_context>
chip_gen: v7x
topology: tpu7x:2x2x1
jax: 0.10.2.dev20260603
libtpu: 0.0.44.dev20260713+nightly
codegen_flags: <defaults>
</compile_context>

<pallas_src>
import functools

import jax
import jax.numpy as jnp
from jax import lax
from jax.experimental import pallas as pl
from jax.experimental.pallas import tpu as pltpu
from jax.experimental.pallas import tpu_sc as plsc

_CHUNK = 8192


@functools.lru_cache(maxsize=None)
def _make_lookup(S0, S1, V, D):
    info = plsc.get_sparse_core_info()
    NC, NS, VL = info.num_cores, info.num_subcores, info.num_lanes
    NW = NC * NS
    LT = 128
    DR = D // 8
    n_lt = S0 // LT
    lt_per_w = n_lt // NW
    n_units = S1 * lt_per_w
    b_per_w = n_units * LT
    assert S0 % (LT * NW) == 0 and D % 8 == 0 and n_units % 2 == 0

    mesh = plsc.VectorSubcoreMesh(core_axis_name="c", subcore_axis_name="s")

    @functools.partial(
        pl.kernel,
        mesh=mesh,
        compiler_params=pltpu.CompilerParams(
            use_tc_tiling_on_sc=False, needs_layout_passes=False
        ),
        out_type=jax.ShapeDtypeStruct((S1, DR, n_lt, 8, LT), jnp.float32),
        scratch_types=[
            pltpu.VMEM((b_per_w,), jnp.int32),
            pltpu.VMEM((LT, D), jnp.float32),
            pltpu.VMEM((LT, D), jnp.float32),
            pltpu.VMEM((DR, 8, LT + 1), jnp.float32),
            pltpu.VMEM((DR, 8, LT + 1), jnp.float32),
            pltpu.SemaphoreType.DMA,
            pltpu.SemaphoreType.DMA,
        ],
    )
    def lookup(idx_hbm, table_hbm, out_hbm, idx_v, r0, r1, t0, t1, gsem, wsem):
        wid = lax.axis_index("s") * NC + lax.axis_index("c")
        s0_base = wid * (lt_per_w * LT)
        rbuf = (r0, r1)
        tbuf = (t0, t1)

        stage = []
        for s1 in range(S1):
            stage.append(
                pltpu.async_copy(
                    idx_hbm.at[pl.ds(s1 * S0 + s0_base, lt_per_w * LT)],
                    idx_v.at[pl.ds(s1 * (lt_per_w * LT), lt_per_w * LT)],
                    gsem,
                )
            )
        for cp in stage:
            cp.wait()

        cm = _CHUNK - 1
        qm = _CHUNK // 4 - 1
        qb = _CHUNK.bit_length() - 3

        @plsc.parallel_loop(0, b_per_w // VL, 1, unroll=8)
        def _(g):
            t = idx_v[pl.ds(g * VL, VL)]
            s = (t & ~cm) | ((t & qm) << 2) | ((t & cm) >> qb)
            idx_v[pl.ds(g * VL, VL)] = s

        def gather_unit(u, buf):
            return pltpu.async_copy(table_hbm.at[idx_v.at[pl.ds(u * LT, LT)]], buf, gsem)

        def write_unit(u, buf):
            s1 = u >> 2
            cl = u & 3
            return pltpu.async_copy(
                buf.at[:, :, pl.ds(0, LT)],
                out_hbm.at[s1, :, wid * lt_per_w + cl],
                wsem,
            )

        def drain_write():
            pltpu.make_async_copy(
                t0.at[:, :, pl.ds(0, LT)], out_hbm.at[0, :, 0], wsem
            ).wait()

        iota = lax.iota(jnp.int32, VL)
        rs_idx = [((iota + h * VL) >> 3, (iota + h * VL) & 7) for h in range(D // VL)]

        def transpose_unit(rb, tb):
            for h in range(D // VL):
                ri, si = rs_idx[h]

                @plsc.parallel_loop(0, LT, 1, unroll=8)
                def _(t):
                    v = rb[t, pl.ds(h * VL, VL)]
                    col = jnp.full((VL,), 0, jnp.int32) + t
                    plsc.store_scatter(tb, [ri, si, col], v)

        gps = [gather_unit(0, rbuf[0]), gather_unit(1, rbuf[1])]

        def pair_body(p, _):
            for b in range(2):
                u = 2 * p + b
                gps[b].wait()

                @pl.when(u >= 2)
                def _():
                    drain_write()

                transpose_unit(rbuf[b], tbuf[b])

                @pl.when(u + 2 < n_units)
                def _():
                    gather_unit(u + 2, rbuf[b])

                write_unit(u, tbuf[b])
            return 0

        lax.fori_loop(0, n_units // 2, pair_body, 0, unroll=False)
        drain_write()
        drain_write()

    return lookup


@functools.lru_cache(maxsize=None)
def _make_restage_tc(V, D):
    C = _CHUNK
    Q = C // 4
    OR = C * D // 128
    grid = (V + C - 1) // C
    Vp = grid * C

    def body(w3_ref, out_ref):
        y = w3_ref[...].reshape(D, C)
        for j in range(4):
            out_ref[:, D * j : D * (j + 1)] = y[:, Q * j : Q * (j + 1)].T

    relayout = pl.pallas_call(
        body,
        grid=(grid,),
        in_specs=[pl.BlockSpec((D // 8, 8, C), lambda i: (0, 0, i))],
        out_specs=pl.BlockSpec((OR, 128), lambda i: (i, 0)),
        out_shape=jax.ShapeDtypeStruct((grid * OR, 128), jnp.float32),
    )
    return relayout, Vp


def kernel(token_ids, weight):
    S0, S1 = token_ids.shape
    V, D = weight.shape
    tokens_lin = token_ids.T.reshape(S0 * S1)
    w3 = weight.T.reshape(D // 8, 8, V)
    relayout, Vp = _make_restage_tc(V, D)
    w2 = relayout(w3).reshape(Vp, D)
    out5 = _make_lookup(S0, S1, Vp, D)(tokens_lin, w2)
    return out5.transpose(2, 4, 0, 1, 3).reshape(S0, S1, D)

# --- scband reference (transcript-rebuilt; emitter-appended) ---
"""Pipeline reference for scband-embedding-15702400434582 (READ-ONLY COPY).

The authoritative reference and input builder live on the scoring server;
editing this copy changes nothing except your own understanding.
"""

import jax, jax.numpy as jnp
import numpy as np

NUM_EMBEDDINGS = 1000000
EMBEDDING_DIM = 32

def setup_inputs(seed: int = 0) -> dict:
    key = jax.random.key(seed)
    k_idx, k_w = jax.random.split(key)
    token_ids = jax.random.randint(k_idx, (16384, 50), 0, NUM_EMBEDDINGS, dtype=jnp.int64 if jax.config.jax_enable_x64 else jnp.int32)
    # trunc_normal_(std=1, a=-3, b=3)
    weight = jax.random.truncated_normal(k_w, -3.0, 3.0, (NUM_EMBEDDINGS, EMBEDDING_DIM), dtype=jnp.float32)
    return {"token_ids": token_ids, "weight": weight}

def reference(token_ids, weight):
    return jnp.take(weight, token_ids, axis=0)

if __name__ == "__main__":
    import jax
    _d = setup_inputs()
    print(jax.jit(kernel)(*tuple(_d.values())))

</pallas_src>

<mosaic_0001>
#map = affine_map<(d0, d1) -> (0)>
#map1 = affine_map<(d0, d1) -> (0, 0)>
#map2 = affine_map<(d0, d1) -> (0, 0, 0, 0, 0)>
module attributes {stable_mosaic.version = 14 : i64} {
  func.func @lookup(%arg0: i32, %arg1: i32, %arg2: memref<819200xi32, #tpu.memory_space<hbm>>, %arg3: memref<1007616x32xf32, #tpu.memory_space<hbm>>, %arg4: memref<50x4x128x8x128xf32, #tpu.memory_space<hbm>>, %arg5: memref<25600xi32, #tpu.memory_space<vmem>>, %arg6: memref<128x32xf32, #tpu.memory_space<vmem>>, %arg7: memref<128x32xf32, #tpu.memory_space<vmem>>, %arg8: memref<4x8x129xf32, #tpu.memory_space<vmem>>, %arg9: memref<4x8x129xf32, #tpu.memory_space<vmem>>, %arg10: memref<!tpu.dma_semaphore, #tpu.memory_space<semaphore_mem>>, %arg11: memref<!tpu.dma_semaphore, #tpu.memory_space<semaphore_mem>>) attributes {dimension_semantics = [#tpu.dimension_semantics<core_parallel>, #tpu.dimension_semantics<subcore_parallel>], iteration_bounds = array<i64: 2, 16>, scalar_prefetch = 0 : i64, scratch_operands = 7 : i64, tpu.core_type = #tpu.core_type<sc_vector_subcore>, window_params = [{transform_indices = #map}, {transform_indices = #map1}, {transform_indices = #map2}]} {
    %mul3A = arith.constant 2 : i32
    %mul3A_0 = arith.muli %arg1, %mul3A : i32
    %add3A = arith.addi %mul3A_0, %arg0 : i32
    %mul3A_1 = arith.constant 512 : i32
    %mul3A_2 = arith.muli %add3A, %mul3A_1 : i32
    %add3A_3 = arith.constant 0 : i32
    %add3A_4 = arith.addi %add3A_3, %mul3A_2 : i32
    %dma_start3A = arith.constant 0 : i32
    %dma_start3A_5 = tpu.memref_slice %arg5[%dma_start3A] : memref<25600xi32, #tpu.memory_space<vmem>> -> memref<512xi32, #tpu.memory_space<vmem>>
    %dma_start3A_6 = tpu.memref_slice %arg2[%add3A_4] : memref<819200xi32, #tpu.memory_space<hbm>> -> memref<512xi32, #tpu.memory_space<hbm>>
    %dma_start3A_7 = arith.constant 0 : i32
    %dma_start3A_8 = tpu.memref_slice %arg5[%dma_start3A_7] : memref<25600xi32, #tpu.memory_space<vmem>> -> memref<512xi32, #tpu.memory_space<vmem>>
    %dma_start3A_9 = tpu.memref_slice %arg2[%add3A_4] : memref<819200xi32, #tpu.memory_space<hbm>> -> memref<512xi32, #tpu.memory_space<hbm>>
    tpu.enqueue_dma source(%dma_start3A_9 : memref<512xi32, #tpu.memory_space<hbm>>) target(%dma_start3A_8 : memref<512xi32, #tpu.memory_space<vmem>>) target_semaphore(%arg10 : memref<!tpu.dma_semaphore, #tpu.memory_space<semaphore_mem>>)
    %add3A_10 = arith.constant 16384 : i32
    %add3A_11 = arith.addi %add3A_10, %mul3A_2 : i32
    %dma_start3A_12 = arith.constant 512 : i32
    %dma_start3A_13 = tpu.memref_slice %arg5[%dma_start3A_12] : memref<25600xi32, #tpu.memory_space<vmem>> -> memref<512xi32, #tpu.memory_space<vmem>>
    %dma_start3A_14 = tpu.memref_slice %arg2[%add3A_11] : memref<819200xi32, #tpu.memory_space<hbm>> -> memref<512xi32, #tpu.memory_space<hbm>>
    %dma_start3A_15 = arith.constant 512 : i32
    %dma_start3A_16 = tpu.memref_slice %arg5[%dma_start3A_15] : memref<25600xi32, #tpu.memory_space<vmem>> -> memref<512xi32, #tpu.memory_space<vmem>>
    %dma_start3A_17 = tpu.memref_slice %arg2[%add3A_11] : memref<819200xi32, #tpu.memory_space<hbm>> -> memref<512xi32, #tpu.memory_space<hbm>>
    tpu.enqueue_dma source(%dma_start3A_17 : memref<512xi32, #tpu.memory_space<hbm>>) target(%dma_start3A_16 : memref<512xi32, #tpu.memory_space<vmem>>) target_semaphore(%arg10 : memref<!tpu.dma_semaphore, #tpu.memory_space<semaphore_mem>>)
    %add3A_18 = arith.constant 32768 : i32
    %add3A_19 = arith.addi %add3A_18, %mul3A_2 : i32
    %dma_start3A_20 = arith.constant 1024 : i32
    %dma_start3A_21 = tpu.memref_slice %arg5[%dma_start3A_20] : memref<25600xi32, #tpu.memory_space<vmem>> -> memref<512xi32, #tpu.memory_space<vmem>>
    %dma_start3A_22 = tpu.memref_slice %arg2[%add3A_19] : memref<819200xi32, #tpu.memory_space<hbm>> -> memref<512xi32, #tpu.memory_space<hbm>>
    %dma_start3A_23 = arith.constant 1024 : i32
    %dma_start3A_24 = tpu.memref_slice %arg5[%dma_start3A_23] : memref<25600xi32, #tpu.memory_space<vmem>> -> memref<512xi32, #tpu.memory_space<vmem>>
    %dma_start3A_25 = tpu.memref_slice %arg2[%add3A_19] : memref<819200xi32, #tpu.memory_space<hbm>> -> memref<512xi32, #tpu.memory_space<hbm>>
    tpu.enqueue_dma source(%dma_start3A_25 : memref<512xi32, #tpu.memory_space<hbm>>) target(%dma_start3A_24 : memref<512xi32, #tpu.memory_space<vmem>>) target_semaphore(%arg10 : memref<!tpu.dma_semaphore, #tpu.memory_space<semaphore_mem>>)
    %add3A_26 = arith.constant 49152 : i32
    %add3A_27 = arith.addi %add3A_26, %mul3A_2 : i32
    %dma_start3A_28 = arith.constant 1536 : i32
    %dma_start3A_29 = tpu.memref_slice %arg5[%dma_start3A_28] : memref<25600xi32, #tpu.memory_space<vmem>> -> memref<512xi32, #tpu.memory_space<vmem>>
    %dma_start3A_30 = tpu.memref_slice %arg2[%add3A_27] : memref<819200xi32, #tpu.memory_space<hbm>> -> memref<512xi32, #tpu.memory_space<hbm>>
    %dma_start3A_31 = arith.constant 1536 : i32
    %dma_start3A_32 = tpu.memref_slice %arg5[%dma_start3A_31] : memref<25600xi32, #tpu.memory_space<vmem>> -> memref<512xi32, #tpu.memory_space<vmem>>
    %dma_start3A_33 = tpu.memref_slice %arg2[%add3A_27] : memref<819200xi32, #tpu.memory_space<hbm>> -> memref<512xi32, #tpu.memory_space<hbm>>
    tpu.enqueue_dma source(%dma_start3A_33 : memref<512xi32, #tpu.memory_space<hbm>>) target(%dma_start3A_32 : memref<512xi32, #tpu.memory_space<vmem>>) target_semaphore(%arg10 : memref<!tpu.dma_semaphore, #tpu.memory_space<semaphore_mem>>)
    %add3A_34 = arith.constant 65536 : i32
    %add3A_35 = arith.addi %add3A_34, %mul3A_2 : i32
    %dma_start3A_36 = arith.constant 2048 : i32
    %dma_start3A_37 = tpu.memref_slice %arg5[%dma_start3A_36] : memref<25600xi32, #tpu.memory_space<vmem>> -> memref<512xi32, #tpu.memory_space<vmem>>
    %dma_start3A_38 = tpu.memref_slice %arg2[%add3A_35] : memref<819200xi32, #tpu.memory_space<hbm>> -> memref<512xi32, #tpu.memory_space<hbm>>
    %dma_start3A_39 = arith.constant 2048 : i32
    %dma_start3A_40 = tpu.memref_slice %arg5[%dma_start3A_39] : memref<25600xi32, #tpu.memory_space<vmem>> -> memref<512xi32, #tpu.memory_space<vmem>>
    %dma_start3A_41 = tpu.memref_slice %arg2[%add3A_35] : memref<819200xi32, #tpu.memory_space<hbm>> -> memref<512xi32, #tpu.memory_space<hbm>>
    tpu.enqueue_dma source(%dma_start3A_41 : memref<512xi32, #tpu.memory_space<hbm>>) target(%dma_start3A_40 : memref<512xi32, #tpu.memory_space<vmem>>) target_semaphore(%arg10 : memref<!tpu.dma_semaphore, #tpu.memory_space<semaphore_mem>>)
    %add3A_42 = arith.constant 81920 : i32
    %add3A_43 = arith.addi %add3A_42, %mul3A_2 : i32
    %dma_start3A_44 = arith.constant 2560 : i32
    %dma_start3A_45 = tpu.memref_slice %arg5[%dma_start3A_44] : memref<25600xi32, #tpu.memory_space<vmem>> -> memref<512xi32, #tpu.memory_space<vmem>>
    %dma_start3A_46 = tpu.memref_slice %arg2[%add3A_43] : memref<819200xi32, #tpu.memory_space<hbm>> -> memref<512xi32, #tpu.memory_space<hbm>>
    %dma_start3A_47 = arith.constant 2560 : i32
    %dma_start3A_48 = tpu.memref_slice %arg5[%dma_start3A_47] : memref<25600xi32, #tpu.memory_space<vmem>> -> memref<512xi32, #tpu.memory_space<vmem>>
    %dma_start3A_49 = tpu.memref_slice %arg2[%add3A_43] : memref<819200xi32, #tpu.memory_space<hbm>> -> memref<512xi32, #tpu.memory_space<hbm>>
    tpu.enqueue_dma source(%dma_start3A_49 : memref<512xi32, #tpu.memory_space<hbm>>) target(%dma_start3A_48 : memref<512xi32, #tpu.memory_space<vmem>>) target_semaphore(%arg10 : memref<!tpu.dma_semaphore, #tpu.memory_space<semaphore_mem>>)
    %add3A_50 = arith.constant 98304 : i32
    %add3A_51 = arith.addi %add3A_50, %mul3A_2 : i32
    %dma_start3A_52 = arith.constant 3072 : i32
    %dma_start3A_53 = tpu.memref_slice %arg5[%dma_start3A_52] : memref<25600xi32, #tpu.memory_space<vmem>> -> memref<512xi32, #tpu.memory_space<vmem>>
    %dma_start3A_54 = tpu.memref_slice %arg2[%add3A_51] : memref<819200xi32, #tpu.memory_space<hbm>> -> memref<512xi32, #tpu.memory_space<hbm>>
    %dma_start3A_55 = arith.constant 3072 : i32
    %dma_start3A_56 = tpu.memref_slice %arg5[%dma_start3A_55] : memref<25600xi32, #tpu.memory_space<vmem>> -> memref<512xi32, #tpu.memory_space<vmem>>
    %dma_start3A_57 = tpu.memref_slice %arg2[%add3A_51] : memref<819200xi32, #tpu.memory_space<hbm>> -> memref<512xi32, #tpu.memory_space<hbm>>
    tpu.enqueue_dma source(%dma_start3A_57 : memref<512xi32, #tpu.memory_space<hbm>>) target(%dma_start3A_56 : memref<512xi32, #tpu.memory_space<vmem>>) target_semaphore(%arg10 : memref<!tpu.dma_semaphore, #tpu.memory_space<semaphore_mem>>)
    %add3A_58 = arith.constant 114688 : i32
    %add3A_59 = arith.addi %add3A_58, %mul3A_2 : i32
    %dma_start3A_60 = arith.constant 3584 : i32
    %dma_start3A_61 = tpu.memref_slice %arg5[%dma_start3A_60] : memref<25600xi32, #tpu.memory_space<vmem>> -> memref<512xi32, #tpu.memory_space<vmem>>
    %dma_start3A_62 = tpu.memref_slice %arg2[%add3A_59] : memref<819200xi32, #tpu.memory_space<hbm>> -> memref<512xi32, #tpu.memory_space<hbm>>
    %dma_start3A_63 = arith.constant 3584 : i32
    %dma_start3A_64 = tpu.memref_slice %arg5[%dma_start3A_63] : memref<25600xi32, #tpu.memory_space<vmem>> -> memref<512xi32, #tpu.memory_space<vmem>>
    %dma_start3A_65 = tpu.memref_slice %arg2[%add3A_59] : memref<819200xi32, #tpu.memory_space<hbm>> -> memref<512xi32, #tpu.memory_space<hbm>>
    tpu.enqueue_dma source(%dma_start3A_65 : memref<512xi32, #tpu.memory_space<hbm>>) target(%dma_start3A_64 : memref<512xi32, #tpu.memory_space<vmem>>) target_semaphore(%arg10 : memref<!tpu.dma_semaphore, #tpu.memory_space<semaphore_mem>>)
    %add3A_66 = arith.constant 131072 : i32
    %add3A_67 = arith.addi %add3A_66, %mul3A_2 : i32
    %dma_start3A_68 = arith.constant 4096 : i32
    %dma_start3A_69 = tpu.memref_slice %arg5[%dma_start3A_68] : memref<25600xi32, #tpu.memory_space<vmem>> -> memref<512xi32, #tpu.memory_space<vmem>>
    %dma_start3A_70 = tpu.memref_slice %arg2[%add3A_67] : memref<819200xi32, #tpu.memory_space<hbm>> -> memref<512xi32, #tpu.memory_space<hbm>>
    %dma_start3A_71 = arith.constant 4096 : i32
    %dma_start3A_72 = tpu.memref_slice %arg5[%dma_start3A_71] : memref<25600xi32, #tpu.memory_space<vmem>> -> memref<512xi32, #tpu.memory_space<vmem>>
    %dma_start3A_73 = tpu.memref_slice %arg2[%add3A_67] : memref<819200xi32, #tpu.memory_space<hbm>> -> memref<512xi32, #tpu.memory_space<hbm>>
    tpu.enqueue_dma source(%dma_start3A_73 : memref<512xi32, #tpu.memory_space<hbm>>) target(%dma_start3A_72 : memref<512xi32, #tpu.memory_space<vmem>>) target_semaphore(%arg10 : memref<!tpu.dma_semaphore, #tpu.memory_space<semaphore_mem>>)
    %add3A_74 = arith.constant 147456 : i32
    %add3A_75 = arith.addi %add3A_74, %mul3A_2 : i32
    %dma_start3A_76 = arith.constant 4608 : i32
    %dma_start3A_77 = tpu.memref_slice %arg5[%dma_start3A_76] : memref<25600xi32, #tpu.memory_space<vmem>> -> memref<512xi32, #tpu.memory_space<vmem>>
    %dma_start3A_78 = tpu.memref_slice %arg2[%add3A_75] : memref<819200xi32, #tpu.memory_space<hbm>> -> memref<512xi32, #tpu.memory_space<hbm>>
    %dma_start3A_79 = arith.constant 4608 : i32
    %dma_start3A_80 = tpu.memref_slice %arg5[%dma_start3A_79] : memref<25600xi32, #tpu.memory_space<vmem>> -> memref<512xi32, #tpu.memory_space<vmem>>
    %dma_start3A_81 = tpu.memref_slice %arg2[%add3A_75] : memref<819200xi32, #tpu.memory_space<hbm>> -> memref<512xi32, #tpu.memory_space<hbm>>
    tpu.enqueue_dma source(%dma_start3A_81 : memref<512xi32, #tpu.memory_space<hbm>>) target(%dma_start3A_80 : memref<512xi32, #tpu.memory_space<vmem>>) target_semaphore(%arg10 : memref<!tpu.dma_semaphore, #tpu.memory_space<semaphore_mem>>)
    %add3A_82 = arith.constant 163840 : i32
    %add3A_83 = arith.addi %add3A_82, %mul3A_2 : i32
    %dma_start3A_84 = arith.constant 5120 : i32
    %dma_start3A_85 = tpu.memref_slice %arg5[%dma_start3A_84] : memref<25600xi32, #tpu.memory_space<vmem>> -> memref<512xi32, #tpu.memory_space<vmem>>
    %dma_start3A_86 = tpu.memref_slice %arg2[%add3A_83] : memref<819200xi32, #tpu.memory_space<hbm>> -> memref<512xi32, #tpu.memory_space<hbm>>
    %dma_start3A_87 = arith.constant 5120 : i32
    %dma_start3A_88 = tpu.memref_slice %arg5[%dma_start3A_87] : memref<25600xi32, #tpu.memory_space<vmem>> -> memref<512xi32, #tpu.memory_space<vmem>>
    %dma_start3A_89 = tpu.memref_slice %arg2[%add3A_83] : memref<819200xi32, #tpu.memory_space<hbm>> -> memref<512xi32, #tpu.memory_space<hbm>>
    tpu.enqueue_dma source(%dma_start3A_89 : memref<512xi32, #tpu.memory_space<hbm>>) target(%dma_start3A_88 : memref<512xi32, #tpu.memory_space<vmem>>) target_semaphore(%arg10 : memref<!tpu.dma_semaphore, #tpu.memory_space<semaphore_mem>>)
    %add3A_90 = arith.constant 180224 : i32
    %add3A_91 = arith.addi %add3A_90, %mul3A_2 : i32
    %dma_start3A_92 = arith.constant 5632 : i32
    %dma_start3A_93 = tpu.memref_slice %arg5[%dma_start3A_92] : memref<25600xi32, #tpu.memory_space<vmem>> -> memref<512xi32, #tpu.memory_space<vmem>>
    %dma_start3A_94 = tpu.memref_slice %arg2[%add3A_91] : memref<819200xi32, #tpu.memory_space<hbm>> -> memref<512xi32, #tpu.memory_space<hbm>>
    %dma_start3A_95 = arith.constant 5632 : i32
    %dma_start3A_96 = tpu.memref_slice %arg5[%dma_start3A_95] : memref<25600xi32, #tpu.memory_space<vmem>> -> memref<512xi32, #tpu.memory_space<vmem>>
    %dma_start3A_97 = tpu.memref_slice %arg2[%add3A_91] : memref<819200xi32, #tpu.memory_space<hbm>> -> memref<512xi32, #tpu.memory_space<hbm>>
    tpu.enqueue_dma source(%dma_start3A_97 : memref<512xi32, #tpu.memory_space<hbm>>) target(%dma_start3A_96 : memref<512xi32, #tpu.memory_space<vmem>>) target_semaphore(%arg10 : memref<!tpu.dma_semaphore, #tpu.memory_space<semaphore_mem>>)
    %add3A_98 = arith.constant 196608 : i32
    %add3A_99 = arith.addi %add3A_98, %mul3A_2 : i32
    %dma_start3A_100 = arith.constant 6144 : i32
    %dma_start3A_101 = tpu.memref_slice %arg5[%dma_start3A_100] : memref<25600xi32, #tpu.memory_space<vmem>> -> memref<512xi32, #tpu.memory_space<vmem>>
    %dma_start3A_102 = tpu.memref_slice %arg2[%add3A_99] : memref<819200xi32, #tpu.memory_space<hbm>> -> memref<512xi32, #tpu.memory_space<hbm>>
    %dma_start3A_103 = arith.constant 6144 : i32
    %dma_start3A_104 = tpu.memref_slice %arg5[%dma_start3A_103] : memref<25600xi32, #tpu.memory_space<vmem>> -> memref<512xi32, #tpu.memory_space<vmem>>
    %dma_start3A_105 = tpu.memref_slice %arg2[%add3A_99] : memref<819200xi32, #tpu.memory_space<hbm>> -> memref<512xi32, #tpu.memory_space<hbm>>
    tpu.enqueue_dma source(%dma_start3A_105 : memref<512xi32, #tpu.memory_space<hbm>>) target(%dma_start3A_104 : memref<512xi32, #tpu.memory_space<vmem>>) target_semaphore(%arg10 : memref<!tpu.dma_semaphore, #tpu.memory_space<semaphore_mem>>)
    %add3A_106 = arith.constant 212992 : i32
    %add3A_107 = arith.addi %add3A_106, %mul3A_2 : i32
    %dma_start3A_108 = arith.constant 6656 : i32
    %dma_start3A_109 = tpu.memref_slice %arg5[%dma_start3A_108] : memref<25600xi32, #tpu.memory_space<vmem>> -> memref<512xi32, #tpu.memory_space<vmem>>
    %dma_start3A_110 = tpu.memref_slice %arg2[%add3A_107] : memref<819200xi32, #tpu.memory_space<hbm>> -> memref<512xi32, #tpu.memory_space<hbm>>
    %dma_start3A_111 = arith.constant 6656 : i32
    %dma_start3A_112 = tpu.memref_slice %arg5[%dma_start3A_111] : memref<25600xi32, #tpu.memory_space<vmem>> -> memref<512xi32, #tpu.memory_space<vmem>>
    %dma_start3A_113 = tpu.memref_slice %arg2[%add3A_107] : memref<819200xi32, #tpu.memory_space<hbm>> -> memref<512xi32, #tpu.memory_space<hbm>>
    tpu.enqueue_dma source(%dma_start3A_113 : memref<512xi32, #tpu.memory_space<hbm>>) target(%dma_start3A_112 : memref<512xi32, #tpu.memory_space<vmem>>) target_semaphore(%arg10 : memref<!tpu.dma_semaphore, #tpu.memory_space<semaphore_mem>>)
    %add3A_114 = arith.constant 229376 : i32
    %add3A_115 = arith.addi %add3A_114, %mul3A_2 : i32
    %dma_start3A_116 = arith.constant 7168 : i32
    %dma_start3A_117 = tpu.memref_slice %arg5[%dma_start3A_116] : memref<25600xi32, #tpu.memory_space<vmem>> -> memref<512xi32, #tpu.memory_space<vmem>>
    %dma_start3A_118 = tpu.memref_slice %arg2[%add3A_115] : memref<819200xi32, #tpu.memory_space<hbm>> -> memref<512xi32, #tpu.memory_space<hbm>>
    %dma_start3A_119 = arith.constant 7168 : i32
    %dma_start3A_120 = tpu.memref_slice %arg5[%dma_start3A_119] : memref<25600xi32, #tpu.memory_space<vmem>> -> memref<512xi32, #tpu.memory_space<vmem>>
    %dma_start3A_121 = tpu.memref_slice %arg2[%add3A_115] : memref<819200xi32, #tpu.memory_space<hbm>> -> memref<512xi32, #tpu.memory_space<hbm>>
    tpu.enqueue_dma source(%dma_start3A_121 : memref<512xi32, #tpu.memory_space<hbm>>) target(%dma_start3A_120 : memref<512xi32, #tpu.memory_space<vmem>>) target_semaphore(%arg10 : memref<!tpu.dma_semaphore, #tpu.memory_space<semaphore_mem>>)
    %add3A_122 = arith.constant 245760 : i32
    %add3A_123 = arith.addi %add3A_122, %mul3A_2 : i32
    %dma_start3A_124 = arith.constant 7680 : i32
    %dma_start3A_125 = tpu.memref_slice %arg5[%dma_start3A_124] : memref<25600xi32, #tpu.memory_space<vmem>> -> memref<512xi32, #tpu.memory_space<vmem>>
    %dma_start3A_126 = tpu.memref_slice %arg2[%add3A_123] : memref<819200xi32, #tpu.memory_space<hbm>> -> memref<512xi32, #tpu.memory_space<hbm>>
    %dma_start3A_127 = arith.constant 7680 : i32
    %dma_start3A_128 = tpu.memref_slice %arg5[%dma_start3A_127] : memref<25600xi32, #tpu.memory_space<vmem>> -> memref<512xi32, #tpu.memory_space<vmem>>
    %dma_start3A_129 = tpu.memref_slice %arg2[%add3A_123] : memref<819200xi32, #tpu.memory_space<hbm>> -> memref<512xi32, #tpu.memory_space<hbm>>
    tpu.enqueue_dma source(%dma_start3A_129 : memref<512xi32, #tpu.memory_space<hbm>>) target(%dma_start3A_128 : memref<512xi32, #tpu.memory_space<vmem>>) target_semaphore(%arg10 : memref<!tpu.dma_semaphore, #tpu.memory_space<semaphore_mem>>)
    %add3A_130 = arith.constant 262144 : i32
    %add3A_131 = arith.addi %add3A_130, %mul3A_2 : i32
    %dma_start3A_132 = arith.constant 8192 : i32
    %dma_start3A_133 = tpu.memref_slice %arg5[%dma_start3A_132] : memref<25600xi32, #tpu.memory_space<vmem>> -> memref<512xi32, #tpu.memory_space<vmem>>
    %dma_start3A_134 = tpu.memref_slice %arg2[%add3A_131] : memref<819200xi32, #tpu.memory_space<hbm>> -> memref<512xi32, #tpu.memory_space<hbm>>
    %dma_start3A_135 = arith.constant 8192 : i32
    %dma_start3A_136 = tpu.memref_slice %arg5[%dma_start3A_135] : memref<25600xi32, #tpu.memory_space<vmem>> -> memref<512xi32, #tpu.memory_space<vmem>>
    %dma_start3A_137 = tpu.memref_slice %arg2[%add3A_131] : memref<819200xi32, #tpu.memory_space<hbm>> -> memref<512xi32, #tpu.memory_space<hbm>>
    tpu.enqueue_dma source(%dma_start3A_137 : memref<512xi32, #tpu.memory_space<hbm>>) target(%dma_start3A_136 : memref<512xi32, #tpu.memory_space<vmem>>) target_semaphore(%arg10 : memref<!tpu.dma_semaphore, #tpu.memory_space<semaphore_mem>>)
    %add3A_138 = arith.constant 278528 : i32
    %add3A_139 = arith.addi %add3A_138, %mul3A_2 : i32
    %dma_start3A_140 = arith.constant 8704 : i32
    %dma_start3A_141 = tpu.memref_slice %arg5[%dma_start3A_140] : memref<25600xi32, #tpu.memory_space<vmem>> -> memref<512xi32, #tpu.memory_space<vmem>>
    %dma_start3A_142 = tpu.memref_slice %arg2[%add3A_139] : memref<819200xi32, #tpu.memory_space<hbm>> -> memref<512xi32, #tpu.memory_space<hbm>>
    %dma_start3A_143 = arith.constant 8704 : i32
    %dma_start3A_144 = tpu.memref_slice %arg5[%dma_start3A_143] : memref<25600xi32, #tpu.memory_space<vmem>> -> memref<512xi32, #tpu.memory_space<vmem>>
    %dma_start3A_145 = tpu.memref_slice %arg2[%add3A_139] : memref<819200xi32, #tpu.memory_space<hbm>> -> memref<512xi32, #tpu.memory_space<hbm>>
    tpu.enqueue_dma source(%dma_start3A_145 : memref<512xi32, #tpu.memory_space<hbm>>) target(%dma_start3A_144 : memref<512xi32, #tpu.memory_space<vmem>>) target_semaphore(%arg10 : memref<!tpu.dma_semaphore, #tpu.memory_space<semaphore_mem>>)
    %add3A_146 = arith.constant 294912 : i32
    %add3A_147 = arith.addi %add3A_146, %mul3A_2 : i32
    %dma_start3A_148 = arith.constant 9216 : i32
    %dma_start3A_149 = tpu.memref_slice %arg5[%dma_start3A_148] : memref<25600xi32, #tpu.memory_space<vmem>> -> memref<512xi32, #tpu.memory_space<vmem>>
    %dma_start3A_150 = tpu.memref_slice %arg2[%add3A_147] : memref<819200xi32, #tpu.memory_space<hbm>> -> memref<512xi32, #tpu.memory_space<hbm>>
    %dma_start3A_151 = arith.constant 9216 : i32
    %dma_start3A_152 = tpu.memref_slice %arg5[%dma_start3A_151] : memref<25600xi32, #tpu.memory_space<vmem>> -> memref<512xi32, #tpu.memory_space<vmem>>
    %dma_start3A_153 = tpu.memref_slice %arg2[%add3A_147] : memref<819200xi32, #tpu.memory_space<hbm>> -> memref<512xi32, #tpu.memory_space<hbm>>
    tpu.enqueue_dma source(%dma_start3A_153 : memref<512xi32, #tpu.memory_space<hbm>>) target(%dma_start3A_152 : memref<512xi32, #tpu.memory_space<vmem>>) target_semaphore(%arg10 : memref<!tpu.dma_semaphore, #tpu.memory_space<semaphore_mem>>)
    %add3A_154 = arith.constant 311296 : i32
    %add3A_155 = arith.addi %add3A_154, %mul3A_2 : i32
    %dma_start3A_156 = arith.constant 9728 : i32
    %dma_start3A_157 = tpu.memref_slice %arg5[%dma_start3A_156] : memref<25600xi32, #tpu.memory_space<vmem>> -> memref<512xi32, #tpu.memory_space<vmem>>
    %dma_start3A_158 = tpu.memref_slice %arg2[%add3A_155] : memref<819200xi32, #tpu.memory_space<hbm>> -> memref<512xi32, #tpu.memory_space<hbm>>
    %dma_start3A_159 = arith.constant 9728 : i32
    %dma_start3A_160 = tpu.memref_slice %arg5[%dma_start3A_159] : memref<25600xi32, #tpu.memory_space<vmem>> -> memref<512xi32, #tpu.memory_space<vmem>>
    %dma_start3A_161 = tpu.memref_slice %arg2[%add3A_155] : memref<819200xi32, #tpu.memory_space<hbm>> -> memref<512xi32, #tpu.memory_space<hbm>>
    tpu.enqueue_dma source(%dma_start3A_161 : memref<512xi32, #tpu.memory_space<hbm>>) target(%dma_start3A_160 : memref<512xi32, #tpu.memory_space<vmem>>) target_semaphore(%arg10 : memref<!tpu.dma_semaphore, #tpu.memory_space<semaphore_mem>>)
    %add3A_162 = arith.constant 327680 : i32
    %add3A_163 = arith.addi %add3A_162, %mul3A_2 : i32
    %dma_start3A_164 = arith.constant 10240 : i32
    %dma_start3A_165 = tpu.memref_slice %arg5[%dma_start3A_164] : memref<25600xi32, #tpu.memory_space<vmem>> -> memref<512xi32, #tpu.memory_space<vmem>>
    %dma_start3A_166 = tpu.memref_slice %arg2[%add3A_163] : memref<819200xi32, #tpu.memory_space<hbm>> -> memref<512xi32, #tpu.memory_space<hbm>>
    %dma_start3A_167 = arith.constant 10240 : i32
    %dma_start3A_168 = tpu.memref_slice %arg5[%dma_start3A_167] : memref<25600xi32, #tpu.memory_space<vmem>> -> memref<512xi32, #tpu.memory_space<vmem>>
    %dma_start3A_169 = tpu.memref_slice %arg2[%add3A_163] : memref<819200xi32, #tpu.memory_space<hbm>> -> memref<512xi32, #tpu.memory_space<hbm>>
    tpu.enqueue_dma source(%dma_start3A_169 : memref<512xi32, #tpu.memory_space<hbm>>) target(%dma_start3A_168 : memref<512xi32, #tpu.memory_space<vmem>>) target_semaphore(%arg10 : memref<!tpu.dma_semaphore, #tpu.memory_space<semaphore_mem>>)
    %add3A_170 = arith.constant 344064 : i32
    %add3A_171 = arith.addi %add3A_170, %mul3A_2 : i32
    %dma_start3A_172 = arith.constant 10752 : i32
    %dma_start3A_173 = tpu.memref_slice %arg5[%dma_start3A_172] : memref<25600xi32, #tpu.memory_space<vmem>> -> memref<512xi32, #tpu.memory_space<vmem>>
    %dma_start3A_174 = tpu.memref_slice %arg2[%add3A_171] : memref<819200xi32, #tpu.memory_space<hbm>> -> memref<512xi32, #tpu.memory_space<hbm>>
    %dma_start3A_175 = arith.constant 10752 : i32
    %dma_start3A_176 = tpu.memref_slice %arg5[%dma_start3A_175] : memref<25600xi32, #tpu.memory_space<vmem>> -> memref<512xi32, #tpu.memory_space<vmem>>
    %dma_start3A_177 = tpu.memref_slice %arg2[%add3A_171] : memref<819200xi32, #tpu.memory_space<hbm>> -> memref<512xi32, #tpu.memory_space<hbm>>
    tpu.enqueue_dma source(%dma_start3A_177 : memref<512xi32, #tpu.memory_space<hbm>>) target(%dma_start3A_176 : memref<512xi32, #tpu.memory_space<vmem>>) target_semaphore(%arg10 : memref<!tpu.dma_semaphore, #tpu.memory_space<semaphore_mem>>)
    %add3A_178 = arith.constant 360448 : i32
    %add3A_179 = arith.addi %add3A_178, %mul3A_2 : i32
    %dma_start3A_180 = arith.constant 11264 : i32
    %dma_start3A_181 = tpu.memref_slice %arg5[%dma_start3A_180] : memref<25600xi32, #tpu.memory_space<vmem>> -> memref<512xi32, #tpu.memory_space<vmem>>
    %dma_start3A_182 = tpu.memref_slice %arg2[%add3A_179] : memref<819200xi32, #tpu.memory_space<hbm>> -> memref<512xi32, #tpu.memory_space<hbm>>
    %dma_start3A_183 = arith.constant 11264 : i32
    %dma_start3A_184 = tpu.memref_slice %arg5[%dma_start3A_183] : memref<25600xi32, #tpu.memory_space<vmem>> -> memref<512xi32, #tpu.memory_space<vmem>>
    %dma_start3A_185 = tpu.memref_slice %arg2[%add3A_179] : memref<819200xi32, #tpu.memory_space<hbm>> -> memref<512xi32, #tpu.memory_space<hbm>>
    tpu.enqueue_dma source(%dma_start3A_185 : memref<512xi32, #tpu.memory_space<hbm>>) target(%dma_start3A_184 : memref<512xi32, #tpu.memory_space<vmem>>) target_semaphore(%arg10 : memref<!tpu.dma_semaphore, #tpu.memory_space<semaphore_mem>>)
    %add3A_186 = arith.constant 376832 : i32
    %add3A_187 = arith.addi %add3A_186, %mul3A_2 : i32
    %dma_start3A_188 = arith.constant 11776 : i32
    %dma_start3A_189 = tpu.memref_slice %arg5[%dma_start3A_188] : memref<25600xi32, #tpu.memory_space<vmem>> -> memref<512xi32, #tpu.memory_space<vmem>>
    %dma_start3A_190 = tpu.memref_slice %arg2[%add3A_187] : memref<819200xi32, #tpu.memory_space<hbm>> -> memref<512xi32, #tpu.memory_space<hbm>>
    %dma_start3A_191 = arith.constant 11776 : i32
    %dma_start3A_192 = tpu.memref_slice %arg5[%dma_start3A_191] : memref<25600xi32, #tpu.memory_space<vmem>> -> memref<512xi32, #tpu.memory_space<vmem>>
    %dma_start3A_193 = tpu.memref_slice %arg2[%add3A_187] : memref<819200xi32, #tpu.memory_space<hbm>> -> memref<512xi32, #tpu.memory_space<hbm>>
    tpu.enqueue_dma source(%dma_start3A_193 : memref<512xi32, #tpu.memory_space<hbm>>) target(%dma_start3A_192 : memref<512xi32, #tpu.memory_space<vmem>>) target_semaphore(%arg10 : memref<!tpu.dma_semaphore, #tpu.memory_space<semaphore_mem>>)
    %add3A_194 = arith.constant 393216 : i32
    %add3A_195 = arith.addi %add3A_194, %mul3A_2 : i32
    %dma_start3A_196 = arith.constant 12288 : i32
    %dma_start3A_197 = tpu.memref_slice %arg5[%dma_start3A_196] : memref<25600xi32, #tpu.memory_space<vmem>> -> memref<512xi32, #tpu.memory_space<vmem>>
    %dma_start3A_198 = tpu.memref_slice %arg2[%add3A_195] : memref<819200xi32, #tpu.memory_space<hbm>> -> memref<512xi32, #tpu.memory_space<hbm>>
    %dma_start3A_199 = arith.constant 12288 : i32
    %dma_start3A_200 = tpu.memref_slice %arg5[%dma_start3A_199] : memref<25600xi32, #tpu.memory_space<vmem>> -> memref<512xi32, #tpu.memory_space<vmem>>
    %dma_start3A_201 = tpu.memref_slice %arg2[%add3A_195] : memref<819200xi32, #tpu.memory_space<hbm>> -> memref<512xi32, #tpu.memory_space<hbm>>
    tpu.enqueue_dma source(%dma_start3A_201 : memref<512xi32, #tpu.memory_space<hbm>>) target(%dma_start3A_200 : memref<512xi32, #tpu.memory_space<vmem>>) target_semaphore(%arg10 : memref<!tpu.dma_semaphore, #tpu.memory_space<semaphore_mem>>)
    %add3A_202 = arith.constant 409600 : i32
    %add3A_203 = arith.addi %add3A_202, %mul3A_2 : i32
    %dma_start3A_204 = arith.constant 12800 : i32
    %dma_start3A_205 = tpu.memref_slice %arg5[%dma_start3A_204] : memref<25600xi32, #tpu.memory_space<vmem>> -> memref<512xi32, #tpu.memory_space<vmem>>
    %dma_start3A_206 = tpu.memref_slice %arg2[%add3A_203] : memref<819200xi32, #tpu.memory_space<hbm>> -> memref<512xi32, #tpu.memory_space<hbm>>
    %dma_start3A_207 = arith.constant 12800 : i32
    %dma_start3A_208 = tpu.memref_slice %arg5[%dma_start3A_207] : memref<25600xi32, #tpu.memory_space<vmem>> -> memref<512xi32, #tpu.memory_space<vmem>>
    %dma_start3A_209 = tpu.memref_slice %arg2[%add3A_203] : memref<819200xi32, #tpu.memory_space<hbm>> -> memref<512xi32, #tpu.memory_space<hbm>>
    tpu.enqueue_dma source(%dma_start3A_209 : memref<512xi32, #tpu.memory_space<hbm>>) target(%dma_start3A_208 : memref<512xi32, #tpu.memory_space<vmem>>) target_semaphore(%arg10 : memref<!tpu.dma_semaphore, #tpu.memory_space<semaphore_mem>>)
    %add3A_210 = arith.constant 425984 : i32
    %add3A_211 = arith.addi %add3A_210, %mul3A_2 : i32
    %dma_start3A_212 = arith.constant 13312 : i32
    %dma_start3A_213 = tpu.memref_slice %arg5[%dma_start3A_212] : memref<25600xi32, #tpu.memory_space<vmem>> -> memref<512xi32, #tpu.memory_space<vmem>>
    %dma_start3A_214 = tpu.memref_slice %arg2[%add3A_211] : memref<819200xi32, #tpu.memory_space<hbm>> -> memref<512xi32, #tpu.memory_space<hbm>>
    %dma_start3A_215 = arith.constant 13312 : i32
    %dma_start3A_216 = tpu.memref_slice %arg5[%dma_start3A_215] : memref<25600xi32, #tpu.memory_space<vmem>> -> memref<512xi32, #tpu.memory_space<vmem>>
    %dma_start3A_217 = tpu.memref_slice %arg2[%add3A_211] : memref<819200xi32, #tpu.memory_space<hbm>> -> memref<512xi32, #tpu.memory_space<hbm>>
    tpu.enqueue_dma source(%dma_start3A_217 : memref<512xi32, #tpu.memory_space<hbm>>) target(%dma_start3A_216 : memref<512xi32, #tpu.memory_space<vmem>>) target_semaphore(%arg10 : memref<!tpu.dma_semaphore, #tpu.memory_space<semaphore_mem>>)
    %add3A_218 = arith.constant 442368 : i32
    %add3A_219 = arith.addi %add3A_218, %mul3A_2 : i32
    %dma_start3A_220 = arith.constant 13824 : i32
    %dma_start3A_221 = tpu.memref_slice %arg5[%dma_start3A_220] : memref<25600xi32, #tpu.memory_space<vmem>> -> memref<512xi32, #tpu.memory_space<vmem>>
    %dma_start3A_222 = tpu.memref_slice %arg2[%add3A_219] : memref<819200xi32, #tpu.memory_space<hbm>> -> memref<512xi32, #tpu.memory_space<hbm>>
    %dma_start3A_223 = arith.constant 13824 : i32
    %dma_start3A_224 = tpu.memref_slice %arg5[%dma_start3A_223] : memref<25600xi32, #tpu.memory_space<vmem>> -> memref<512xi32, #tpu.memory_space<vmem>>
    %dma_start3A_225 = tpu.memref_slice %arg2[%add3A_219] : memref<819200xi32, #tpu.memory_space<hbm>> -> memref<512xi32, #tpu.memory_space<hbm>>
    tpu.enqueue_dma source(%dma_start3A_225 : memref<512xi32, #tpu.memory_space<hbm>>) target(%dma_start3A_224 : memref<512xi32, #tpu.memory_space<vmem>>) target_semaphore(%arg10 : memref<!tpu.dma_semaphore, #tpu.memory_space<semaphore_mem>>)
    %add3A_226 = arith.constant 458752 : i32
    %add3A_227 = arith.addi %add3A_226, %mul3A_2 : i32
    %dma_start3A_228 = arith.constant 14336 : i32
    %dma_start3A_229 = tpu.memref_slice %arg5[%dma_start3A_228] : memref<25600xi32, #tpu.memory_space<vmem>> -> memref<512xi32, #tpu.memory_space<vmem>>
    %dma_start3A_230 = tpu.memref_slice %arg2[%add3A_227] : memref<819200xi32, #tpu.memory_space<hbm>> -> memref<512xi32, #tpu.memory_space<hbm>>
    %dma_start3A_231 = arith.constant 14336 : i32
    %dma_start3A_232 = tpu.memref_slice %arg5[%dma_start3A_231] : memref<25600xi32, #tpu.memory_space<vmem>> -> memref<512xi32, #tpu.memory_space<vmem>>
    %dma_start3A_233 = tpu.memref_slice %arg2[%add3A_227] : memref<819200xi32, #tpu.memory_space<hbm>> -> memref<512xi32, #tpu.memory_space<hbm>>
    tpu.enqueue_dma source(%dma_start3A_233 : memref<512xi32, #tpu.memory_space<hbm>>) target(%dma_start3A_232 : memref<512xi32, #tpu.memory_space<vmem>>) target_semaphore(%arg10 : memref<!tpu.dma_semaphore, #tpu.memory_space<semaphore_mem>>)
    %add3A_234 = arith.constant 475136 : i32
    %add3A_235 = arith.addi %add3A_234, %mul3A_2 : i32
    %dma_start3A_236 = arith.constant 14848 : i32
    %dma_start3A_237 = tpu.memref_slice %arg5[%dma_start3A_236] : memref<25600xi32, #tpu.memory_space<vmem>> -> memref<512xi32, #tpu.memory_space<vmem>>
    %dma_start3A_238 = tpu.memref_slice %arg2[%add3A_235] : memref<819200xi32, #tpu.memory_space<hbm>> -> memref<512xi32, #tpu.memory_space<hbm>>
    %dma_start3A_239 = arith.constant 14848 : i32
    %dma_start3A_240 = tpu.memref_slice %arg5[%dma_start3A_239] : memref<25600xi32, #tpu.memory_space<vmem>> -> memref<512xi32, #tpu.memory_space<vmem>>
    %dma_start3A_241 = tpu.memref_slice %arg2[%add3A_235] : memref<819200xi32, #tpu.memory_space<hbm>> -> memref<512xi32, #tpu.memory_space<hbm>>
    tpu.enqueue_dma source(%dma_start3A_241 : memref<512xi32, #tpu.memory_space<hbm>>) target(%dma_start3A_240 : memref<512xi32, #tpu.memory_space<vmem>>) target_semaphore(%arg10 : memref<!tpu.dma_semaphore, #tpu.memory_space<semaphore_mem>>)
    %add3A_242 = arith.constant 491520 : i32
    %add3A_243 = arith.addi %add3A_242, %mul3A_2 : i32
    %dma_start3A_244 = arith.constant 15360 : i32
    %dma_start3A_245 = tpu.memref_slice %arg5[%dma_start3A_244] : memref<25600xi32, #tpu.memory_space<vmem>> -> memref<512xi32, #tpu.memory_space<vmem>>
    %dma_start3A_246 = tpu.memref_slice %arg2[%add3A_243] : memref<819200xi32, #tpu.memory_space<hbm>> -> memref<512xi32, #tpu.memory_space<hbm>>
    %dma_start3A_247 = arith.constant 15360 : i32
    %dma_start3A_248 = tpu.memref_slice %arg5[%dma_start3A_247] : memref<25600xi32, #tpu.memory_space<vmem>> -> memref<512xi32, #tpu.memory_space<vmem>>
    %dma_start3A_249 = tpu.memref_slice %arg2[%add3A_243] : memref<819200xi32, #tpu.memory_space<hbm>> -> memref<512xi32, #tpu.memory_space<hbm>>
    tpu.enqueue_dma source(%dma_start3A_249 : memref<512xi32, #tpu.memory_space<hbm>>) target(%dma_start3A_248 : memref<512xi32, #tpu.memory_space<vmem>>) target_semaphore(%arg10 : memref<!tpu.dma_semaphore, #tpu.memory_space<semaphore_mem>>)
    %add3A_250 = arith.constant 507904 : i32
    %add3A_251 = arith.addi %add3A_250, %mul3A_2 : i32
    %dma_start3A_252 = arith.constant 15872 : i32
    %dma_start3A_253 = tpu.memref_slice %arg5[%dma_start3A_252] : memref<25600xi32, #tpu.memory_space<vmem>> -> memref<512xi32, #tpu.memory_space<vmem>>
    %dma_start3A_254 = tpu.memref_slice %arg2[%add3A_251] : memref<819200xi32, #tpu.memory_space<hbm>> -> memref<512xi32, #tpu.memory_space<hbm>>
    %dma_start3A_255 = arith.constant 15872 : i32
    %dma_start3A_256 = tpu.memref_slice %arg5[%dma_start3A_255] : memref<25600xi32, #tpu.memory_space<vmem>> -> memref<512xi32, #tpu.memory_space<vmem>>
    %dma_start3A_257 = tpu.memref_slice %arg2[%add3A_251] : memref<819200xi32, #tpu.memory_space<hbm>> -> memref<512xi32, #tpu.memory_space<hbm>>
    tpu.enqueue_dma source(%dma_start3A_257 : memref<512xi32, #tpu.memory_space<hbm>>) target(%dma_start3A_256 : memref<512xi32, #tpu.memory_space<vmem>>) target_semaphore(%arg10 : memref<!tpu.dma_semaphore, #tpu.memory_space<semaphore_mem>>)
    %add3A_258 = arith.constant 524288 : i32
    %add3A_259 = arith.addi %add3A_258, %mul3A_2 : i32
    %dma_start3A_260 = arith.constant 16384 : i32
    %dma_start3A_261 = tpu.memref_slice %arg5[%dma_start3A_260] : memref<25600xi32, #tpu.memory_space<vmem>> -> memref<512xi32, #tpu.memory_space<vmem>>
    %dma_start3A_262 = tpu.memref_slice %arg2[%add3A_259] : memref<819200xi32, #tpu.memory_space<hbm>> -> memref<512xi32, #tpu.memory_space<hbm>>
    %dma_start3A_263 = arith.constant 16384 : i32
    %dma_start3A_264 = tpu.memref_slice %arg5[%dma_start3A_263] : memref<25600xi32, #tpu.memory_space<vmem>> -> memref<512xi32, #tpu.memory_space<vmem>>
    %dma_start3A_265 = tpu.memref_slice %arg2[%add3A_259] : memref<819200xi32, #tpu.memory_space<hbm>> -> memref<512xi32, #tpu.memory_space<hbm>>
    tpu.enqueue_dma source(%dma_start3A_265 : memref<512xi32, #tpu.memory_space<hbm>>) target(%dma_start3A_264 : memref<512xi32, #tpu.memory_space<vmem>>) target_semaphore(%arg10 : memref<!tpu.dma_semaphore, #tpu.memory_space<semaphore_mem>>)
    %add3A_266 = arith.constant 540672 : i32
    %add3A_267 = arith.addi %add3A_266, %mul3A_2 : i32
    %dma_start3A_268 = arith.constant 16896 : i32
    %dma_start3A_269 = tpu.memref_slice %arg5[%dma_start3A_268] : memref<25600xi32, #tpu.memory_space<vmem>> -> memref<512xi32, #tpu.memory_space<vmem>>
    %dma_start3A_270 = tpu.memref_slice %arg2[%add3A_267] : memref<819200xi32, #tpu.memory_space<hbm>> -> memref<512xi32, #tpu.memory_space<hbm>>
    %dma_start3A_271 = arith.constant 16896 : i32
    %dma_start3A_272 = tpu.memref_slice %arg5[%dma_start3A_271] : memref<25600xi32, #tpu.memory_space<vmem>> -> memref<512xi32, #tpu.memory_space<vmem>>
    %dma_start3A_273 = tpu.memref_slice %arg2[%add3A_267] : memref<819200xi32, #tpu.memory_space<hbm>> -> memref<512xi32, #tpu.memory_space<hbm>>
    tpu.enqueue_dma source(%dma_start3A_273 : memref<512xi32, #tpu.memory_space<hbm>>) target(%dma_start3A_272 : memref<512xi32, #tpu.memory_space<vmem>>) target_semaphore(%arg10 : memref<!tpu.dma_semaphore, #tpu.memory_space<semaphore_mem>>)
    %add3A_274 = arith.constant 557056 : i32
    %add3A_275 = arith.addi %add3A_274, %mul3A_2 : i32
    %dma_start3A_276 = arith.constant 17408 : i32
    %dma_start3A_277 = tpu.memref_slice %arg5[%dma_start3A_276] : memref<25600xi32, #tpu.memory_space<vmem>> -> memref<512xi32, #tpu.memory_space<vmem>>
    %dma_start3A_278 = tpu.memref_slice %arg2[%add3A_275] : memref<819200xi32, #tpu.memory_space<hbm>> -> memref<512xi32, #tpu.memory_space<hbm>>
    %dma_start3A_279 = arith.constant 17408 : i32
    %dma_start3A_280 = tpu.memref_slice %arg5[%dma_start3A_279] : memref<25600xi32, #tpu.memory_space<vmem>> -> memref<512xi32, #tpu.memory_space<vmem>>
    %dma_start3A_281 = tpu.memref_slice %arg2[%add3A_275] : memref<819200xi32, #tpu.memory_space<hbm>> -> memref<512xi32, #tpu.memory_space<hbm>>
    tpu.enqueue_dma source(%dma_start3A_281 : memref<512xi32, #tpu.memory_space<hbm>>) target(%dma_start3A_280 : memref<512xi32, #tpu.memory_space<vmem>>) target_semaphore(%arg10 : memref<!tpu.dma_semaphore, #tpu.memory_space<semaphore_mem>>)
    %add3A_282 = arith.constant 573440 : i32
    %add3A_283 = arith.addi %add3A_282, %mul3A_2 : i32
    %dma_start3A_284 = arith.constant 17920 : i32
    %dma_start3A_285 = tpu.memref_slice %arg5[%dma_start3A_284] : memref<25600xi32, #tpu.memory_space<vmem>> -> memref<512xi32, #tpu.memory_space<vmem>>
    %dma_start3A_286 = tpu.memref_slice %arg2[%add3A_283] : memref<819200xi32, #tpu.memory_space<hbm>> -> memref<512xi32, #tpu.memory_space<hbm>>
    %dma_start3A_287 = arith.constant 17920 : i32
    %dma_start3A_288 = tpu.memref_slice %arg5[%dma_start3A_287] : memref<25600xi32, #tpu.memory_space<vmem>> -> memref<512xi32, #tpu.memory_space<vmem>>
    %dma_start3A_289 = tpu.memref_slice %arg2[%add3A_283] : memref<819200xi32, #tpu.memory_space<hbm>> -> memref<512xi32, #tpu.memory_space<hbm>>
    tpu.enqueue_dma source(%dma_start3A_289 : memref<512xi32, #tpu.memory_space<hbm>>) target(%dma_start3A_288 : memref<512xi32, #tpu.memory_space<vmem>>) target_semaphore(%arg10 : memref<!tpu.dma_semaphore, #tpu.memory_space<semaphore_mem>>)
    %add3A_290 = arith.constant 589824 : i32
    %add3A_291 = arith.addi %add3A_290, %mul3A_2 : i32
    %dma_start3A_292 = arith.constant 18432 : i32
    %dma_start3A_293 = tpu.memref_slice %arg5[%dma_start3A_292] : memref<25600xi32, #tpu.memory_space<vmem>> -> memref<512xi32, #tpu.memory_space<vmem>>
    %dma_start3A_294 = tpu.memref_slice %arg2[%add3A_291] : memref<819200xi32, #tpu.memory_space<hbm>> -> memref<512xi32, #tpu.memory_space<hbm>>
    %dma_start3A_295 = arith.constant 18432 : i32
    %dma_start3A_296 = tpu.memref_slice %arg5[%dma_start3A_295] : memref<25600xi32, #tpu.memory_space<vmem>> -> memref<512xi32, #tpu.memory_space<vmem>>
    %dma_start3A_297 = tpu.memref_slice %arg2[%add3A_291] : memref<819200xi32, #tpu.memory_space<hbm>> -> memref<512xi32, #tpu.memory_space<hbm>>
    tpu.enqueue_dma source(%dma_start3A_297 : memref<512xi32, #tpu.memory_space<hbm>>) target(%dma_start3A_296 : memref<512xi32, #tpu.memory_space<vmem>>) target_semaphore(%arg10 : memref<!tpu.dma_semaphore, #tpu.memory_space<semaphore_mem>>)
    %add3A_298 = arith.constant 606208 : i32
    %add3A_299 = arith.addi %add3A_298, %mul3A_2 : i32
    %dma_start3A_300 = arith.constant 18944 : i32
    %dma_start3A_301 = tpu.memref_slice %arg5[%dma_start3A_300] : memref<25600xi32, #tpu.memory_space<vmem>> -> memref<512xi32, #tpu.memory_space<vmem>>
    %dma_start3A_302 = tpu.memref_slice %arg2[%add3A_299] : memref<819200xi32, #tpu.memory_space<hbm>> -> memref<512xi32, #tpu.memory_space<hbm>>
    %dma_start3A_303 = arith.constant 18944 : i32
    %dma_start3A_304 = tpu.memref_slice %arg5[%dma_start3A_303] : memref<25600xi32, #tpu.memory_space<vmem>> -> memref<512xi32, #tpu.memory_space<vmem>>
    %dma_start3A_305 = tpu.memref_slice %arg2[%add3A_299] : memref<819200xi32, #tpu.memory_space<hbm>> -> memref<512xi32, #tpu.memory_space<hbm>>
    tpu.enqueue_dma source(%dma_start3A_305 : memref<512xi32, #tpu.memory_space<hbm>>) target(%dma_start3A_304 : memref<512xi32, #tpu.memory_space<vmem>>) target_semaphore(%arg10 : memref<!tpu.dma_semaphore, #tpu.memory_space<semaphore_mem>>)
    %add3A_306 = arith.constant 622592 : i32
    %add3A_307 = arith.addi %add3A_306, %mul3A_2 : i32
    %dma_start3A_308 = arith.constant 19456 : i32
    %dma_start3A_309 = tpu.memref_slice %arg5[%dma_start3A_308] : memref<25600xi32, #tpu.memory_space<vmem>> -> memref<512xi32, #tpu.memory_space<vmem>>
    %dma_start3A_310 = tpu.memref_slice %arg2[%add3A_307] : memref<819200xi32, #tpu.memory_space<hbm>> -> memref<512xi32, #tpu.memory_space<hbm>>
    %dma_start3A_311 = arith.constant 19456 : i32
    %dma_start3A_312 = tpu.memref_slice %arg5[%dma_start3A_311] : memref<25600xi32, #tpu.memory_space<vmem>> -> memref<512xi32, #tpu.memory_space<vmem>>
    %dma_start3A_313 = tpu.memref_slice %arg2[%add3A_307] : memref<819200xi32, #tpu.memory_space<hbm>> -> memref<512xi32, #tpu.memory_space<hbm>>
    tpu.enqueue_dma source(%dma_start3A_313 : memref<512xi32, #tpu.memory_space<hbm>>) target(%dma_start3A_312 : memref<512xi32, #tpu.memory_space<vmem>>) target_semaphore(%arg10 : memref<!tpu.dma_semaphore, #tpu.memory_space<semaphore_mem>>)
    %add3A_314 = arith.constant 638976 : i32
    %add3A_315 = arith.addi %add3A_314, %mul3A_2 : i32
    %dma_start3A_316 = arith.constant 19968 : i32
    %dma_start3A_317 = tpu.memref_slice %arg5[%dma_start3A_316] : memref<25600xi32, #tpu.memory_space<vmem>> -> memref<512xi32, #tpu.memory_space<vmem>>
    %dma_start3A_318 = tpu.memref_slice %arg2[%add3A_315] : memref<819200xi32, #tpu.memory_space<hbm>> -> memref<512xi32, #tpu.memory_space<hbm>>
    %dma_start3A_319 = arith.constant 19968 : i32
    %dma_start3A_320 = tpu.memref_slice %arg5[%dma_start3A_319] : memref<25600xi32, #tpu.memory_space<vmem>> -> memref<512xi32, #tpu.memory_space<vmem>>
    %dma_start3A_321 = tpu.memref_slice %arg2[%add3A_315] : memref<819200xi32, #tpu.memory_space<hbm>> -> memref<512xi32, #tpu.memory_space<hbm>>
    tpu.enqueue_dma source(%dma_start3A_321 : memref<512xi32, #tpu.memory_space<hbm>>) target(%dma_start3A_320 : memref<512xi32, #tpu.memory_space<vmem>>) target_semaphore(%arg10 : memref<!tpu.dma_semaphore, #tpu.memory_space<semaphore_mem>>)
    %add3A_322 = arith.constant 655360 : i32
    %add3A_323 = arith.addi %add3A_322, %mul3A_2 : i32
    %dma_start3A_324 = arith.constant 20480 : i32
    %dma_start3A_325 = tpu.memref_slice %arg5[%dma_start3A_324] : memref<25600xi32, #tpu.memory_space<vmem>> -> memref<512xi32, #tpu.memory_space<vmem>>
    %dma_start3A_326 = tpu.memref_slice %arg2[%add3A_323] : memref<819200xi32, #tpu.memory_space<hbm>> -> memref<512xi32, #tpu.memory_space<hbm>>
    %dma_start3A_327 = arith.constant 20480 : i32
    %dma_start3A_328 = tpu.memref_slice %arg5[%dma_start3A_327] : memref<25600xi32, #tpu.memory_space<vmem>> -> memref<512xi32, #tpu.memory_space<vmem>>
    %dma_start3A_329 = tpu.memref_slice %arg2[%add3A_323] : memref<819200xi32, #tpu.memory_space<hbm>> -> memref<512xi32, #tpu.memory_space<hbm>>
    tpu.enqueue_dma source(%dma_start3A_329 : memref<512xi32, #tpu.memory_space<hbm>>) target(%dma_start3A_328 : memref<512xi32, #tpu.memory_space<vmem>>) target_semaphore(%arg10 : memref<!tpu.dma_semaphore, #tpu.memory_space<semaphore_mem>>)
    %add3A_330 = arith.constant 671744 : i32
    %add3A_331 = arith.addi %add3A_330, %mul3A_2 : i32
    %dma_start3A_332 = arith.constant 20992 : i32
    %dma_start3A_333 = tpu.memref_slice %arg5[%dma_start3A_332] : memref<25600xi32, #tpu.memory_space<vmem>> -> memref<512xi32, #tpu.memory_space<vmem>>
    %dma_start3A_334 = tpu.memref_slice %arg2[%add3A_331] : memref<819200xi32, #tpu.memory_space<hbm>> -> memref<512xi32, #tpu.memory_space<hbm>>
    %dma_start3A_335 = arith.constant 20992 : i32
    %dma_start3A_336 = tpu.memref_slice %arg5[%dma_start3A_335] : memref<25600xi32, #tpu.memory_space<vmem>> -> memref<512xi32, #tpu.memory_space<vmem>>
    %dma_start3A_337 = tpu.memref_slice %arg2[%add3A_331] : memref<819200xi32, #tpu.memory_space<hbm>> -> memref<512xi32, #tpu.memory_space<hbm>>
    tpu.enqueue_dma source(%dma_start3A_337 : memref<512xi32, #tpu.memory_space<hbm>>) target(%dma_start3A_336 : memref<512xi32, #tpu.memory_space<vmem>>) target_semaphore(%arg10 : memref<!tpu.dma_semaphore, #tpu.memory_space<semaphore_mem>>)
    %add3A_338 = arith.constant 688128 : i32
    %add3A_339 = arith.addi %add3A_338, %mul3A_2 : i32
    %dma_start3A_340 = arith.constant 21504 : i32
    %dma_start3A_341 = tpu.memref_slice %arg5[%dma_start3A_340] : memref<25600xi32, #tpu.memory_space<vmem>> -> memref<512xi32, #tpu.memory_space<vmem>>
    %dma_start3A_342 = tpu.memref_slice %arg2[%add3A_339] : memref<819200xi32, #tpu.memory_space<hbm>> -> memref<512xi32, #tpu.memory_space<hbm>>
    %dma_start3A_343 = arith.constant 21504 : i32
    %dma_start3A_344 = tpu.memref_slice %arg5[%dma_start3A_343] : memref<25600xi32, #tpu.memory_space<vmem>> -> memref<512xi32, #tpu.memory_space<vmem>>
    %dma_start3A_345 = tpu.memref_slice %arg2[%add3A_339] : memref<819200xi32, #tpu.memory_space<hbm>> -> memref<512xi32, #tpu.memory_space<hbm>>
    tpu.enqueue_dma source(%dma_start3A_345 : memref<512xi32, #tpu.memory_space<hbm>>) target(%dma_start3A_344 : memref<512xi32, #tpu.memory_space<vmem>>) target_semaphore(%arg10 : memref<!tpu.dma_semaphore, #tpu.memory_space<semaphore_mem>>)
    %add3A_346 = arith.constant 704512 : i32
    %add3A_347 = arith.addi %add3A_346, %mul3A_2 : i32
    %dma_start3A_348 = arith.constant 22016 : i32
    %dma_start3A_349 = tpu.memref_slice %arg5[%dma_start3A_348] : memref<25600xi32, #tpu.memory_space<vmem>> -> memref<512xi32, #tpu.memory_space<vmem>>
    %dma_start3A_350 = tpu.memref_slice %arg2[%add3A_347] : memref<819200xi32, #tpu.memory_space<hbm>> -> memref<512xi32, #tpu.memory_space<hbm>>
    %dma_start3A_351 = arith.constant 22016 : i32
    %dma_start3A_352 = tpu.memref_slice %arg5[%dma_start3A_351] : memref<25600xi32, #tpu.memory_space<vmem>> -> memref<512xi32, #tpu.memory_space<vmem>>
    %dma_start3A_353 = tpu.memref_slice %arg2[%add3A_347] : memref<819200xi32, #tpu.memory_space<hbm>> -> memref<512xi32, #tpu.memory_space<hbm>>
    tpu.enqueue_dma source(%dma_start3A_353 : memref<512xi32, #tpu.memory_space<hbm>>) target(%dma_start3A_352 : memref<512xi32, #tpu.memory_space<vmem>>) target_semaphore(%arg10 : memref<!tpu.dma_semaphore, #tpu.memory_space<semaphore_mem>>)
    %add3A_354 = arith.constant 720896 : i32
    %add3A_355 = arith.addi %add3A_354, %mul3A_2 : i32
    %dma_start3A_356 = arith.constant 22528 : i32
    %dma_start3A_357 = tpu.memref_slice %arg5[%dma_start3A_356] : memref<25600xi32, #tpu.memory_space<vmem>> -> memref<512xi32, #tpu.memory_space<vmem>>
    %dma_start3A_358 = tpu.memref_slice %arg2[%add3A_355] : memref<819200xi32, #tpu.memory_space<hbm>> -> memref<512xi32, #tpu.memory_space<hbm>>
    %dma_start3A_359 = arith.constant 22528 : i32
    %dma_start3A_360 = tpu.memref_slice %arg5[%dma_start3A_359] : memref<25600xi32, #tpu.memory_space<vmem>> -> memref<512xi32, #tpu.memory_space<vmem>>
    %dma_start3A_361 = tpu.memref_slice %arg2[%add3A_355] : memref<819200xi32, #tpu.memory_space<hbm>> -> memref<512xi32, #tpu.memory_space<hbm>>
    tpu.enqueue_dma source(%dma_start3A_361 : memref<512xi32, #tpu.memory_space<hbm>>) target(%dma_start3A_360 : memref<512xi32, #tpu.memory_space<vmem>>) target_semaphore(%arg10 : memref<!tpu.dma_semaphore, #tpu.memory_space<semaphore_mem>>)
    %add3A_362 = arith.constant 737280 : i32
    %add3A_363 = arith.addi %add3A_362, %mul3A_2 : i32
    %dma_start3A_364 = arith.constant 23040 : i32
    %dma_start3A_365 = tpu.memref_slice %arg5[%dma_start3A_364] : memref<25600xi32, #tpu.memory_space<vmem>> -> memref<512xi32, #tpu.memory_space<vmem>>
    %dma_start3A_366 = tpu.memref_slice %arg2[%add3A_363] : memref<819200xi32, #tpu.memory_space<hbm>> -> memref<512xi32, #tpu.memory_space<hbm>>
    %dma_start3A_367 = arith.constant 23040 : i32
    %dma_start3A_368 = tpu.memref_slice %arg5[%dma_start3A_367] : memref<25600xi32, #tpu.memory_space<vmem>> -> memref<512xi32, #tpu.memory_space<vmem>>
    %dma_start3A_369 = tpu.memref_slice %arg2[%add3A_363] : memref<819200xi32, #tpu.memory_space<hbm>> -> memref<512xi32, #tpu.memory_space<hbm>>
    tpu.enqueue_dma source(%dma_start3A_369 : memref<512xi32, #tpu.memory_space<hbm>>) target(%dma_start3A_368 : memref<512xi32, #tpu.memory_space<vmem>>) target_semaphore(%arg10 : memref<!tpu.dma_semaphore, #tpu.memory_space<semaphore_mem>>)
    %add3A_370 = arith.constant 753664 : i32
    %add3A_371 = arith.addi %add3A_370, %mul3A_2 : i32
    %dma_start3A_372 = arith.constant 23552 : i32
    %dma_start3A_373 = tpu.memref_slice %arg5[%dma_start3A_372] : memref<25600xi32, #tpu.memory_space<vmem>> -> memref<512xi32, #tpu.memory_space<vmem>>
    %dma_start3A_374 = tpu.memref_slice %arg2[%add3A_371] : memref<819200xi32, #tpu.memory_space<hbm>> -> memref<512xi32, #tpu.memory_space<hbm>>
    %dma_start3A_375 = arith.constant 23552 : i32
    %dma_start3A_376 = tpu.memref_slice %arg5[%dma_start3A_375] : memref<25600xi32, #tpu.memory_space<vmem>> -> memref<512xi32, #tpu.memory_space<vmem>>
    %dma_start3A_377 = tpu.memref_slice %arg2[%add3A_371] : memref<819200xi32, #tpu.memory_space<hbm>> -> memref<512xi32, #tpu.memory_space<hbm>>
    tpu.enqueue_dma source(%dma_start3A_377 : memref<512xi32, #tpu.memory_space<hbm>>) target(%dma_start3A_376 : memref<512xi32, #tpu.memory_space<vmem>>) target_semaphore(%arg10 : memref<!tpu.dma_semaphore, #tpu.memory_space<semaphore_mem>>)
    %add3A_378 = arith.constant 770048 : i32
    %add3A_379 = arith.addi %add3A_378, %mul3A_2 : i32
    %dma_start3A_380 = arith.constant 24064 : i32
    %dma_start3A_381 = tpu.memref_slice %arg5[%dma_start3A_380] : memref<25600xi32, #tpu.memory_space<vmem>> -> memref<512xi32, #tpu.memory_space<vmem>>
    %dma_start3A_382 = tpu.memref_slice %arg2[%add3A_379] : memref<819200xi32, #tpu.memory_space<hbm>> -> memref<512xi32, #tpu.memory_space<hbm>>
    %dma_start3A_383 = arith.constant 24064 : i32
    %dma_start3A_384 = tpu.memref_slice %arg5[%dma_start3A_383] : memref<25600xi32, #tpu.memory_space<vmem>> -> memref<512xi32, #tpu.memory_space<vmem>>
    %dma_start3A_385 = tpu.memref_slice %arg2[%add3A_379] : memref<819200xi32, #tpu.memory_space<hbm>> -> memref<512xi32, #tpu.memory_space<hbm>>
    tpu.enqueue_dma source(%dma_start3A_385 : memref<512xi32, #tpu.memory_space<hbm>>) target(%dma_start3A_384 : memref<512xi32, #tpu.memory_space<vmem>>) target_semaphore(%arg10 : memref<!tpu.dma_semaphore, #tpu.memory_space<semaphore_mem>>)
    %add3A_386 = arith.constant 786432 : i32
    %add3A_387 = arith.addi %add3A_386, %mul3A_2 : i32
    %dma_start3A_388 = arith.constant 24576 : i32
    %dma_start3A_389 = tpu.memref_slice %arg5[%dma_start3A_388] : memref<25600xi32, #tpu.memory_space<vmem>> -> memref<512xi32, #tpu.memory_space<vmem>>
    %dma_start3A_390 = tpu.memref_slice %arg2[%add3A_387] : memref<819200xi32, #tpu.memory_space<hbm>> -> memref<512xi32, #tpu.memory_space<hbm>>
    %dma_start3A_391 = arith.constant 24576 : i32
    %dma_start3A_392 = tpu.memref_slice %arg5[%dma_start3A_391] : memref<25600xi32, #tpu.memory_space<vmem>> -> memref<512xi32, #tpu.memory_space<vmem>>
    %dma_start3A_393 = tpu.memref_slice %arg2[%add3A_387] : memref<819200xi32, #tpu.memory_space<hbm>> -> memref<512xi32, #tpu.memory_space<hbm>>
    tpu.enqueue_dma source(%dma_start3A_393 : memref<512xi32, #tpu.memory_space<hbm>>) target(%dma_start3A_392 : memref<512xi32, #tpu.memory_space<vmem>>) target_semaphore(%arg10 : memref<!tpu.dma_semaphore, #tpu.memory_space<semaphore_mem>>)
    %add3A_394 = arith.constant 802816 : i32
    %add3A_395 = arith.addi %add3A_394, %mul3A_2 : i32
    %dma_start3A_396 = arith.constant 25088 : i32
    %dma_start3A_397 = tpu.memref_slice %arg5[%dma_start3A_396] : memref<25600xi32, #tpu.memory_space<vmem>> -> memref<512xi32, #tpu.memory_space<vmem>>
    %dma_start3A_398 = tpu.memref_slice %arg2[%add3A_395] : memref<819200xi32, #tpu.memory_space<hbm>> -> memref<512xi32, #tpu.memory_space<hbm>>
    %dma_start3A_399 = arith.constant 25088 : i32
    %dma_start3A_400 = tpu.memref_slice %arg5[%dma_start3A_399] : memref<25600xi32, #tpu.memory_space<vmem>> -> memref<512xi32, #tpu.memory_space<vmem>>
    %dma_start3A_401 = tpu.memref_slice %arg2[%add3A_395] : memref<819200xi32, #tpu.memory_space<hbm>> -> memref<512xi32, #tpu.memory_space<hbm>>
    tpu.enqueue_dma source(%dma_start3A_401 : memref<512xi32, #tpu.memory_space<hbm>>) target(%dma_start3A_400 : memref<512xi32, #tpu.memory_space<vmem>>) target_semaphore(%arg10 : memref<!tpu.dma_semaphore, #tpu.memory_space<semaphore_mem>>)
    %dma_wait3A = arith.constant 0 : i32
    %dma_wait3A_402 = tpu.memref_slice %arg5[%dma_wait3A] : memref<25600xi32, #tpu.memory_space<vmem>> -> memref<512xi32, #tpu.memory_space<vmem>>
    %dma_wait3A_403 = tpu.memref_slice %arg2[%add3A_4] : memref<819200xi32, #tpu.memory_space<hbm>> -> memref<512xi32, #tpu.memory_space<hbm>>
    %dma_wait3A_404 = arith.constant 0 : i32
    %dma_wait3A_405 = tpu.memref_slice %arg5[%dma_wait3A_404] : memref<25600xi32, #tpu.memory_space<vmem>> -> memref<512xi32, #tpu.memory_space<vmem>>
    %dma_wait3A_406 = tpu.memref_slice %arg2[%add3A_4] : memref<819200xi32, #tpu.memory_space<hbm>> -> memref<512xi32, #tpu.memory_space<hbm>>
    tpu.wait_dma2 semaphore(%arg10 : memref<!tpu.dma_semaphore, #tpu.memory_space<semaphore_mem>>) src(%dma_wait3A_406 : memref<512xi32, #tpu.memory_space<hbm>>) dst(%dma_wait3A_405 : memref<512xi32, #tpu.memory_space<vmem>>)
    %dma_wait3A_407 = arith.constant 512 : i32
    %dma_wait3A_408 = tpu.memref_slice %arg5[%dma_wait3A_407] : memref<25600xi32, #tpu.memory_space<vmem>> -> memref<512xi32, #tpu.memory_space<vmem>>
    %dma_wait3A_409 = tpu.memref_slice %arg2[%add3A_11] : memref<819200xi32, #tpu.memory_space<hbm>> -> memref<512xi32, #tpu.memory_space<hbm>>
    %dma_wait3A_410 = arith.constant 512 : i32
    %dma_wait3A_411 = tpu.memref_slice %arg5[%dma_wait3A_410] : memref<25600xi32, #tpu.memory_space<vmem>> -> memref<512xi32, #tpu.memory_space<vmem>>
    %dma_wait3A_412 = tpu.memref_slice %arg2[%add3A_11] : memref<819200xi32, #tpu.memory_space<hbm>> -> memref<512xi32, #tpu.memory_space<hbm>>
    tpu.wait_dma2 semaphore(%arg10 : memref<!tpu.dma_semaphore, #tpu.memory_space<semaphore_mem>>) src(%dma_wait3A_412 : memref<512xi32, #tpu.memory_space<hbm>>) dst(%dma_wait3A_411 : memref<512xi32, #tpu.memory_space<vmem>>)
    %dma_wait3A_413 = arith.constant 1024 : i32
    %dma_wait3A_414 = tpu.memref_slice %arg5[%dma_wait3A_413] : memref<25600xi32, #tpu.memory_space<vmem>> -> memref<512xi32, #tpu.memory_space<vmem>>
    %dma_wait3A_415 = tpu.memref_slice %arg2[%add3A_19] : memref<819200xi32, #tpu.memory_space<hbm>> -> memref<512xi32, #tpu.memory_space<hbm>>
    %dma_wait3A_416 = arith.constant 1024 : i32
    %dma_wait3A_417 = tpu.memref_slice %arg5[%dma_wait3A_416] : memref<25600xi32, #tpu.memory_space<vmem>> -> memref<512xi32, #tpu.memory_space<vmem>>
    %dma_wait3A_418 = tpu.memref_slice %arg2[%add3A_19] : memref<819200xi32, #tpu.memory_space<hbm>> -> memref<512xi32, #tpu.memory_space<hbm>>
    tpu.wait_dma2 semaphore(%arg10 : memref<!tpu.dma_semaphore, #tpu.memory_space<semaphore_mem>>) src(%dma_wait3A_418 : memref<512xi32, #tpu.memory_space<hbm>>) dst(%dma_wait3A_417 : memref<512xi32, #tpu.memory_space<vmem>>)
    %dma_wait3A_419 = arith.constant 1536 : i32
    %dma_wait3A_420 = tpu.memref_slice %arg5[%dma_wait3A_419] : memref<25600xi32, #tpu.memory_space<vmem>> -> memref<512xi32, #tpu.memory_space<vmem>>
    %dma_wait3A_421 = tpu.memref_slice %arg2[%add3A_27] : memref<819200xi32, #tpu.memory_space<hbm>> -> memref<512xi32, #tpu.memory_space<hbm>>
    %dma_wait3A_422 = arith.constant 1536 : i32
    %dma_wait3A_423 = tpu.memref_slice %arg5[%dma_wait3A_422] : memref<25600xi32, #tpu.memory_space<vmem>> -> memref<512xi32, #tpu.memory_space<vmem>>
    %dma_wait3A_424 = tpu.memref_slice %arg2[%add3A_27] : memref<819200xi32, #tpu.memory_space<hbm>> -> memref<512xi32, #tpu.memory_space<hbm>>
    tpu.wait_dma2 semaphore(%arg10 : memref<!tpu.dma_semaphore, #tpu.memory_space<semaphore_mem>>) src(%dma_wait3A_424 : memref<512xi32, #tpu.memory_space<hbm>>) dst(%dma_wait3A_423 : memref<512xi32, #tpu.memory_space<vmem>>)
    %dma_wait3A_425 = arith.constant 2048 : i32
    %dma_wait3A_426 = tpu.memref_slice %arg5[%dma_wait3A_425] : memref<25600xi32, #tpu.memory_space<vmem>> -> memref<512xi32, #tpu.memory_space<vmem>>
    %dma_wait3A_427 = tpu.memref_slice %arg2[%add3A_35] : memref<819200xi32, #tpu.memory_space<hbm>> -> memref<512xi32, #tpu.memory_space<hbm>>
    %dma_wait3A_428 = arith.constant 2048 : i32
    %dma_wait3A_429 = tpu.memref_slice %arg5[%dma_wait3A_428] : memref<25600xi32, #tpu.memory_space<vmem>> -> memref<512xi32, #tpu.memory_space<vmem>>
    %dma_wait3A_430 = tpu.memref_slice %arg2[%add3A_35] : memref<819200xi32, #tpu.memory_space<hbm>> -> memref<512xi32, #tpu.memory_space<hbm>>
    tpu.wait_dma2 semaphore(%arg10 : memref<!tpu.dma_semaphore, #tpu.memory_space<semaphore_mem>>) src(%dma_wait3A_430 : memref<512xi32, #tpu.memory_space<hbm>>) dst(%dma_wait3A_429 : memref<512xi32, #tpu.memory_space<vmem>>)
    %dma_wait3A_431 = arith.constant 2560 : i32
    %dma_wait3A_432 = tpu.memref_slice %arg5[%dma_wait3A_431] : memref<25600xi32, #tpu.memory_space<vmem>> -> memref<512xi32, #tpu.memory_space<vmem>>
    %dma_wait3A_433 = tpu.memref_slice %arg2[%add3A_43] : memref<819200xi32, #tpu.memory_space<hbm>> -> memref<512xi32, #tpu.memory_space<hbm>>
    %dma_wait3A_434 = arith.constant 2560 : i32
    %dma_wait3A_435 = tpu.memref_slice %arg5[%dma_wait3A_434] : memref<25600xi32, #tpu.memory_space<vmem>> -> memref<512xi32, #tpu.memory_space<vmem>>
    %dma_wait3A_436 = tpu.memref_slice %arg2[%add3A_43] : memref<819200xi32, #tpu.memory_space<hbm>> -> memref<512xi32, #tpu.memory_space<hbm>>
    tpu.wait_dma2 semaphore(%arg10 : memref<!tpu.dma_semaphore, #tpu.memory_space<semaphore_mem>>) src(%dma_wait3A_436 : memref<512xi32, #tpu.memory_space<hbm>>) dst(%dma_wait3A_435 : memref<512xi32, #tpu.memory_space<vmem>>)
    %dma_wait3A_437 = arith.constant 3072 : i32
    %dma_wait3A_438 = tpu.memref_slice %arg5[%dma_wait3A_437] : memref<25600xi32, #tpu.memory_space<vmem>> -> memref<512xi32, #tpu.memory_space<vmem>>
    %dma_wait3A_439 = tpu.memref_slice %arg2[%add3A_51] : memref<819200xi32, #tpu.memory_space<hbm>> -> memref<512xi32, #tpu.memory_space<hbm>>
    %dma_wait3A_440 = arith.constant 3072 : i32
    %dma_wait3A_441 = tpu.memref_slice %arg5[%dma_wait3A_440] : memref<25600xi32, #tpu.memory_space<vmem>> -> memref<512xi32, #tpu.memory_space<vmem>>
    %dma_wait3A_442 = tpu.memref_slice %arg2[%add3A_51] : memref<819200xi32, #tpu.memory_space<hbm>> -> memref<512xi32, #tpu.memory_space<hbm>>
    tpu.wait_dma2 semaphore(%arg10 : memref<!tpu.dma_semaphore, #tpu.memory_space<semaphore_mem>>) src(%dma_wait3A_442 : memref<512xi32, #tpu.memory_space<hbm>>) dst(%dma_wait3A_441 : memref<512xi32, #tpu.memory_space<vmem>>)
    %dma_wait3A_443 = arith.constant 3584 : i32
    %dma_wait3A_444 = tpu.memref_slice %arg5[%dma_wait3A_443] : memref<25600xi32, #tpu.memory_space<vmem>> -> memref<512xi32, #tpu.memory_space<vmem>>
    %dma_wait3A_445 = tpu.memref_slice %arg2[%add3A_59] : memref<819200xi32, #tpu.memory_space<hbm>> -> memref<512xi32, #tpu.memory_space<hbm>>
    %dma_wait3A_446 = arith.constant 3584 : i32
    %dma_wait3A_447 = tpu.memref_slice %arg5[%dma_wait3A_446] : memref<25600xi32, #tpu.memory_space<vmem>> -> memref<512xi32, #tpu.memory_space<vmem>>
    %dma_wait3A_448 = tpu.memref_slice %arg2[%add3A_59] : memref<819200xi32, #tpu.memory_space<hbm>> -> memref<512xi32, #tpu.memory_space<hbm>>
    tpu.wait_dma2 semaphore(%arg10 : memref<!tpu.dma_semaphore, #tpu.memory_space<semaphore_mem>>) src(%dma_wait3A_448 : memref<512xi32, #tpu.memory_space<hbm>>) dst(%dma_wait3A_447 : memref<512xi32, #tpu.memory_space<vmem>>)
    %dma_wait3A_449 = arith.constant 4096 : i32
    %dma_wait3A_450 = tpu.memref_slice %arg5[%dma_wait3A_449] : memref<25600xi32, #tpu.memory_space<vmem>> -> memref<512xi32, #tpu.memory_space<vmem>>
    %dma_wait3A_451 = tpu.memref_slice %arg2[%add3A_67] : memref<819200xi32, #tpu.memory_space<hbm>> -> memref<512xi32, #tpu.memory_space<hbm>>
    %dma_wait3A_452 = arith.constant 4096 : i32
    %dma_wait3A_453 = tpu.memref_slice %arg5[%dma_wait3A_452] : memref<25600xi32, #tpu.memory_space<vmem>> -> memref<512xi32, #tpu.memory_space<vmem>>
    %dma_wait3A_454 = tpu.memref_slice %arg2[%add3A_67] : memref<819200xi32, #tpu.memory_space<hbm>> -> memref<512xi32, #tpu.memory_space<hbm>>
    tpu.wait_dma2 semaphore(%arg10 : memref<!tpu.dma_semaphore, #tpu.memory_space<semaphore_mem>>) src(%dma_wait3A_454 : memref<512xi32, #tpu.memory_space<hbm>>) dst(%dma_wait3A_453 : memref<512xi32, #tpu.memory_space<vmem>>)
    %dma_wait3A_455 = arith.constant 4608 : i32
    %dma_wait3A_456 = tpu.memref_slice %arg5[%dma_wait3A_455] : memref<25600xi32, #tpu.memory_space<vmem>> -> memref<512xi32, #tpu.memory_space<vmem>>
    %dma_wait3A_457 = tpu.memref_slice %arg2[%add3A_75] : memref<819200xi32, #tpu.memory_space<hbm>> -> memref<512xi32, #tpu.memory_space<hbm>>
    %dma_wait3A_458 = arith.constant 4608 : i32
    %dma_wait3A_459 = tpu.memref_slice %arg5[%dma_wait3A_458] : memref<25600xi32, #tpu.memory_space<vmem>> -> memref<512xi32, #tpu.memory_space<vmem>>
    %dma_wait3A_460 = tpu.memref_slice %arg2[%add3A_75] : memref<819200xi32, #tpu.memory_space<hbm>> -> memref<512xi32, #tpu.memory_space<hbm>>
    tpu.wait_dma2 semaphore(%arg10 : memref<!tpu.dma_semaphore, #tpu.memory_space<semaphore_mem>>) src(%dma_wait3A_460 : memref<512xi32, #tpu.memory_space<hbm>>) dst(%dma_wait3A_459 : memref<512xi32, #tpu.memory_space<vmem>>)
    %dma_wait3A_461 = arith.constant 5120 : i32
    %dma_wait3A_462 = tpu.memref_slice %arg5[%dma_wait3A_461] : memref<25600xi32, #tpu.memory_space<vmem>> -> memref<512xi32, #tpu.memory_space<vmem>>
    %dma_wait3A_463 = tpu.memref_slice %arg2[%add3A_83] : memref<819200xi32, #tpu.memory_space<hbm>> -> memref<512xi32, #tpu.memory_space<hbm>>
    %dma_wait3A_464 = arith.constant 5120 : i32
    %dma_wait3A_465 = tpu.memref_slice %arg5[%dma_wait3A_464] : memref<25600xi32, #tpu.memory_space<vmem>> -> memref<512xi32, #tpu.memory_space<vmem>>
    %dma_wait3A_466 = tpu.memref_slice %arg2[%add3A_83] : memref<819200xi32, #tpu.memory_space<hbm>> -> memref<512xi32, #tpu.memory_space<hbm>>
    tpu.wait_dma2 semaphore(%arg10 : memref<!tpu.dma_semaphore, #tpu.memory_space<semaphore_mem>>) src(%dma_wait3A_466 : memref<512xi32, #tpu.memory_space<hbm>>) dst(%dma_wait3A_465 : memref<512xi32, #tpu.memory_space<vmem>>)
    %dma_wait3A_467 = arith.constant 5632 : i32
    %dma_wait3A_468 = tpu.memref_slice %arg5[%dma_wait3A_467] : memref<25600xi32, #tpu.memory_space<vmem>> -> memref<512xi32, #tpu.memory_space<vmem>>
    %dma_wait3A_469 = tpu.memref_slice %arg2[%add3A_91] : memref<819200xi32, #tpu.memory_space<hbm>> -> memref<512xi32, #tpu.memory_space<hbm>>
    %dma_wait3A_470 = arith.constant 5632 : i32
    %dma_wait3A_471 = tpu.memref_slice %arg5[%dma_wait3A_470] : memref<25600xi32, #tpu.memory_space<vmem>> -> memref<512xi32, #tpu.memory_space<vmem>>
    %dma_wait3A_472 = tpu.memref_slice %arg2[%add3A_91] : memref<819200xi32, #tpu.memory_space<hbm>> -> memref<512xi32, #tpu.memory_space<hbm>>
    tpu.wait_dma2 semaphore(%arg10 : memref<!tpu.dma_semaphore, #tpu.memory_space<semaphore_mem>>) src(%dma_wait3A_472 : memref<512xi32, #tpu.memory_space<hbm>>) dst(%dma_wait3A_471 : memref<512xi32, #tpu.memory_space<vmem>>)
    %dma_wait3A_473 = arith.constant 6144 : i32
    %dma_wait3A_474 = tpu.memref_slice %arg5[%dma_wait3A_473] : memref<25600xi32, #tpu.memory_space<vmem>> -> memref<512xi32, #tpu.memory_space<vmem>>
    %dma_wait3A_475 = tpu.memref_slice %arg2[%add3A_99] : memref<819200xi32, #tpu.memory_space<hbm>> -> memref<512xi32, #tpu.memory_space<hbm>>
    %dma_wait3A_476 = arith.constant 6144 : i32
    %dma_wait3A_477 = tpu.memref_slice %arg5[%dma_wait3A_476] : memref<25600xi32, #tpu.memory_space<vmem>> -> memref<512xi32, #tpu.memory_space<vmem>>
    %dma_wait3A_478 = tpu.memref_slice %arg2[%add3A_99] : memref<819200xi32, #tpu.memory_space<hbm>> -> memref<512xi32, #tpu.memory_space<hbm>>
    tpu.wait_dma2 semaphore(%arg10 : memref<!tpu.dma_semaphore, #tpu.memory_space<semaphore_mem>>) src(%dma_wait3A_478 : memref<512xi32, #tpu.memory_space<hbm>>) dst(%dma_wait3A_477 : memref<512xi32, #tpu.memory_space<vmem>>)
    %dma_wait3A_479 = arith.constant 6656 : i32
    %dma_wait3A_480 = tpu.memref_slice %arg5[%dma_wait3A_479] : memref<25600xi32, #tpu.memory_space<vmem>> -> memref<512xi32, #tpu.memory_space<vmem>>
    %dma_wait3A_481 = tpu.memref_slice %arg2[%add3A_107] : memref<819200xi32, #tpu.memory_space<hbm>> -> memref<512xi32, #tpu.memory_space<hbm>>
    %dma_wait3A_482 = arith.constant 6656 : i32
    %dma_wait3A_483 = tpu.memref_slice %arg5[%dma_wait3A_482] : memref<25600xi32, #tpu.memory_space<vmem>> -> memref<512xi32, #tpu.memory_space<vmem>>
    %dma_wait3A_484 = tpu.memref_slice %arg2[%add3A_107] : memref<819200xi32, #tpu.memory_space<hbm>> -> memref<512xi32, #tpu.memory_space<hbm>>
    tpu.wait_dma2 semaphore(%arg10 : memref<!tpu.dma_semaphore, #tpu.memory_space<semaphore_mem>>) src(%dma_wait3A_484 : memref<512xi32, #tpu.memory_space<hbm>>) dst(%dma_wait3A_483 : memref<512xi32, #tpu.memory_space<vmem>>)
    %dma_wait3A_485 = arith.constant 7168 : i32
    %dma_wait3A_486 = tpu.memref_slice %arg5[%dma_wait3A_485] : memref<25600xi32, #tpu.memory_space<vmem>> -> memref<512xi32, #tpu.memory_space<vmem>>
    %dma_wait3A_487 = tpu.memref_slice %arg2[%add3A_115] : memref<819200xi32, #tpu.memory_space<hbm>> -> memref<512xi32, #tpu.memory_space<hbm>>
    %dma_wait3A_488 = arith.constant 7168 : i32
    %dma_wait3A_489 = tpu.memref_slice %arg5[%dma_wait3A_488] : memref<25600xi32, #tpu.memory_space<vmem>> -> memref<512xi32, #tpu.memory_space<vmem>>
    %dma_wait3A_490 = tpu.memref_slice %arg2[%add3A_115] : memref<819200xi32, #tpu.memory_space<hbm>> -> memref<512xi32, #tpu.memory_space<hbm>>
    tpu.wait_dma2 semaphore(%arg10 : memref<!tpu.dma_semaphore, #tpu.memory_space<semaphore_mem>>) src(%dma_wait3A_490 : memref<512xi32, #tpu.memory_space<hbm>>) dst(%dma_wait3A_489 : memref<512xi32, #tpu.memory_space<vmem>>)
    %dma_wait3A_491 = arith.constant 7680 : i32
    %dma_wait3A_492 = tpu.memref_slice %arg5[%dma_wait3A_491] : memref<25600xi32, #tpu.memory_space<vmem>> -> memref<512xi32, #tpu.memory_space<vmem>>
    %dma_wait3A_493 = tpu.memref_slice %arg2[%add3A_123] : memref<819200xi32, #tpu.memory_space<hbm>> -> memref<512xi32, #tpu.memory_space<hbm>>
    %dma_wait3A_494 = arith.constant 7680 : i32
    %dma_wait3A_495 = tpu.memref_slice %arg5[%dma_wait3A_494] : memref<25600xi32, #tpu.memory_space<vmem>> -> memref<512xi32, #tpu.memory_space<vmem>>
    %dma_wait3A_496 = tpu.memref_slice %arg2[%add3A_123] : memref<819200xi32, #tpu.memory_space<hbm>> -> memref<512xi32, #tpu.memory_space<hbm>>
    tpu.wait_dma2 semaphore(%arg10 : memref<!tpu.dma_semaphore, #tpu.memory_space<semaphore_mem>>) src(%dma_wait3A_496 : memref<512xi32, #tpu.memory_space<hbm>>) dst(%dma_wait3A_495 : memref<512xi32, #tpu.memory_space<vmem>>)
    %dma_wait3A_497 = arith.constant 8192 : i32
    %dma_wait3A_498 = tpu.memref_slice %arg5[%dma_wait3A_497] : memref<25600xi32, #tpu.memory_space<vmem>> -> memref<512xi32, #tpu.memory_space<vmem>>
    %dma_wait3A_499 = tpu.memref_slice %arg2[%add3A_131] : memref<819200xi32, #tpu.memory_space<hbm>> -> memref<512xi32, #tpu.memory_space<hbm>>
    %dma_wait3A_500 = arith.constant 8192 : i32
    %dma_wait3A_501 = tpu.memref_slice %arg5[%dma_wait3A_500] : memref<25600xi32, #tpu.memory_space<vmem>> -> memref<512xi32, #tpu.memory_space<vmem>>
    %dma_wait3A_502 = tpu.memref_slice %arg2[%add3A_131] : memref<819200xi32, #tpu.memory_space<hbm>> -> memref<512xi32, #tpu.memory_space<hbm>>
    tpu.wait_dma2 semaphore(%arg10 : memref<!tpu.dma_semaphore, #tpu.memory_space<semaphore_mem>>) src(%dma_wait3A_502 : memref<512xi32, #tpu.memory_space<hbm>>) dst(%dma_wait3A_501 : memref<512xi32, #tpu.memory_space<vmem>>)
    %dma_wait3A_503 = arith.constant 8704 : i32
    %dma_wait3A_504 = tpu.memref_slice %arg5[%dma_wait3A_503] : memref<25600xi32, #tpu.memory_space<vmem>> -> memref<512xi32, #tpu.memory_space<vmem>>
    %dma_wait3A_505 = tpu.memref_slice %arg2[%add3A_139] : memref<819200xi32, #tpu.memory_space<hbm>> -> memref<512xi32, #tpu.memory_space<hbm>>
    %dma_wait3A_506 = arith.constant 8704 : i32
    %dma_wait3A_507 = tpu.memref_slice %arg5[%dma_wait3A_506] : memref<25600xi32, #tpu.memory_space<vmem>> -> memref<512xi32, #tpu.memory_space<vmem>>
    %dma_wait3A_508 = tpu.memref_slice %arg2[%add3A_139] : memref<819200xi32, #tpu.memory_space<hbm>> -> memref<512xi32, #tpu.memory_space<hbm>>
    tpu.wait_dma2 semaphore(%arg10 : memref<!tpu.dma_semaphore, #tpu.memory_space<semaphore_mem>>) src(%dma_wait3A_508 : memref<512xi32, #tpu.memory_space<hbm>>) dst(%dma_wait3A_507 : memref<512xi32, #tpu.memory_space<vmem>>)
    %dma_wait3A_509 = arith.constant 9216 : i32
    %dma_wait3A_510 = tpu.memref_slice %arg5[%dma_wait3A_509] : memref<25600xi32, #tpu.memory_space<vmem>> -> memref<512xi32, #tpu.memory_space<vmem>>
    %dma_wait3A_511 = tpu.memref_slice %arg2[%add3A_147] : memref<819200xi32, #tpu.memory_space<hbm>> -> memref<512xi32, #tpu.memory_space<hbm>>
    %dma_wait3A_512 = arith.constant 9216 : i32
    %dma_wait3A_513 = tpu.memref_slice %arg5[%dma_wait3A_512] : memref<25600xi32, #tpu.memory_space<vmem>> -> memref<512xi32, #tpu.memory_space<vmem>>
    %dma_wait3A_514 = tpu.memref_slice %arg2[%add3A_147] : memref<819200xi32, #tpu.memory_space<hbm>> -> memref<512xi32, #tpu.memory_space<hbm>>
    tpu.wait_dma2 semaphore(%arg10 : memref<!tpu.dma_semaphore, #tpu.memory_space<semaphore_mem>>) src(%dma_wait3A_514 : memref<512xi32, #tpu.memory_space<hbm>>) dst(%dma_wait3A_513 : memref<512xi32, #tpu.memory_space<vmem>>)
    %dma_wait3A_515 = arith.constant 9728 : i32
    %dma_wait3A_516 = tpu.memref_slice %arg5[%dma_wait3A_515] : memref<25600xi32, #tpu.memory_space<vmem>> -> memref<512xi32, #tpu.memory_space<vmem>>
    %dma_wait3A_517 = tpu.memref_slice %arg2[%add3A_155] : memref<819200xi32, #tpu.memory_space<hbm>> -> memref<512xi32, #tpu.memory_space<hbm>>
    %dma_wait3A_518 = arith.constant 9728 : i32
    %dma_wait3A_519 = tpu.memref_slice %arg5[%dma_wait3A_518] : memref<25600xi32, #tpu.memory_space<vmem>> -> memref<512xi32, #tpu.memory_space<vmem>>
    %dma_wait3A_520 = tpu.memref_slice %arg2[%add3A_155] : memref<819200xi32, #tpu.memory_space<hbm>> -> memref<512xi32, #tpu.memory_space<hbm>>
    tpu.wait_dma2 semaphore(%arg10 : memref<!tpu.dma_semaphore, #tpu.memory_space<semaphore_mem>>) src(%dma_wait3A_520 : memref<512xi32, #tpu.memory_space<hbm>>) dst(%dma_wait3A_519 : memref<512xi32, #tpu.memory_space<vmem>>)
    %dma_wait3A_521 = arith.constant 10240 : i32
    %dma_wait3A_522 = tpu.memref_slice %arg5[%dma_wait3A_521] : memref<25600xi32, #tpu.memory_space<vmem>> -> memref<512xi32, #tpu.memory_space<vmem>>
    %dma_wait3A_523 = tpu.memref_slice %arg2[%add3A_163] : memref<819200xi32, #tpu.memory_space<hbm>> -> memref<512xi32, #tpu.memory_space<hbm>>
    %dma_wait3A_524 = arith.constant 10240 : i32
    %dma_wait3A_525 = tpu.memref_slice %arg5[%dma_wait3A_524] : memref<25600xi32, #tpu.memory_space<vmem>> -> memref<512xi32, #tpu.memory_space<vmem>>
    %dma_wait3A_526 = tpu.memref_slice %arg2[%add3A_163] : memref<819200xi32, #tpu.memory_space<hbm>> -> memref<512xi32, #tpu.memory_space<hbm>>
    tpu.wait_dma2 semaphore(%arg10 : memref<!tpu.dma_semaphore, #tpu.memory_space<semaphore_mem>>) src(%dma_wait3A_526 : memref<512xi32, #tpu.memory_space<hbm>>) dst(%dma_wait3A_525 : memref<512xi32, #tpu.memory_space<vmem>>)
    %dma_wait3A_527 = arith.constant 10752 : i32
    %dma_wait3A_528 = tpu.memref_slice %arg5[%dma_wait3A_527] : memref<25600xi32, #tpu.memory_space<vmem>> -> memref<512xi32, #tpu.memory_space<vmem>>
    %dma_wait3A_529 = tpu.memref_slice %arg2[%add3A_171] : memref<819200xi32, #tpu.memory_space<hbm>> -> memref<512xi32, #tpu.memory_space<hbm>>
    %dma_wait3A_530 = arith.constant 10752 : i32
    %dma_wait3A_531 = tpu.memref_slice %arg5[%dma_wait3A_530] : memref<25600xi32, #tpu.memory_space<vmem>> -> memref<512xi32, #tpu.memory_space<vmem>>
    %dma_wait3A_532 = tpu.memref_slice %arg2[%add3A_171] : memref<819200xi32, #tpu.memory_space<hbm>> -> memref<512xi32, #tpu.memory_space<hbm>>
    tpu.wait_dma2 semaphore(%arg10 : memref<!tpu.dma_semaphore, #tpu.memory_space<semaphore_mem>>) src(%dma_wait3A_532 : memref<512xi32, #tpu.memory_space<hbm>>) dst(%dma_wait3A_531 : memref<512xi32, #tpu.memory_space<vmem>>)
    %dma_wait3A_533 = arith.constant 11264 : i32
    %dma_wait3A_534 = tpu.memref_slice %arg5[%dma_wait3A_533] : memref<25600xi32, #tpu.memory_space<vmem>> -> memref<512xi32, #tpu.memory_space<vmem>>
    %dma_wait3A_535 = tpu.memref_slice %arg2[%add3A_179] : memref<819200xi32, #tpu.memory_space<hbm>> -> memref<512xi32, #tpu.memory_space<hbm>>
    %dma_wait3A_536 = arith.constant 11264 : i32
    %dma_wait3A_537 = tpu.memref_slice %arg5[%dma_wait3A_536] : memref<25600xi32, #tpu.memory_space<vmem>> -> memref<512xi32, #tpu.memory_space<vmem>>
    %dma_wait3A_538 = tpu.memref_slice %arg2[%add3A_179] : memref<819200xi32, #tpu.memory_space<hbm>> -> memref<512xi32, #tpu.memory_space<hbm>>
    tpu.wait_dma2 semaphore(%arg10 : memref<!tpu.dma_semaphore, #tpu.memory_space<semaphore_mem>>) src(%dma_wait3A_538 : memref<512xi32, #tpu.memory_space<hbm>>) dst(%dma_wait3A_537 : memref<512xi32, #tpu.memory_space<vmem>>)
    %dma_wait3A_539 = arith.constant 11776 : i32
    %dma_wait3A_540 = tpu.memref_slice %arg5[%dma_wait3A_539] : memref<25600xi32, #tpu.memory_space<vmem>> -> memref<512xi32, #tpu.memory_space<vmem>>
    %dma_wait3A_541 = tpu.memref_slice %arg2[%add3A_187] : memref<819200xi32, #tpu.memory_space<hbm>> -> memref<512xi32, #tpu.memory_space<hbm>>
    %dma_wait3A_542 = arith.constant 11776 : i32
    %dma_wait3A_543 = tpu.memref_slice %arg5[%dma_wait3A_542] : memref<25600xi32, #tpu.memory_space<vmem>> -> memref<512xi32, #tpu.memory_space<vmem>>
    %dma_wait3A_544 = tpu.memref_slice %arg2[%add3A_187] : memref<819200xi32, #tpu.memory_space<hbm>> -> memref<512xi32, #tpu.memory_space<hbm>>
    tpu.wait_dma2 semaphore(%arg10 : memref<!tpu.dma_semaphore, #tpu.memory_space<semaphore_mem>>) src(%dma_wait3A_544 : memref<512xi32, #tpu.memory_space<hbm>>) dst(%dma_wait3A_543 : memref<512xi32, #tpu.memory_space<vmem>>)
    %dma_wait3A_545 = arith.constant 12288 : i32
    %dma_wait3A_546 = tpu.memref_slice %arg5[%dma_wait3A_545] : memref<25600xi32, #tpu.memory_space<vmem>> -> memref<512xi32, #tpu.memory_space<vmem>>
    %dma_wait3A_547 = tpu.memref_slice %arg2[%add3A_195] : memref<819200xi32, #tpu.memory_space<hbm>> -> memref<512xi32, #tpu.memory_space<hbm>>
    %dma_wait3A_548 = arith.constant 12288 : i32
    %dma_wait3A_549 = tpu.memref_slice %arg5[%dma_wait3A_548] : memref<25600xi32, #tpu.memory_space<vmem>> -> memref<512xi32, #tpu.memory_space<vmem>>
    %dma_wait3A_550 = tpu.memref_slice %arg2[%add3A_195] : memref<819200xi32, #tpu.memory_space<hbm>> -> memref<512xi32, #tpu.memory_space<hbm>>
    tpu.wait_dma2 semaphore(%arg10 : memref<!tpu.dma_semaphore, #tpu.memory_space<semaphore_mem>>) src(%dma_wait3A_550 : memref<512xi32, #tpu.memory_space<hbm>>) dst(%dma_wait3A_549 : memref<512xi32, #tpu.memory_space<vmem>>)
    %dma_wait3A_551 = arith.constant 12800 : i32
    %dma_wait3A_552 = tpu.memref_slice %arg5[%dma_wait3A_551] : memref<25600xi32, #tpu.memory_space<vmem>> -> memref<512xi32, #tpu.memory_space<vmem>>
    %dma_wait3A_553 = tpu.memref_slice %arg2[%add3A_203] : memref<819200xi32, #tpu.memory_space<hbm>> -> memref<512xi32, #tpu.memory_space<hbm>>
    %dma_wait3A_554 = arith.constant 12800 : i32
    %dma_wait3A_555 = tpu.memref_slice %arg5[%dma_wait3A_554] : memref<25600xi32, #tpu.memory_space<vmem>> -> memref<512xi32, #tpu.memory_space<vmem>>
    %dma_wait3A_556 = tpu.memref_slice %arg2[%add3A_203] : memref<819200xi32, #tpu.memory_space<hbm>> -> memref<512xi32, #tpu.memory_space<hbm>>
    tpu.wait_dma2 semaphore(%arg10 : memref<!tpu.dma_semaphore, #tpu.memory_space<semaphore_mem>>) src(%dma_wait3A_556 : memref<512xi32, #tpu.memory_space<hbm>>) dst(%dma_wait3A_555 : memref<512xi32, #tpu.memory_space<vmem>>)
    %dma_wait3A_557 = arith.constant 13312 : i32
    %dma_wait3A_558 = tpu.memref_slice %arg5[%dma_wait3A_557] : memref<25600xi32, #tpu.memory_space<vmem>> -> memref<512xi32, #tpu.memory_space<vmem>>
    %dma_wait3A_559 = tpu.memref_slice %arg2[%add3A_211] : memref<819200xi32, #tpu.memory_space<hbm>> -> memref<512xi32, #tpu.memory_space<hbm>>
    %dma_wait3A_560 = arith.constant 13312 : i32
    %dma_wait3A_561 = tpu.memref_slice %arg5[%dma_wait3A_560] : memref<25600xi32, #tpu.memory_space<vmem>> -> memref<512xi32, #tpu.memory_space<vmem>>
    %dma_wait3A_562 = tpu.memref_slice %arg2[%add3A_211] : memref<819200xi32, #tpu.memory_space<hbm>> -> memref<512xi32, #tpu.memory_space<hbm>>
    tpu.wait_dma2 semaphore(%arg10 : memref<!tpu.dma_semaphore, #tpu.memory_space<semaphore_mem>>) src(%dma_wait3A_562 : memref<512xi32, #tpu.memory_space<hbm>>) dst(%dma_wait3A_561 : memref<512xi32, #tpu.memory_space<vmem>>)
    %dma_wait3A_563 = arith.constant 13824 : i32
    %dma_wait3A_564 = tpu.memref_slice %arg5[%dma_wait3A_563] : memref<25600xi32, #tpu.memory_space<vmem>> -> memref<512xi32, #tpu.memory_space<vmem>>
    %dma_wait3A_565 = tpu.memref_slice %arg2[%add3A_219] : memref<819200xi32, #tpu.memory_space<hbm>> -> memref<512xi32, #tpu.memory_space<hbm>>
    %dma_wait3A_566 = arith.constant 13824 : i32
    %dma_wait3A_567 = tpu.memref_slice %arg5[%dma_wait3A_566] : memref<25600xi32, #tpu.memory_space<vmem>> -> memref<512xi32, #tpu.memory_space<vmem>>
    %dma_wait3A_568 = tpu.memref_slice %arg2[%add3A_219] : memref<819200xi32, #tpu.memory_space<hbm>> -> memref<512xi32, #tpu.memory_space<hbm>>
    tpu.wait_dma2 semaphore(%arg10 : memref<!tpu.dma_semaphore, #tpu.memory_space<semaphore_mem>>) src(%dma_wait3A_568 : memref<512xi32, #tpu.memory_space<hbm>>) dst(%dma_wait3A_567 : memref<512xi32, #tpu.memory_space<vmem>>)
    %dma_wait3A_569 = arith.constant 14336 : i32
    %dma_wait3A_570 = tpu.memref_slice %arg5[%dma_wait3A_569] : memref<25600xi32, #tpu.memory_space<vmem>> -> memref<512xi32, #tpu.memory_space<vmem>>
    %dma_wait3A_571 = tpu.memref_slice %arg2[%add3A_227] : memref<819200xi32, #tpu.memory_space<hbm>> -> memref<512xi32, #tpu.memory_space<hbm>>
    %dma_wait3A_572 = arith.constant 14336 : i32
    %dma_wait3A_573 = tpu.memref_slice %arg5[%dma_wait3A_572] : memref<25600xi32, #tpu.memory_space<vmem>> -> memref<512xi32, #tpu.memory_space<vmem>>
    %dma_wait3A_574 = tpu.memref_slice %arg2[%add3A_227] : memref<819200xi32, #tpu.memory_space<hbm>> -> memref<512xi32, #tpu.memory_space<hbm>>
    tpu.wait_dma2 semaphore(%arg10 : memref<!tpu.dma_semaphore, #tpu.memory_space<semaphore_mem>>) src(%dma_wait3A_574 : memref<512xi32, #tpu.memory_space<hbm>>) dst(%dma_wait3A_573 : memref<512xi32, #tpu.memory_space<vmem>>)
    %dma_wait3A_575 = arith.constant 14848 : i32
    %dma_wait3A_576 = tpu.memref_slice %arg5[%dma_wait3A_575] : memref<25600xi32, #tpu.memory_space<vmem>> -> memref<512xi32, #tpu.memory_space<vmem>>
    %dma_wait3A_577 = tpu.memref_slice %arg2[%add3A_235] : memref<819200xi32, #tpu.memory_space<hbm>> -> memref<512xi32, #tpu.memory_space<hbm>>
    %dma_wait3A_578 = arith.constant 14848 : i32
    %dma_wait3A_579 = tpu.memref_slice %arg5[%dma_wait3A_578] : memref<25600xi32, #tpu.memory_space<vmem>> -> memref<512xi32, #tpu.memory_space<vmem>>
    %dma_wait3A_580 = tpu.memref_slice %arg2[%add3A_235] : memref<819200xi32, #tpu.memory_space<hbm>> -> memref<512xi32, #tpu.memory_space<hbm>>
    tpu.wait_dma2 semaphore(%arg10 : memref<!tpu.dma_semaphore, #tpu.memory_space<semaphore_mem>>) src(%dma_wait3A_580 : memref<512xi32, #tpu.memory_space<hbm>>) dst(%dma_wait3A_579 : memref<512xi32, #tpu.memory_space<vmem>>)
    %dma_wait3A_581 = arith.constant 15360 : i32
    %dma_wait3A_582 = tpu.memref_slice %arg5[%dma_wait3A_581] : memref<25600xi32, #tpu.memory_space<vmem>> -> memref<512xi32, #tpu.memory_space<vmem>>
    %dma_wait3A_583 = tpu.memref_slice %arg2[%add3A_243] : memref<819200xi32, #tpu.memory_space<hbm>> -> memref<512xi32, #tpu.memory_space<hbm>>
    %dma_wait3A_584 = arith.constant 15360 : i32
    %dma_wait3A_585 = tpu.memref_slice %arg5[%dma_wait3A_584] : memref<25600xi32, #tpu.memory_space<vmem>> -> memref<512xi32, #tpu.memory_space<vmem>>
    %dma_wait3A_586 = tpu.memref_slice %arg2[%add3A_243] : memref<819200xi32, #tpu.memory_space<hbm>> -> memref<512xi32, #tpu.memory_space<hbm>>
    tpu.wait_dma2 semaphore(%arg10 : memref<!tpu.dma_semaphore, #tpu.memory_space<semaphore_mem>>) src(%dma_wait3A_586 : memref<512xi32, #tpu.memory_space<hbm>>) dst(%dma_wait3A_585 : memref<512xi32, #tpu.memory_space<vmem>>)
    %dma_wait3A_587 = arith.constant 15872 : i32
    %dma_wait3A_588 = tpu.memref_slice %arg5[%dma_wait3A_587] : memref<25600xi32, #tpu.memory_space<vmem>> -> memref<512xi32, #tpu.memory_space<vmem>>
    %dma_wait3A_589 = tpu.memref_slice %arg2[%add3A_251] : memref<819200xi32, #tpu.memory_space<hbm>> -> memref<512xi32, #tpu.memory_space<hbm>>
    %dma_wait3A_590 = arith.constant 15872 : i32
    %dma_wait3A_591 = tpu.memref_slice %arg5[%dma_wait3A_590] : memref<25600xi32, #tpu.memory_space<vmem>> -> memref<512xi32, #tpu.memory_space<vmem>>
    %dma_wait3A_592 = tpu.memref_slice %arg2[%add3A_251] : memref<819200xi32, #tpu.memory_space<hbm>> -> memref<512xi32, #tpu.memory_space<hbm>>
    tpu.wait_dma2 semaphore(%arg10 : memref<!tpu.dma_semaphore, #tpu.memory_space<semaphore_mem>>) src(%dma_wait3A_592 : memref<512xi32, #tpu.memory_space<hbm>>) dst(%dma_wait3A_591 : memref<512xi32, #tpu.memory_space<vmem>>)
    %dma_wait3A_593 = arith.constant 16384 : i32
    %dma_wait3A_594 = tpu.memref_slice %arg5[%dma_wait3A_593] : memref<25600xi32, #tpu.memory_space<vmem>> -> memref<512xi32, #tpu.memory_space<vmem>>
    %dma_wait3A_595 = tpu.memref_slice %arg2[%add3A_259] : memref<819200xi32, #tpu.memory_space<hbm>> -> memref<512xi32, #tpu.memory_space<hbm>>
    %dma_wait3A_596 = arith.constant 16384 : i32
    %dma_wait3A_597 = tpu.memref_slice %arg5[%dma_wait3A_596] : memref<25600xi32, #tpu.memory_space<vmem>> -> memref<512xi32, #tpu.memory_space<vmem>>
    %dma_wait3A_598 = tpu.memref_slice %arg2[%add3A_259] : memref<819200xi32, #tpu.memory_space<hbm>> -> memref<512xi32, #tpu.memory_space<hbm>>
    tpu.wait_dma2 semaphore(%arg10 : memref<!tpu.dma_semaphore, #tpu.memory_space<semaphore_mem>>) src(%dma_wait3A_598 : memref<512xi32, #tpu.memory_space<hbm>>) dst(%dma_wait3A_597 : memref<512xi32, #tpu.memory_space<vmem>>)
    %dma_wait3A_599 = arith.constant 16896 : i32
    %dma_wait3A_600 = tpu.memref_slice %arg5[%dma_wait3A_599] : memref<25600xi32, #tpu.memory_space<vmem>> -> memref<512xi32, #tpu.memory_space<vmem>>
    %dma_wait3A_601 = tpu.memref_slice %arg2[%add3A_267] : memref<819200xi32, #tpu.memory_space<hbm>> -> memref<512xi32, #tpu.memory_space<hbm>>
    %dma_wait3A_602 = arith.constant 16896 : i32
    %dma_wait3A_603 = tpu.memref_slice %arg5[%dma_wait3A_602] : memref<25600xi32, #tpu.memory_space<vmem>> -> memref<512xi32, #tpu.memory_space<vmem>>
    %dma_wait3A_604 = tpu.memref_slice %arg2[%add3A_267] : memref<819200xi32, #tpu.memory_space<hbm>> -> memref<512xi32, #tpu.memory_space<hbm>>
    tpu.wait_dma2 semaphore(%arg10 : memref<!tpu.dma_semaphore, #tpu.memory_space<semaphore_mem>>) src(%dma_wait3A_604 : memref<512xi32, #tpu.memory_space<hbm>>) dst(%dma_wait3A_603 : memref<512xi32, #tpu.memory_space<vmem>>)
    %dma_wait3A_605 = arith.constant 17408 : i32
    %dma_wait3A_606 = tpu.memref_slice %arg5[%dma_wait3A_605] : memref<25600xi32, #tpu.memory_space<vmem>> -> memref<512xi32, #tpu.memory_space<vmem>>
    %dma_wait3A_607 = tpu.memref_slice %arg2[%add3A_275] : memref<819200xi32, #tpu.memory_space<hbm>> -> memref<512xi32, #tpu.memory_space<hbm>>
    %dma_wait3A_608 = arith.constant 17408 : i32
    %dma_wait3A_609 = tpu.memref_slice %arg5[%dma_wait3A_608] : memref<25600xi32, #tpu.memory_space<vmem>> -> memref<512xi32, #tpu.memory_space<vmem>>
    %dma_wait3A_610 = tpu.memref_slice %arg2[%add3A_275] : memref<819200xi32, #tpu.memory_space<hbm>> -> memref<512xi32, #tpu.memory_space<hbm>>
    tpu.wait_dma2 semaphore(%arg10 : memref<!tpu.dma_semaphore, #tpu.memory_space<semaphore_mem>>) src(%dma_wait3A_610 : memref<512xi32, #tpu.memory_space<hbm>>) dst(%dma_wait3A_609 : memref<512xi32, #tpu.memory_space<vmem>>)
    %dma_wait3A_611 = arith.constant 17920 : i32
    %dma_wait3A_612 = tpu.memref_slice %arg5[%dma_wait3A_611] : memref<25600xi32, #tpu.memory_space<vmem>> -> memref<512xi32, #tpu.memory_space<vmem>>
    %dma_wait3A_613 = tpu.memref_slice %arg2[%add3A_283] : memref<819200xi32, #tpu.memory_space<hbm>> -> memref<512xi32, #tpu.memory_space<hbm>>
    %dma_wait3A_614 = arith.constant 17920 : i32
    %dma_wait3A_615 = tpu.memref_slice %arg5[%dma_wait3A_614] : memref<25600xi32, #tpu.memory_space<vmem>> -> memref<512xi32, #tpu.memory_space<vmem>>
    %dma_wait3A_616 = tpu.memref_slice %arg2[%add3A_283] : memref<819200xi32, #tpu.memory_space<hbm>> -> memref<512xi32, #tpu.memory_space<hbm>>
    tpu.wait_dma2 semaphore(%arg10 : memref<!tpu.dma_semaphore, #tpu.memory_space<semaphore_mem>>) src(%dma_wait3A_616 : memref<512xi32, #tpu.memory_space<hbm>>) dst(%dma_wait3A_615 : memref<512xi32, #tpu.memory_space<vmem>>)
    %dma_wait3A_617 = arith.constant 18432 : i32
    %dma_wait3A_618 = tpu.memref_slice %arg5[%dma_wait3A_617] : memref<25600xi32, #tpu.memory_space<vmem>> -> memref<512xi32, #tpu.memory_space<vmem>>
    %dma_wait3A_619 = tpu.memref_slice %arg2[%add3A_291] : memref<819200xi32, #tpu.memory_space<hbm>> -> memref<512xi32, #tpu.memory_space<hbm>>
    %dma_wait3A_620 = arith.constant 18432 : i32
    %dma_wait3A_621 = tpu.memref_slice %arg5[%dma_wait3A_620] : memref<25600xi32, #tpu.memory_space<vmem>> -> memref<512xi32, #tpu.memory_space<vmem>>
    %dma_wait3A_622 = tpu.memref_slice %arg2[%add3A_291] : memref<819200xi32, #tpu.memory_space<hbm>> -> memref<512xi32, #tpu.memory_space<hbm>>
    tpu.wait_dma2 semaphore(%arg10 : memref<!tpu.dma_semaphore, #tpu.memory_space<semaphore_mem>>) src(%dma_wait3A_622 : memref<512xi32, #tpu.memory_space<hbm>>) dst(%dma_wait3A_621 : memref<512xi32, #tpu.memory_space<vmem>>)
    %dma_wait3A_623 = arith.constant 18944 : i32
    %dma_wait3A_624 = tpu.memref_slice %arg5[%dma_wait3A_623] : memref<25600xi32, #tpu.memory_space<vmem>> -> memref<512xi32, #tpu.memory_space<vmem>>
    %dma_wait3A_625 = tpu.memref_slice %arg2[%add3A_299] : memref<819200xi32, #tpu.memory_space<hbm>> -> memref<512xi32, #tpu.memory_space<hbm>>
    %dma_wait3A_626 = arith.constant 18944 : i32
    %dma_wait3A_627 = tpu.memref_slice %arg5[%dma_wait3A_626] : memref<25600xi32, #tpu.memory_space<vmem>> -> memref<512xi32, #tpu.memory_space<vmem>>
    %dma_wait3A_628 = tpu.memref_slice %arg2[%add3A_299] : memref<819200xi32, #tpu.memory_space<hbm>> -> memref<512xi32, #tpu.memory_space<hbm>>
    tpu.wait_dma2 semaphore(%arg10 : memref<!tpu.dma_semaphore, #tpu.memory_space<semaphore_mem>>) src(%dma_wait3A_628 : memref<512xi32, #tpu.memory_space<hbm>>) dst(%dma_wait3A_627 : memref<512xi32, #tpu.memory_space<vmem>>)
    %dma_wait3A_629 = arith.constant 19456 : i32
    %dma_wait3A_630 = tpu.memref_slice %arg5[%dma_wait3A_629] : memref<25600xi32, #tpu.memory_space<vmem>> -> memref<512xi32, #tpu.memory_space<vmem>>
    %dma_wait3A_631 = tpu.memref_slice %arg2[%add3A_307] : memref<819200xi32, #tpu.memory_space<hbm>> -> memref<512xi32, #tpu.memory_space<hbm>>
    %dma_wait3A_632 = arith.constant 19456 : i32
    %dma_wait3A_633 = tpu.memref_slice %arg5[%dma_wait3A_632] : memref<25600xi32, #tpu.memory_space<vmem>> -> memref<512xi32, #tpu.memory_space<vmem>>
    %dma_wait3A_634 = tpu.memref_slice %arg2[%add3A_307] : memref<819200xi32, #tpu.memory_space<hbm>> -> memref<512xi32, #tpu.memory_space<hbm>>
    tpu.wait_dma2 semaphore(%arg10 : memref<!tpu.dma_semaphore, #tpu.memory_space<semaphore_mem>>) src(%dma_wait3A_634 : memref<512xi32, #tpu.memory_space<hbm>>) dst(%dma_wait3A_633 : memref<512xi32, #tpu.memory_space<vmem>>)
    %dma_wait3A_635 = arith.constant 19968 : i32
    %dma_wait3A_636 = tpu.memref_slice %arg5[%dma_wait3A_635] : memref<25600xi32, #tpu.memory_space<vmem>> -> memref<512xi32, #tpu.memory_space<vmem>>
    %dma_wait3A_637 = tpu.memref_slice %arg2[%add3A_315] : memref<819200xi32, #tpu.memory_space<hbm>> -> memref<512xi32, #tpu.memory_space<hbm>>
    %dma_wait3A_638 = arith.constant 19968 : i32
    %dma_wait3A_639 = tpu.memref_slice %arg5[%dma_wait3A_638] : memref<25600xi32, #tpu.memory_space<vmem>> -> memref<512xi32, #tpu.memory_space<vmem>>
    %dma_wait3A_640 = tpu.memref_slice %arg2[%add3A_315] : memref<819200xi32, #tpu.memory_space<hbm>> -> memref<512xi32, #tpu.memory_space<hbm>>
    tpu.wait_dma2 semaphore(%arg10 : memref<!tpu.dma_semaphore, #tpu.memory_space<semaphore_mem>>) src(%dma_wait3A_640 : memref<512xi32, #tpu.memory_space<hbm>>) dst(%dma_wait3A_639 : memref<512xi32, #tpu.memory_space<vmem>>)
    %dma_wait3A_641 = arith.constant 20480 : i32
    %dma_wait3A_642 = tpu.memref_slice %arg5[%dma_wait3A_641] : memref<25600xi32, #tpu.memory_space<vmem>> -> memref<512xi32, #tpu.memory_space<vmem>>
    %dma_wait3A_643 = tpu.memref_slice %arg2[%add3A_323] : memref<819200xi32, #tpu.memory_space<hbm>> -> memref<512xi32, #tpu.memory_space<hbm>>
    %dma_wait3A_644 = arith.constant 20480 : i32
    %dma_wait3A_645 = tpu.memref_slice %arg5[%dma_wait3A_644] : memref<25600xi32, #tpu.memory_space<vmem>> -> memref<512xi32, #tpu.memory_space<vmem>>
    %dma_wait3A_646 = tpu.memref_slice %arg2[%add3A_323] : memref<819200xi32, #tpu.memory_space<hbm>> -> memref<512xi32, #tpu.memory_space<hbm>>
    tpu.wait_dma2 semaphore(%arg10 : memref<!tpu.dma_semaphore, #tpu.memory_space<semaphore_mem>>) src(%dma_wait3A_646 : memref<512xi32, #tpu.memory_space<hbm>>) dst(%dma_wait3A_645 : memref<512xi32, #tpu.memory_space<vmem>>)
    %dma_wait3A_647 = arith.constant 20992 : i32
    %dma_wait3A_648 = tpu.memref_slice %arg5[%dma_wait3A_647] : memref<25600xi32, #tpu.memory_space<vmem>> -> memref<512xi32, #tpu.memory_space<vmem>>
    %dma_wait3A_649 = tpu.memref_slice %arg2[%add3A_331] : memref<819200xi32, #tpu.memory_space<hbm>> -> memref<512xi32, #tpu.memory_space<hbm>>
    %dma_wait3A_650 = arith.constant 20992 : i32
    %dma_wait3A_651 = tpu.memref_slice %arg5[%dma_wait3A_650] : memref<25600xi32, #tpu.memory_space<vmem>> -> memref<512xi32, #tpu.memory_space<vmem>>
    %dma_wait3A_652 = tpu.memref_slice %arg2[%add3A_331] : memref<819200xi32, #tpu.memory_space<hbm>> -> memref<512xi32, #tpu.memory_space<hbm>>
    tpu.wait_dma2 semaphore(%arg10 : memref<!tpu.dma_semaphore, #tpu.memory_space<semaphore_mem>>) src(%dma_wait3A_652 : memref<512xi32, #tpu.memory_space<hbm>>) dst(%dma_wait3A_651 : memref<512xi32, #tpu.memory_space<vmem>>)
    %dma_wait3A_653 = arith.constant 21504 : i32
    %dma_wait3A_654 = tpu.memref_slice %arg5[%dma_wait3A_653] : memref<25600xi32, #tpu.memory_space<vmem>> -> memref<512xi32, #tpu.memory_space<vmem>>
    %dma_wait3A_655 = tpu.memref_slice %arg2[%add3A_339] : memref<819200xi32, #tpu.memory_space<hbm>> -> memref<512xi32, #tpu.memory_space<hbm>>
    %dma_wait3A_656 = arith.constant 21504 : i32
    %dma_wait3A_657 = tpu.memref_slice %arg5[%dma_wait3A_656] : memref<25600xi32, #tpu.memory_space<vmem>> -> memref<512xi32, #tpu.memory_space<vmem>>
    %dma_wait3A_658 = tpu.memref_slice %arg2[%add3A_339] : memref<819200xi32, #tpu.memory_space<hbm>> -> memref<512xi32, #tpu.memory_space<hbm>>
    tpu.wait_dma2 semaphore(%arg10 : memref<!tpu.dma_semaphore, #tpu.memory_space<semaphore_mem>>) src(%dma_wait3A_658 : memref<512xi32, #tpu.memory_space<hbm>>) dst(%dma_wait3A_657 : memref<512xi32, #tpu.memory_space<vmem>>)
    %dma_wait3A_659 = arith.constant 22016 : i32
    %dma_wait3A_660 = tpu.memref_slice %arg5[%dma_wait3A_659] : memref<25600xi32, #tpu.memory_space<vmem>> -> memref<512xi32, #tpu.memory_space<vmem>>
    %dma_wait3A_661 = tpu.memref_slice %arg2[%add3A_347] : memref<819200xi32, #tpu.memory_space<hbm>> -> memref<512xi32, #tpu.memory_space<hbm>>
    %dma_wait3A_662 = arith.constant 22016 : i32
    %dma_wait3A_663 = tpu.memref_slice %arg5[%dma_wait3A_662] : memref<25600xi32, #tpu.memory_space<vmem>> -> memref<512xi32, #tpu.memory_space<vmem>>
    %dma_wait3A_664 = tpu.memref_slice %arg2[%add3A_347] : memref<819200xi32, #tpu.memory_space<hbm>> -> memref<512xi32, #tpu.memory_space<hbm>>
    tpu.wait_dma2 semaphore(%arg10 : memref<!tpu.dma_semaphore, #tpu.memory_space<semaphore_mem>>) src(%dma_wait3A_664 : memref<512xi32, #tpu.memory_space<hbm>>) dst(%dma_wait3A_663 : memref<512xi32, #tpu.memory_space<vmem>>)
    %dma_wait3A_665 = arith.constant 22528 : i32
    %dma_wait3A_666 = tpu.memref_slice %arg5[%dma_wait3A_665] : memref<25600xi32, #tpu.memory_space<vmem>> -> memref<512xi32, #tpu.memory_space<vmem>>
    %dma_wait3A_667 = tpu.memref_slice %arg2[%add3A_355] : memref<819200xi32, #tpu.memory_space<hbm>> -> memref<512xi32, #tpu.memory_space<hbm>>
    %dma_wait3A_668 = arith.constant 22528 : i32
    %dma_wait3A_669 = tpu.memref_slice %arg5[%dma_wait3A_668] : memref<25600xi32, #tpu.memory_space<vmem>> -> memref<512xi32, #tpu.memory_space<vmem>>
    %dma_wait3A_670 = tpu.memref_slice %arg2[%add3A_355] : memref<819200xi32, #tpu.memory_space<hbm>> -> memref<512xi32, #tpu.memory_space<hbm>>
    tpu.wait_dma2 semaphore(%arg10 : memref<!tpu.dma_semaphore, #tpu.memory_space<semaphore_mem>>) src(%dma_wait3A_670 : memref<512xi32, #tpu.memory_space<hbm>>) dst(%dma_wait3A_669 : memref<512xi32, #tpu.memory_space<vmem>>)
    %dma_wait3A_671 = arith.constant 23040 : i32
    %dma_wait3A_672 = tpu.memref_slice %arg5[%dma_wait3A_671] : memref<25600xi32, #tpu.memory_space<vmem>> -> memref<512xi32, #tpu.memory_space<vmem>>
    %dma_wait3A_673 = tpu.memref_slice %arg2[%add3A_363] : memref<819200xi32, #tpu.memory_space<hbm>> -> memref<512xi32, #tpu.memory_space<hbm>>
    %dma_wait3A_674 = arith.constant 23040 : i32
    %dma_wait3A_675 = tpu.memref_slice %arg5[%dma_wait3A_674] : memref<25600xi32, #tpu.memory_space<vmem>> -> memref<512xi32, #tpu.memory_space<vmem>>
    %dma_wait3A_676 = tpu.memref_slice %arg2[%add3A_363] : memref<819200xi32, #tpu.memory_space<hbm>> -> memref<512xi32, #tpu.memory_space<hbm>>
    tpu.wait_dma2 semaphore(%arg10 : memref<!tpu.dma_semaphore, #tpu.memory_space<semaphore_mem>>) src(%dma_wait3A_676 : memref<512xi32, #tpu.memory_space<hbm>>) dst(%dma_wait3A_675 : memref<512xi32, #tpu.memory_space<vmem>>)
    %dma_wait3A_677 = arith.constant 23552 : i32
    %dma_wait3A_678 = tpu.memref_slice %arg5[%dma_wait3A_677] : memref<25600xi32, #tpu.memory_space<vmem>> -> memref<512xi32, #tpu.memory_space<vmem>>
    %dma_wait3A_679 = tpu.memref_slice %arg2[%add3A_371] : memref<819200xi32, #tpu.memory_space<hbm>> -> memref<512xi32, #tpu.memory_space<hbm>>
    %dma_wait3A_680 = arith.constant 23552 : i32
    %dma_wait3A_681 = tpu.memref_slice %arg5[%dma_wait3A_680] : memref<25600xi32, #tpu.memory_space<vmem>> -> memref<512xi32, #tpu.memory_space<vmem>>
    %dma_wait3A_682 = tpu.memref_slice %arg2[%add3A_371] : memref<819200xi32, #tpu.memory_space<hbm>> -> memref<512xi32, #tpu.memory_space<hbm>>
    tpu.wait_dma2 semaphore(%arg10 : memref<!tpu.dma_semaphore, #tpu.memory_space<semaphore_mem>>) src(%dma_wait3A_682 : memref<512xi32, #tpu.memory_space<hbm>>) dst(%dma_wait3A_681 : memref<512xi32, #tpu.memory_space<vmem>>)
    %dma_wait3A_683 = arith.constant 24064 : i32
    %dma_wait3A_684 = tpu.memref_slice %arg5[%dma_wait3A_683] : memref<25600xi32, #tpu.memory_space<vmem>> -> memref<512xi32, #tpu.memory_space<vmem>>
    %dma_wait3A_685 = tpu.memref_slice %arg2[%add3A_379] : memref<819200xi32, #tpu.memory_space<hbm>> -> memref<512xi32, #tpu.memory_space<hbm>>
    %dma_wait3A_686 = arith.constant 24064 : i32
    %dma_wait3A_687 = tpu.memref_slice %arg5[%dma_wait3A_686] : memref<25600xi32, #tpu.memory_space<vmem>> -> memref<512xi32, #tpu.memory_space<vmem>>
    %dma_wait3A_688 = tpu.memref_slice %arg2[%add3A_379] : memref<819200xi32, #tpu.memory_space<hbm>> -> memref<512xi32, #tpu.memory_space<hbm>>
    tpu.wait_dma2 semaphore(%arg10 : memref<!tpu.dma_semaphore, #tpu.memory_space<semaphore_mem>>) src(%dma_wait3A_688 : memref<512xi32, #tpu.memory_space<hbm>>) dst(%dma_wait3A_687 : memref<512xi32, #tpu.memory_space<vmem>>)
    %dma_wait3A_689 = arith.constant 24576 : i32
    %dma_wait3A_690 = tpu.memref_slice %arg5[%dma_wait3A_689] : memref<25600xi32, #tpu.memory_space<vmem>> -> memref<512xi32, #tpu.memory_space<vmem>>
    %dma_wait3A_691 = tpu.memref_slice %arg2[%add3A_387] : memref<819200xi32, #tpu.memory_space<hbm>> -> memref<512xi32, #tpu.memory_space<hbm>>
    %dma_wait3A_692 = arith.constant 24576 : i32
    %dma_wait3A_693 = tpu.memref_slice %arg5[%dma_wait3A_692] : memref<25600xi32, #tpu.memory_space<vmem>> -> memref<512xi32, #tpu.memory_space<vmem>>
    %dma_wait3A_694 = tpu.memref_slice %arg2[%add3A_387] : memref<819200xi32, #tpu.memory_space<hbm>> -> memref<512xi32, #tpu.memory_space<hbm>>
    tpu.wait_dma2 semaphore(%arg10 : memref<!tpu.dma_semaphore, #tpu.memory_space<semaphore_mem>>) src(%dma_wait3A_694 : memref<512xi32, #tpu.memory_space<hbm>>) dst(%dma_wait3A_693 : memref<512xi32, #tpu.memory_space<vmem>>)
    %dma_wait3A_695 = arith.constant 25088 : i32
    %dma_wait3A_696 = tpu.memref_slice %arg5[%dma_wait3A_695] : memref<25600xi32, #tpu.memory_space<vmem>> -> memref<512xi32, #tpu.memory_space<vmem>>
    %dma_wait3A_697 = tpu.memref_slice %arg2[%add3A_395] : memref<819200xi32, #tpu.memory_space<hbm>> -> memref<512xi32, #tpu.memory_space<hbm>>
    %dma_wait3A_698 = arith.constant 25088 : i32
    %dma_wait3A_699 = tpu.memref_slice %arg5[%dma_wait3A_698] : memref<25600xi32, #tpu.memory_space<vmem>> -> memref<512xi32, #tpu.memory_space<vmem>>
    %dma_wait3A_700 = tpu.memref_slice %arg2[%add3A_395] : memref<819200xi32, #tpu.memory_space<hbm>> -> memref<512xi32, #tpu.memory_space<hbm>>
    tpu.wait_dma2 semaphore(%arg10 : memref<!tpu.dma_semaphore, #tpu.memory_space<semaphore_mem>>) src(%dma_wait3A_700 : memref<512xi32, #tpu.memory_space<hbm>>) dst(%dma_wait3A_699 : memref<512xi32, #tpu.memory_space<vmem>>)
    %parallel_loop3A = arith.constant 0 : i32
    %parallel_loop3A_701 = arith.constant 1600 : i32
    %parallel_loop3A_702 = arith.constant 1 : i32
    scf.for %parallel_loop3A_781 = %parallel_loop3A to %parallel_loop3A_701 step %parallel_loop3A_702  : i32 {
      %parallel_loop3A_782 = arith.constant 16 : i32
      %parallel_loop3A_783 = arith.muli %parallel_loop3A_781, %parallel_loop3A_782 : i32
      %parallel_loop3A_784 = arith.index_cast %parallel_loop3A_783 : i32 to index
      %parallel_loop3A_785 = tpu.vector_load %arg5[%parallel_loop3A_784] {strides = array<i32>} : memref<25600xi32, #tpu.memory_space<vmem>>, vector<16xi32>,
      %parallel_loop3A_786 = arith.constant -8192 : i32
      %parallel_loop3A_787 = vector.broadcast %parallel_loop3A_786 : i32 to vector<16xi32>
      %parallel_loop3A_788 = arith.andi %parallel_loop3A_785, %parallel_loop3A_787 : vector<16xi32>
      %parallel_loop3A_789 = arith.constant 2047 : i32
      %parallel_loop3A_790 = vector.broadcast %parallel_loop3A_789 : i32 to vector<16xi32>
      %parallel_loop3A_791 = arith.andi %parallel_loop3A_785, %parallel_loop3A_790 : vector<16xi32>
      %parallel_loop3A_792 = arith.constant 2 : i32
      %parallel_loop3A_793 = vector.broadcast %parallel_loop3A_792 : i32 to vector<16xi32>
      %parallel_loop3A_794 = arith.shli %parallel_loop3A_791, %parallel_loop3A_793 : vector<16xi32>
      %parallel_loop3A_795 = arith.ori %parallel_loop3A_788, %parallel_loop3A_794 : vector<16xi32>
      %parallel_loop3A_796 = arith.constant 8191 : i32
      %parallel_loop3A_797 = vector.broadcast %parallel_loop3A_796 : i32 to vector<16xi32>
      %parallel_loop3A_798 = arith.andi %parallel_loop3A_785, %parallel_loop3A_797 : vector<16xi32>
      %parallel_loop3A_799 = arith.constant 11 : i32
      %parallel_loop3A_800 = vector.broadcast %parallel_loop3A_799 : i32 to vector<16xi32>
      %parallel_loop3A_801 = arith.shrsi %parallel_loop3A_798, %parallel_loop3A_800 : vector<16xi32>
      %parallel_loop3A_802 = arith.ori %parallel_loop3A_795, %parallel_loop3A_801 : vector<16xi32>
      %parallel_loop3A_803 = arith.constant 16 : i32
      %parallel_loop3A_804 = arith.muli %parallel_loop3A_781, %parallel_loop3A_803 : i32
      %parallel_loop3A_805 = arith.index_cast %parallel_loop3A_804 : i32 to index
      %parallel_loop3A_806 = tpu.vector_load %arg5[%parallel_loop3A_805] {strides = array<i32>} : memref<25600xi32, #tpu.memory_space<vmem>>, vector<16xi32>,
      tpu.vector_store %arg5[%parallel_loop3A_805], %parallel_loop3A_802 {strides = array<i32>} : memref<25600xi32, #tpu.memory_space<vmem>>, vector<16xi32>,
    } {sc.loop_unroll_factor = 8 : i64, sc.parallel_access}
    %iota3A = tpu.iota {dimensions = array<i32: 0>} : vector<16xi32>
    %add3A_703 = arith.constant 0 : i32
    %add3A_704 = vector.broadcast %add3A_703 : i32 to vector<16xi32>
    %add3A_705 = arith.addi %iota3A, %add3A_704 : vector<16xi32>
    %shift_right_arithmetic3A = arith.constant 3 : i32
    %shift_right_arithmetic3A_706 = vector.broadcast %shift_right_arithmetic3A : i32 to vector<16xi32>
    %shift_right_arithmetic3A_707 = arith.shrsi %add3A_705, %shift_right_arithmetic3A_706 : vector<16xi32>
    %add3A_708 = arith.constant 0 : i32
    %add3A_709 = vector.broadcast %add3A_708 : i32 to vector<16xi32>
    %add3A_710 = arith.addi %iota3A, %add3A_709 : vector<16xi32>
    %and3A = arith.constant 7 : i32
    %and3A_711 = vector.broadcast %and3A : i32 to vector<16xi32>
    %and3A_712 = arith.andi %add3A_710, %and3A_711 : vector<16xi32>
    %add3A_713 = arith.constant 16 : i32
    %add3A_714 = vector.broadcast %add3A_713 : i32 to vector<16xi32>
    %add3A_715 = arith.addi %iota3A, %add3A_714 : vector<16xi32>
    %shift_right_arithmetic3A_716 = arith.constant 3 : i32
    %shift_right_arithmetic3A_717 = vector.broadcast %shift_right_arithmetic3A_716 : i32 to vector<16xi32>
    %shift_right_arithmetic3A_718 = arith.shrsi %add3A_715, %shift_right_arithmetic3A_717 : vector<16xi32>
    %add3A_719 = arith.constant 16 : i32
    %add3A_720 = vector.broadcast %add3A_719 : i32 to vector<16xi32>
    %add3A_721 = arith.addi %iota3A, %add3A_720 : vector<16xi32>
    %and3A_722 = arith.constant 7 : i32
    %and3A_723 = vector.broadcast %and3A_722 : i32 to vector<16xi32>
    %and3A_724 = arith.andi %add3A_721, %and3A_723 : vector<16xi32>
    %dma_start3A_725 = arith.constant 0 : i32
    %dma_start3A_726 = tpu.memref_slice %arg5[%dma_start3A_725] : memref<25600xi32, #tpu.memory_space<vmem>> -> memref<128xi32, #tpu.memory_space<vmem>>
    %dma_start3A_727 = arith.constant 0 : i32
    %dma_start3A_728 = arith.constant 0 : i32
    %dma_start3A_729 = tpu.memref_slice %arg3[%dma_start3A_727, %dma_start3A_728] : memref<1007616x32xf32, #tpu.memory_space<hbm>> -> memref<1007616x32xf32, #tpu.memory_space<hbm>>
    tpu.enqueue_indirect_dma source(%dma_start3A_729 : memref<1007616x32xf32, #tpu.memory_space<hbm>>) target(%arg6 : memref<128x32xf32, #tpu.memory_space<vmem>>) offsets(%dma_start3A_726 : memref<128xi32, #tpu.memory_space<vmem>>) semaphore(%arg10 : memref<!tpu.dma_semaphore, #tpu.memory_space<semaphore_mem>>)
    %dma_start3A_730 = arith.constant 128 : i32
    %dma_start3A_731 = tpu.memref_slice %arg5[%dma_start3A_730] : memref<25600xi32, #tpu.memory_space<vmem>> -> memref<128xi32, #tpu.memory_space<vmem>>
    %dma_start3A_732 = arith.constant 0 : i32
    %dma_start3A_733 = arith.constant 0 : i32
    %dma_start3A_734 = tpu.memref_slice %arg3[%dma_start3A_732, %dma_start3A_733] : memref<1007616x32xf32, #tpu.memory_space<hbm>> -> memref<1007616x32xf32, #tpu.memory_space<hbm>>
    tpu.enqueue_indirect_dma source(%dma_start3A_734 : memref<1007616x32xf32, #tpu.memory_space<hbm>>) target(%arg7 : memref<128x32xf32, #tpu.memory_space<vmem>>) offsets(%dma_start3A_731 : memref<128xi32, #tpu.memory_space<vmem>>) semaphore(%arg10 : memref<!tpu.dma_semaphore, #tpu.memory_space<semaphore_mem>>)
    %scan3A = arith.constant 0 : i32
    %scan3A_735 = arith.constant 0 : i32
    %scan3A_736 = arith.constant 100 : i32
    %scan3A_737 = arith.addi %scan3A_735, %scan3A_736 : i32
    %scan3A_738 = arith.constant 1 : i32
    %scan3A_739 = scf.for %scan3A_781 = %scan3A_735 to %scan3A_737 step %scan3A_738 iter_args(%scan3A_782 = %scan3A) -> (i32)  : i32 {
      %mul3A_783 = arith.constant 2 : i32
      %mul3A_784 = arith.muli %mul3A_783, %scan3A_781 : i32
      %add3A_785 = arith.constant 0 : i32
      %add3A_786 = arith.addi %mul3A_784, %add3A_785 : i32
      %dma_wait3A_787 = arith.constant 0 : i32
      %dma_wait3A_788 = tpu.memref_slice %arg5[%dma_wait3A_787] : memref<25600xi32, #tpu.memory_space<vmem>> -> memref<128xi32, #tpu.memory_space<vmem>>
      %dma_wait3A_789 = arith.constant 0 : i32
      %dma_wait3A_790 = arith.constant 0 : i32
      %dma_wait3A_791 = tpu.memref_slice %arg3[%dma_wait3A_789, %dma_wait3A_790] : memref<1007616x32xf32, #tpu.memory_space<hbm>> -> memref<1007616x32xf32, #tpu.memory_space<hbm>>
      tpu.wait_indirect_dma semaphore(%arg10 : memref<!tpu.dma_semaphore, #tpu.memory_space<semaphore_mem>>) src(%dma_wait3A_791 : memref<1007616x32xf32, #tpu.memory_space<hbm>>) dst(%arg6 : memref<128x32xf32, #tpu.memory_space<vmem>>)
      %ge3A = arith.constant 2 : i32
      %ge3A_792 = arith.cmpi sge, %add3A_786, %ge3A : i32
      %convert_element_type3A = arith.extui %ge3A_792 : i1 to i32
      %cond3A = arith.constant 0 : i32
      %cond3A_793 = arith.cmpi ne, %convert_element_type3A, %cond3A : i32
      scf.if %cond3A_793 {
        %dma_wait3A_884 = arith.constant 0 : i32
        %dma_wait3A_885 = arith.constant 0 : i32
        %dma_wait3A_886 = arith.constant 0 : i32
        %dma_wait3A_887 = arith.constant 0 : i32
        %dma_wait3A_888 = arith.constant 0 : i32
        %dma_wait3A_889 = tpu.memref_slice %arg8[%dma_wait3A_886, %dma_wait3A_887, %dma_wait3A_888] : memref<4x8x129xf32, #tpu.memory_space<vmem>> -> memref<4x8x128xf32, #tpu.memory_space<vmem>>
        %dma_wait3A_890 = arith.constant 0 : i32
        %dma_wait3A_891 = arith.constant 0 : i32
        %dma_wait3A_892 = arith.constant 0 : i32
        %dma_wait3A_893 = tpu.memref_slice %arg4[%dma_wait3A_884, %dma_wait3A_890, %dma_wait3A_885, %dma_wait3A_891, %dma_wait3A_892] : memref<50x4x128x8x128xf32, #tpu.memory_space<hbm>> -> memref<1x4x1x8x128xf32, #tpu.memory_space<hbm>>
        %dma_wait3A_894 = tpu.memref_squeeze %dma_wait3A_893 : memref<1x4x1x8x128xf32, #tpu.memory_space<hbm>> -> memref<4x8x128xf32, #tpu.memory_space<hbm>>
        %dma_wait3A_895 = arith.constant 0 : i32
        %dma_wait3A_896 = arith.constant 0 : i32
        %dma_wait3A_897 = arith.constant 0 : i32
        %dma_wait3A_898 = tpu.memref_slice %arg4[%dma_wait3A_884, %dma_wait3A_895, %dma_wait3A_885, %dma_wait3A_896, %dma_wait3A_897] : memref<50x4x128x8x128xf32, #tpu.memory_space<hbm>> -> memref<1x4x1x8x128xf32, #tpu.memory_space<hbm>>
        %dma_wait3A_899 = tpu.memref_squeeze %dma_wait3A_898 : memref<1x4x1x8x128xf32, #tpu.memory_space<hbm>> -> memref<4x8x128xf32, #tpu.memory_space<hbm>>
        %dma_wait3A_900 = arith.constant 0 : i32
        %dma_wait3A_901 = arith.constant 0 : i32
        %dma_wait3A_902 = arith.constant 0 : i32
        %dma_wait3A_903 = tpu.memref_slice %arg8[%dma_wait3A_900, %dma_wait3A_901, %dma_wait3A_902] : memref<4x8x129xf32, #tpu.memory_space<vmem>> -> memref<4x8x128xf32, #tpu.memory_space<vmem>>
        tpu.wait_dma2 semaphore(%arg11 : memref<!tpu.dma_semaphore, #tpu.memory_space<semaphore_mem>>) src(%dma_wait3A_903 : memref<4x8x128xf32, #tpu.memory_space<vmem>>) dst(%dma_wait3A_899 : memref<4x8x128xf32, #tpu.memory_space<hbm>>)
      } else {
      }
      %parallel_loop3A_794 = arith.constant 0 : i32
      %parallel_loop3A_795 = arith.constant 128 : i32
      %parallel_loop3A_796 = arith.constant 1 : i32
      scf.for %parallel_loop3A_884 = %parallel_loop3A_794 to %parallel_loop3A_795 step %parallel_loop3A_796  : i32 {
        %parallel_loop3A_885 = arith.index_cast %parallel_loop3A_884 : i32 to index
        %parallel_loop3A_886 = arith.constant 0 : index
        %parallel_loop3A_887 = tpu.vector_load %arg6[%parallel_loop3A_885, %parallel_loop3A_886] {strides = array<i32>} : memref<128x32xf32, #tpu.memory_space<vmem>>, vector<16xf32>,
        %parallel_loop3A_888 = arith.constant 0 : i32
        %parallel_loop3A_889 = vector.broadcast %parallel_loop3A_888 : i32 to vector<16xi32>
        %parallel_loop3A_890 = vector.broadcast %parallel_loop3A_884 : i32 to vector<16xi32>
        %parallel_loop3A_891 = arith.addi %parallel_loop3A_889, %parallel_loop3A_890 : vector<16xi32>
        tpu.vector_store_idx %arg8[%shift_right_arithmetic3A_707, %and3A_712, %parallel_loop3A_891], %parallel_loop3A_887 : memref<4x8x129xf32, #tpu.memory_space<vmem>>[vector<16xi32>, vector<16xi32>, vector<16xi32>], vector<16xf32>,
      } {sc.loop_unroll_factor = 8 : i64, sc.parallel_access}
      %parallel_loop3A_797 = arith.constant 0 : i32
      %parallel_loop3A_798 = arith.constant 128 : i32
      %parallel_loop3A_799 = arith.constant 1 : i32
      scf.for %parallel_loop3A_884 = %parallel_loop3A_797 to %parallel_loop3A_798 step %parallel_loop3A_799  : i32 {
        %parallel_loop3A_885 = arith.index_cast %parallel_loop3A_884 : i32 to index
        %parallel_loop3A_886 = arith.constant 16 : index
        %parallel_loop3A_887 = tpu.vector_load %arg6[%parallel_loop3A_885, %parallel_loop3A_886] {strides = array<i32>} : memref<128x32xf32, #tpu.memory_space<vmem>>, vector<16xf32>,
        %parallel_loop3A_888 = arith.constant 0 : i32
        %parallel_loop3A_889 = vector.broadcast %parallel_loop3A_888 : i32 to vector<16xi32>
        %parallel_loop3A_890 = vector.broadcast %parallel_loop3A_884 : i32 to vector<16xi32>
        %parallel_loop3A_891 = arith.addi %parallel_loop3A_889, %parallel_loop3A_890 : vector<16xi32>
        tpu.vector_store_idx %arg8[%shift_right_arithmetic3A_718, %and3A_724, %parallel_loop3A_891], %parallel_loop3A_887 : memref<4x8x129xf32, #tpu.memory_space<vmem>>[vector<16xi32>, vector<16xi32>, vector<16xi32>], vector<16xf32>,
      } {sc.loop_unroll_factor = 8 : i64, sc.parallel_access}
      %add3A_800 = arith.constant 2 : i32
      %add3A_801 = arith.addi %add3A_786, %add3A_800 : i32
      %lt3A = arith.constant 200 : i32
      %lt3A_802 = arith.cmpi slt, %add3A_801, %lt3A : i32
      %convert_element_type3A_803 = arith.extui %lt3A_802 : i1 to i32
      %cond3A_804 = arith.constant 0 : i32
      %cond3A_805 = arith.cmpi ne, %convert_element_type3A_803, %cond3A_804 : i32
      scf.if %cond3A_805 {
        %add3A_884 = arith.constant 2 : i32
        %add3A_885 = arith.addi %add3A_786, %add3A_884 : i32
        %mul3A_886 = arith.constant 128 : i32
        %mul3A_887 = arith.muli %add3A_885, %mul3A_886 : i32
        %dma_start3A_888 = tpu.memref_slice %arg5[%mul3A_887] : memref<25600xi32, #tpu.memory_space<vmem>> -> memref<128xi32, #tpu.memory_space<vmem>>
        %dma_start3A_889 = arith.constant 0 : i32
        %dma_start3A_890 = arith.constant 0 : i32
        %dma_start3A_891 = tpu.memref_slice %arg3[%dma_start3A_889, %dma_start3A_890] : memref<1007616x32xf32, #tpu.memory_space<hbm>> -> memref<1007616x32xf32, #tpu.memory_space<hbm>>
        tpu.enqueue_indirect_dma source(%dma_start3A_891 : memref<1007616x32xf32, #tpu.memory_space<hbm>>) target(%arg6 : memref<128x32xf32, #tpu.memory_space<vmem>>) offsets(%dma_start3A_888 : memref<128xi32, #tpu.memory_space<vmem>>) semaphore(%arg10 : memref<!tpu.dma_semaphore, #tpu.memory_space<semaphore_mem>>)
      } else {
      }
      %shift_right_arithmetic3A_806 = arith.constant 2 : i32
      %shift_right_arithmetic3A_807 = arith.shrsi %add3A_786, %shift_right_arithmetic3A_806 : i32
      %and3A_808 = arith.constant 3 : i32
      %and3A_809 = arith.andi %add3A_786, %and3A_808 : i32
      %mul3A_810 = arith.constant 4 : i32
      %mul3A_811 = arith.muli %add3A, %mul3A_810 : i32
      %add3A_812 = arith.addi %mul3A_811, %and3A_809 : i32
      %dma_start3A_813 = arith.constant 0 : i32
      %dma_start3A_814 = arith.constant 0 : i32
      %dma_start3A_815 = arith.constant 0 : i32
      %dma_start3A_816 = tpu.memref_slice %arg8[%dma_start3A_813, %dma_start3A_814, %dma_start3A_815] : memref<4x8x129xf32, #tpu.memory_space<vmem>> -> memref<4x8x128xf32, #tpu.memory_space<vmem>>
      %dma_start3A_817 = arith.constant 0 : i32
      %dma_start3A_818 = arith.constant 0 : i32
      %dma_start3A_819 = arith.constant 0 : i32
      %dma_start3A_820 = tpu.memref_slice %arg4[%shift_right_arithmetic3A_807, %dma_start3A_817, %add3A_812, %dma_start3A_818, %dma_start3A_819] : memref<50x4x128x8x128xf32, #tpu.memory_space<hbm>> -> memref<1x4x1x8x128xf32, #tpu.memory_space<hbm>>
      %dma_start3A_821 = tpu.memref_squeeze %dma_start3A_820 : memref<1x4x1x8x128xf32, #tpu.memory_space<hbm>> -> memref<4x8x128xf32, #tpu.memory_space<hbm>>
      %dma_start3A_822 = arith.constant 0 : i32
      %dma_start3A_823 = arith.constant 0 : i32
      %dma_start3A_824 = arith.constant 0 : i32
      %dma_start3A_825 = tpu.memref_slice %arg4[%shift_right_arithmetic3A_807, %dma_start3A_822, %add3A_812, %dma_start3A_823, %dma_start3A_824] : memref<50x4x128x8x128xf32, #tpu.memory_space<hbm>> -> memref<1x4x1x8x128xf32, #tpu.memory_space<hbm>>
      %dma_start3A_826 = tpu.memref_squeeze %dma_start3A_825 : memref<1x4x1x8x128xf32, #tpu.memory_space<hbm>> -> memref<4x8x128xf32, #tpu.memory_space<hbm>>
      %dma_start3A_827 = arith.constant 0 : i32
      %dma_start3A_828 = arith.constant 0 : i32
      %dma_start3A_829 = arith.constant 0 : i32
      %dma_start3A_830 = tpu.memref_slice %arg8[%dma_start3A_827, %dma_start3A_828, %dma_start3A_829] : memref<4x8x129xf32, #tpu.memory_space<vmem>> -> memref<4x8x128xf32, #tpu.memory_space<vmem>>
      tpu.enqueue_dma source(%dma_start3A_830 : memref<4x8x128xf32, #tpu.memory_space<vmem>>) target(%dma_start3A_826 : memref<4x8x128xf32, #tpu.memory_space<hbm>>) target_semaphore(%arg11 : memref<!tpu.dma_semaphore, #tpu.memory_space<semaphore_mem>>)
      %mul3A_831 = arith.constant 2 : i32
      %mul3A_832 = arith.muli %mul3A_831, %scan3A_781 : i32
      %add3A_833 = arith.constant 1 : i32
      %add3A_834 = arith.addi %mul3A_832, %add3A_833 : i32
      %dma_wait3A_835 = arith.constant 128 : i32
      %dma_wait3A_836 = tpu.memref_slice %arg5[%dma_wait3A_835] : memref<25600xi32, #tpu.memory_space<vmem>> -> memref<128xi32, #tpu.memory_space<vmem>>
      %dma_wait3A_837 = arith.constant 0 : i32
      %dma_wait3A_838 = arith.constant 0 : i32
      %dma_wait3A_839 = tpu.memref_slice %arg3[%dma_wait3A_837, %dma_wait3A_838] : memref<1007616x32xf32, #tpu.memory_space<hbm>> -> memref<1007616x32xf32, #tpu.memory_space<hbm>>
      tpu.wait_indirect_dma semaphore(%arg10 : memref<!tpu.dma_semaphore, #tpu.memory_space<semaphore_mem>>) src(%dma_wait3A_839 : memref<1007616x32xf32, #tpu.memory_space<hbm>>) dst(%arg7 : memref<128x32xf32, #tpu.memory_space<vmem>>)
      %ge3A_840 = arith.constant 2 : i32
      %ge3A_841 = arith.cmpi sge, %add3A_834, %ge3A_840 : i32
      %convert_element_type3A_842 = arith.extui %ge3A_841 : i1 to i32
      %cond3A_843 = arith.constant 0 : i32
      %cond3A_844 = arith.cmpi ne, %convert_element_type3A_842, %cond3A_843 : i32
      scf.if %cond3A_844 {
        %dma_wait3A_884 = arith.constant 0 : i32
        %dma_wait3A_885 = arith.constant 0 : i32
        %dma_wait3A_886 = arith.constant 0 : i32
        %dma_wait3A_887 = arith.constant 0 : i32
        %dma_wait3A_888 = arith.constant 0 : i32
        %dma_wait3A_889 = tpu.memref_slice %arg8[%dma_wait3A_886, %dma_wait3A_887, %dma_wait3A_888] : memref<4x8x129xf32, #tpu.memory_space<vmem>> -> memref<4x8x128xf32, #tpu.memory_space<vmem>>
        %dma_wait3A_890 = arith.constant 0 : i32
        %dma_wait3A_891 = arith.constant 0 : i32
        %dma_wait3A_892 = arith.constant 0 : i32
        %dma_wait3A_893 = tpu.memref_slice %arg4[%dma_wait3A_884, %dma_wait3A_890, %dma_wait3A_885, %dma_wait3A_891, %dma_wait3A_892] : memref<50x4x128x8x128xf32, #tpu.memory_space<hbm>> -> memref<1x4x1x8x128xf32, #tpu.memory_space<hbm>>
        %dma_wait3A_894 = tpu.memref_squeeze %dma_wait3A_893 : memref<1x4x1x8x128xf32, #tpu.memory_space<hbm>> -> memref<4x8x128xf32, #tpu.memory_space<hbm>>
        %dma_wait3A_895 = arith.constant 0 : i32
        %dma_wait3A_896 = arith.constant 0 : i32
        %dma_wait3A_897 = arith.constant 0 : i32
        %dma_wait3A_898 = tpu.memref_slice %arg4[%dma_wait3A_884, %dma_wait3A_895, %dma_wait3A_885, %dma_wait3A_896, %dma_wait3A_897] : memref<50x4x128x8x128xf32, #tpu.memory_space<hbm>> -> memref<1x4x1x8x128xf32, #tpu.memory_space<hbm>>
        %dma_wait3A_899 = tpu.memref_squeeze %dma_wait3A_898 : memref<1x4x1x8x128xf32, #tpu.memory_space<hbm>> -> memref<4x8x128xf32, #tpu.memory_space<hbm>>
        %dma_wait3A_900 = arith.constant 0 : i32
        %dma_wait3A_901 = arith.constant 0 : i32
        %dma_wait3A_902 = arith.constant 0 : i32
        %dma_wait3A_903 = tpu.memref_slice %arg8[%dma_wait3A_900, %dma_wait3A_901, %dma_wait3A_902] : memref<4x8x129xf32, #tpu.memory_space<vmem>> -> memref<4x8x128xf32, #tpu.memory_space<vmem>>
        tpu.wait_dma2 semaphore(%arg11 : memref<!tpu.dma_semaphore, #tpu.memory_space<semaphore_mem>>) src(%dma_wait3A_903 : memref<4x8x128xf32, #tpu.memory_space<vmem>>) dst(%dma_wait3A_899 : memref<4x8x128xf32, #tpu.memory_space<hbm>>)
      } else {
      }
      %parallel_loop3A_845 = arith.constant 0 : i32
      %parallel_loop3A_846 = arith.constant 128 : i32
      %parallel_loop3A_847 = arith.constant 1 : i32
      scf.for %parallel_loop3A_884 = %parallel_loop3A_845 to %parallel_loop3A_846 step %parallel_loop3A_847  : i32 {
        %parallel_loop3A_885 = arith.index_cast %parallel_loop3A_884 : i32 to index
        %parallel_loop3A_886 = arith.constant 0 : index
        %parallel_loop3A_887 = tpu.vector_load %arg7[%parallel_loop3A_885, %parallel_loop3A_886] {strides = array<i32>} : memref<128x32xf32, #tpu.memory_space<vmem>>, vector<16xf32>,
        %parallel_loop3A_888 = arith.constant 0 : i32
        %parallel_loop3A_889 = vector.broadcast %parallel_loop3A_888 : i32 to vector<16xi32>
        %parallel_loop3A_890 = vector.broadcast %parallel_loop3A_884 : i32 to vector<16xi32>
        %parallel_loop3A_891 = arith.addi %parallel_loop3A_889, %parallel_loop3A_890 : vector<16xi32>
        tpu.vector_store_idx %arg9[%shift_right_arithmetic3A_707, %and3A_712, %parallel_loop3A_891], %parallel_loop3A_887 : memref<4x8x129xf32, #tpu.memory_space<vmem>>[vector<16xi32>, vector<16xi32>, vector<16xi32>], vector<16xf32>,
      } {sc.loop_unroll_factor = 8 : i64, sc.parallel_access}
      %parallel_loop3A_848 = arith.constant 0 : i32
      %parallel_loop3A_849 = arith.constant 128 : i32
      %parallel_loop3A_850 = arith.constant 1 : i32
      scf.for %parallel_loop3A_884 = %parallel_loop3A_848 to %parallel_loop3A_849 step %parallel_loop3A_850  : i32 {
        %parallel_loop3A_885 = arith.index_cast %parallel_loop3A_884 : i32 to index
        %parallel_loop3A_886 = arith.constant 16 : index
        %parallel_loop3A_887 = tpu.vector_load %arg7[%parallel_loop3A_885, %parallel_loop3A_886] {strides = array<i32>} : memref<128x32xf32, #tpu.memory_space<vmem>>, vector<16xf32>,
        %parallel_loop3A_888 = arith.constant 0 : i32
        %parallel_loop3A_889 = vector.broadcast %parallel_loop3A_888 : i32 to vector<16xi32>
        %parallel_loop3A_890 = vector.broadcast %parallel_loop3A_884 : i32 to vector<16xi32>
        %parallel_loop3A_891 = arith.addi %parallel_loop3A_889, %parallel_loop3A_890 : vector<16xi32>
        tpu.vector_store_idx %arg9[%shift_right_arithmetic3A_718, %and3A_724, %parallel_loop3A_891], %parallel_loop3A_887 : memref<4x8x129xf32, #tpu.memory_space<vmem>>[vector<16xi32>, vector<16xi32>, vector<16xi32>], vector<16xf32>,
      } {sc.loop_unroll_factor = 8 : i64, sc.parallel_access}
      %add3A_851 = arith.constant 2 : i32
      %add3A_852 = arith.addi %add3A_834, %add3A_851 : i32
      %lt3A_853 = arith.constant 200 : i32
      %lt3A_854 = arith.cmpi slt, %add3A_852, %lt3A_853 : i32
      %convert_element_type3A_855 = arith.extui %lt3A_854 : i1 to i32
      %cond3A_856 = arith.constant 0 : i32
      %cond3A_857 = arith.cmpi ne, %convert_element_type3A_855, %cond3A_856 : i32
      scf.if %cond3A_857 {
        %add3A_884 = arith.constant 2 : i32
        %add3A_885 = arith.addi %add3A_834, %add3A_884 : i32
        %mul3A_886 = arith.constant 128 : i32
        %mul3A_887 = arith.muli %add3A_885, %mul3A_886 : i32
        %dma_start3A_888 = tpu.memref_slice %arg5[%mul3A_887] : memref<25600xi32, #tpu.memory_space<vmem>> -> memref<128xi32, #tpu.memory_space<vmem>>
        %dma_start3A_889 = arith.constant 0 : i32
        %dma_start3A_890 = arith.constant 0 : i32
        %dma_start3A_891 = tpu.memref_slice %arg3[%dma_start3A_889, %dma_start3A_890] : memref<1007616x32xf32, #tpu.memory_space<hbm>> -> memref<1007616x32xf32, #tpu.memory_space<hbm>>
        tpu.enqueue_indirect_dma source(%dma_start3A_891 : memref<1007616x32xf32, #tpu.memory_space<hbm>>) target(%arg7 : memref<128x32xf32, #tpu.memory_space<vmem>>) offsets(%dma_start3A_888 : memref<128xi32, #tpu.memory_space<vmem>>) semaphore(%arg10 : memref<!tpu.dma_semaphore, #tpu.memory_space<semaphore_mem>>)
      } else {
      }
      %shift_right_arithmetic3A_858 = arith.constant 2 : i32
      %shift_right_arithmetic3A_859 = arith.shrsi %add3A_834, %shift_right_arithmetic3A_858 : i32
      %and3A_860 = arith.constant 3 : i32
      %and3A_861 = arith.andi %add3A_834, %and3A_860 : i32
      %mul3A_862 = arith.constant 4 : i32
      %mul3A_863 = arith.muli %add3A, %mul3A_862 : i32
      %add3A_864 = arith.addi %mul3A_863, %and3A_861 : i32
      %dma_start3A_865 = arith.constant 0 : i32
      %dma_start3A_866 = arith.constant 0 : i32
      %dma_start3A_867 = arith.constant 0 : i32
      %dma_start3A_868 = tpu.memref_slice %arg9[%dma_start3A_865, %dma_start3A_866, %dma_start3A_867] : memref<4x8x129xf32, #tpu.memory_space<vmem>> -> memref<4x8x128xf32, #tpu.memory_space<vmem>>
      %dma_start3A_869 = arith.constant 0 : i32
      %dma_start3A_870 = arith.constant 0 : i32
      %dma_start3A_871 = arith.constant 0 : i32
      %dma_start3A_872 = tpu.memref_slice %arg4[%shift_right_arithmetic3A_859, %dma_start3A_869, %add3A_864, %dma_start3A_870, %dma_start3A_871] : memref<50x4x128x8x128xf32, #tpu.memory_space<hbm>> -> memref<1x4x1x8x128xf32, #tpu.memory_space<hbm>>
      %dma_start3A_873 = tpu.memref_squeeze %dma_start3A_872 : memref<1x4x1x8x128xf32, #tpu.memory_space<hbm>> -> memref<4x8x128xf32, #tpu.memory_space<hbm>>
      %dma_start3A_874 = arith.constant 0 : i32
      %dma_start3A_875 = arith.constant 0 : i32
      %dma_start3A_876 = arith.constant 0 : i32
      %dma_start3A_877 = tpu.memref_slice %arg4[%shift_right_arithmetic3A_859, %dma_start3A_874, %add3A_864, %dma_start3A_875, %dma_start3A_876] : memref<50x4x128x8x128xf32, #tpu.memory_space<hbm>> -> memref<1x4x1x8x128xf32, #tpu.memory_space<hbm>>
      %dma_start3A_878 = tpu.memref_squeeze %dma_start3A_877 : memref<1x4x1x8x128xf32, #tpu.memory_space<hbm>> -> memref<4x8x128xf32, #tpu.memory_space<hbm>>
      %dma_start3A_879 = arith.constant 0 : i32
      %dma_start3A_880 = arith.constant 0 : i32
      %dma_start3A_881 = arith.constant 0 : i32
      %dma_start3A_882 = tpu.memref_slice %arg9[%dma_start3A_879, %dma_start3A_880, %dma_start3A_881] : memref<4x8x129xf32, #tpu.memory_space<vmem>> -> memref<4x8x128xf32, #tpu.memory_space<vmem>>
      tpu.enqueue_dma source(%dma_start3A_882 : memref<4x8x128xf32, #tpu.memory_space<vmem>>) target(%dma_start3A_878 : memref<4x8x128xf32, #tpu.memory_space<hbm>>) target_semaphore(%arg11 : memref<!tpu.dma_semaphore, #tpu.memory_space<semaphore_mem>>)
      %scan3A_883 = arith.constant 0 : i32
      scf.yield %scan3A_883 : i32
    }
    %scan3A_740 = arith.constant 100 : i32
    %dma_wait3A_741 = arith.constant 0 : i32
    %dma_wait3A_742 = arith.constant 0 : i32
    %dma_wait3A_743 = arith.constant 0 : i32
    %dma_wait3A_744 = arith.constant 0 : i32
    %dma_wait3A_745 = arith.constant 0 : i32
    %dma_wait3A_746 = tpu.memref_slice %arg8[%dma_wait3A_743, %dma_wait3A_744, %dma_wait3A_745] : memref<4x8x129xf32, #tpu.memory_space<vmem>> -> memref<4x8x128xf32, #tpu.memory_space<vmem>>
    %dma_wait3A_747 = arith.constant 0 : i32
    %dma_wait3A_748 = arith.constant 0 : i32
    %dma_wait3A_749 = arith.constant 0 : i32
    %dma_wait3A_750 = tpu.memref_slice %arg4[%dma_wait3A_741, %dma_wait3A_747, %dma_wait3A_742, %dma_wait3A_748, %dma_wait3A_749] : memref<50x4x128x8x128xf32, #tpu.memory_space<hbm>> -> memref<1x4x1x8x128xf32, #tpu.memory_space<hbm>>
    %dma_wait3A_751 = tpu.memref_squeeze %dma_wait3A_750 : memref<1x4x1x8x128xf32, #tpu.memory_space<hbm>> -> memref<4x8x128xf32, #tpu.memory_space<hbm>>
    %dma_wait3A_752 = arith.constant 0 : i32
    %dma_wait3A_753 = arith.constant 0 : i32
    %dma_wait3A_754 = arith.constant 0 : i32
    %dma_wait3A_755 = tpu.memref_slice %arg4[%dma_wait3A_741, %dma_wait3A_752, %dma_wait3A_742, %dma_wait3A_753, %dma_wait3A_754] : memref<50x4x128x8x128xf32, #tpu.memory_space<hbm>> -> memref<1x4x1x8x128xf32, #tpu.memory_space<hbm>>
    %dma_wait3A_756 = tpu.memref_squeeze %dma_wait3A_755 : memref<1x4x1x8x128xf32, #tpu.memory_space<hbm>> -> memref<4x8x128xf32, #tpu.memory_space<hbm>>
    %dma_wait3A_757 = arith.constant 0 : i32
    %dma_wait3A_758 = arith.constant 0 : i32
    %dma_wait3A_759 = arith.constant 0 : i32
    %dma_wait3A_760 = tpu.memref_slice %arg8[%dma_wait3A_757, %dma_wait3A_758, %dma_wait3A_759] : memref<4x8x129xf32, #tpu.memory_space<vmem>> -> memref<4x8x128xf32, #tpu.memory_space<vmem>>
    tpu.wait_dma2 semaphore(%arg11 : memref<!tpu.dma_semaphore, #tpu.memory_space<semaphore_mem>>) src(%dma_wait3A_760 : memref<4x8x128xf32, #tpu.memory_space<vmem>>) dst(%dma_wait3A_756 : memref<4x8x128xf32, #tpu.memory_space<hbm>>)
    %dma_wait3A_761 = arith.constant 0 : i32
    %dma_wait3A_762 = arith.constant 0 : i32
    %dma_wait3A_763 = arith.constant 0 : i32
    %dma_wait3A_764 = arith.constant 0 : i32
    %dma_wait3A_765 = arith.constant 0 : i32
    %dma_wait3A_766 = tpu.memref_slice %arg8[%dma_wait3A_763, %dma_wait3A_764, %dma_wait3A_765] : memref<4x8x129xf32, #tpu.memory_space<vmem>> -> memref<4x8x128xf32, #tpu.memory_space<vmem>>
    %dma_wait3A_767 = arith.constant 0 : i32
    %dma_wait3A_768 = arith.constant 0 : i32
    %dma_wait3A_769 = arith.constant 0 : i32
    %dma_wait3A_770 = tpu.memref_slice %arg4[%dma_wait3A_761, %dma_wait3A_767, %dma_wait3A_762, %dma_wait3A_768, %dma_wait3A_769] : memref<50x4x128x8x128xf32, #tpu.memory_space<hbm>> -> memref<1x4x1x8x128xf32, #tpu.memory_space<hbm>>
    %dma_wait3A_771 = tpu.memref_squeeze %dma_wait3A_770 : memref<1x4x1x8x128xf32, #tpu.memory_space<hbm>> -> memref<4x8x128xf32, #tpu.memory_space<hbm>>
    %dma_wait3A_772 = arith.constant 0 : i32
    %dma_wait3A_773 = arith.constant 0 : i32
    %dma_wait3A_774 = arith.constant 0 : i32
    %dma_wait3A_775 = tpu.memref_slice %arg4[%dma_wait3A_761, %dma_wait3A_772, %dma_wait3A_762, %dma_wait3A_773, %dma_wait3A_774] : memref<50x4x128x8x128xf32, #tpu.memory_space<hbm>> -> memref<1x4x1x8x128xf32, #tpu.memory_space<hbm>>
    %dma_wait3A_776 = tpu.memref_squeeze %dma_wait3A_775 : memref<1x4x1x8x128xf32, #tpu.memory_space<hbm>> -> memref<4x8x128xf32, #tpu.memory_space<hbm>>
    %dma_wait3A_777 = arith.constant 0 : i32
    %dma_wait3A_778 = arith.constant 0 : i32
    %dma_wait3A_779 = arith.constant 0 : i32
    %dma_wait3A_780 = tpu.memref_slice %arg8[%dma_wait3A_777, %dma_wait3A_778, %dma_wait3A_779] : memref<4x8x129xf32, #tpu.memory_space<vmem>> -> memref<4x8x128xf32, #tpu.memory_space<vmem>>
    tpu.wait_dma2 semaphore(%arg11 : memref<!tpu.dma_semaphore, #tpu.memory_space<semaphore_mem>>) src(%dma_wait3A_780 : memref<4x8x128xf32, #tpu.memory_space<vmem>>) dst(%dma_wait3A_776 : memref<4x8x128xf32, #tpu.memory_space<hbm>>)
    return
  }
}

module attributes {stable_mosaic.version = 14 : i64} {
  func.func @body(%arg0: i32, %arg1: memref<4x8x8192xf32, #tpu.memory_space<vmem>>, %arg2: memref<2048x128xf32, #tpu.memory_space<vmem>>) attributes {dimension_semantics = [#tpu.dimension_semantics<arbitrary>], iteration_bounds = array<i64: 123>, scalar_prefetch = 0 : i64, scratch_operands = 0 : i64, tpu.core_type = #tpu.core_type<tc>, window_params = [{transform_indices = @transform_0, window_bounds = array<i64: 4, 8, 8192>}, {transform_indices = @transform_1, window_bounds = array<i64: 2048, 128>}]} {
    %get3A = arith.constant 0 : index
    %get3A_0 = arith.constant 0 : index
    %get3A_1 = arith.constant 0 : index
    %get3A_2 = vector.load %arg1[%get3A, %get3A_0, %get3A_1] : memref<4x8x8192xf32, #tpu.memory_space<vmem>>, vector<4x8x8192xf32>
    %reshape3A = vector.shape_cast %get3A_2 : vector<4x8x8192xf32> to vector<32x8192xf32>
    %slice3A = vector.extract_strided_slice %reshape3A {offsets = [0, 0], sizes = [32, 2048], strides = [1, 1]} : vector<32x8192xf32> to vector<32x2048xf32>
    %transpose3A = tpu.transpose %slice3A, [1, 0] : vector<32x2048xf32> -> vector<2048x32xf32>
    %swap3A = arith.constant 0 : index
    %swap3A_3 = arith.constant 0 : index
    %swap3A_4 = vector.load %arg2[%swap3A, %swap3A_3] : memref<2048x128xf32, #tpu.memory_space<vmem>>, vector<2048x32xf32>
    tpu.vector_store %arg2[%swap3A, %swap3A_3], %transpose3A {strides = array<i32>} : memref<2048x128xf32, #tpu.memory_space<vmem>>, vector<2048x32xf32>,
    %slice3A_5 = vector.extract_strided_slice %reshape3A {offsets = [0, 2048], sizes = [32, 2048], strides = [1, 1]} : vector<32x8192xf32> to vector<32x2048xf32>
    %transpose3A_6 = tpu.transpose %slice3A_5, [1, 0] : vector<32x2048xf32> -> vector<2048x32xf32>
    %swap3A_7 = arith.constant 0 : index
    %swap3A_8 = arith.constant 32 : index
    %swap3A_9 = vector.load %arg2[%swap3A_7, %swap3A_8] : memref<2048x128xf32, #tpu.memory_space<vmem>>, vector<2048x32xf32>
    tpu.vector_store %arg2[%swap3A_7, %swap3A_8], %transpose3A_6 {strides = array<i32>} : memref<2048x128xf32, #tpu.memory_space<vmem>>, vector<2048x32xf32>,
    %slice3A_10 = vector.extract_strided_slice %reshape3A {offsets = [0, 4096], sizes = [32, 2048], strides = [1, 1]} : vector<32x8192xf32> to vector<32x2048xf32>
    %transpose3A_11 = tpu.transpose %slice3A_10, [1, 0] : vector<32x2048xf32> -> vector<2048x32xf32>
    %swap3A_12 = arith.constant 0 : index
    %swap3A_13 = arith.constant 64 : index
    %swap3A_14 = vector.load %arg2[%swap3A_12, %swap3A_13] : memref<2048x128xf32, #tpu.memory_space<vmem>>, vector<2048x32xf32>
    tpu.vector_store %arg2[%swap3A_12, %swap3A_13], %transpose3A_11 {strides = array<i32>} : memref<2048x128xf32, #tpu.memory_space<vmem>>, vector<2048x32xf32>,
    %slice3A_15 = vector.extract_strided_slice %reshape3A {offsets = [0, 6144], sizes = [32, 2048], strides = [1, 1]} : vector<32x8192xf32> to vector<32x2048xf32>
    %transpose3A_16 = tpu.transpose %slice3A_15, [1, 0] : vector<32x2048xf32> -> vector<2048x32xf32>
    %swap3A_17 = arith.constant 0 : index
    %swap3A_18 = arith.constant 96 : index
    %swap3A_19 = vector.load %arg2[%swap3A_17, %swap3A_18] : memref<2048x128xf32, #tpu.memory_space<vmem>>, vector<2048x32xf32>
    tpu.vector_store %arg2[%swap3A_17, %swap3A_18], %transpose3A_16 {strides = array<i32>} : memref<2048x128xf32, #tpu.memory_space<vmem>>, vector<2048x32xf32>,
    return
  }
  func.func @transform_0(%arg0: i32) -> (i32, i32, i32) {
    %c0_i32 = arith.constant 0 : i32
    %c0_i32_0 = arith.constant 0 : i32
    %c0_i32_1 = arith.constant 0 : i32
    return %c0_i32, %c0_i32_0, %arg0 : i32, i32, i32
  }
  func.func @transform_1(%arg0: i32) -> (i32, i32) {
    %c0_i32 = arith.constant 0 : i32
    %c0_i32_0 = arith.constant 0 : i32
    return %arg0, %c0_i32 : i32, i32
  }
}

</mosaic_0001>

<sc_bundles>
// kernel: kernel.4.cloned.1.call-start
scs
__scs_entry_jumppad:
0x0: {  	(pc) =	sbr.rel $0x88, $3  }
0x1: {  	(tag) =	ssettag $0x0;
	lr =	simm.s32 $0x1  }
0x2: {  	[smem:$0x3F9F] =	sst lr;
	_ =	strace $0xD0000000  }
0x3: {  	_ = 	snop  }
0x4: {  	_ = 	snop  }
0x5: {  	_ = 	snop  }
0x6: {  	_ = 	snop  }
0x7: {  	_ = 	snop  }
__scs_overlays_trampoline_lowered:
0x8: {  	[smem:$0x3FAE] =	sst s0  }
0x9: {  	[smem:$0x3FAF] =	sst s1  }
0xa: {  	[smem:$0x3FB0] =	sst s2  }
0xb: {  	[smem:$0x3FB1] =	sst s3  }
0xc: {  	[smem:$0x3FB2] =	sst s4  }
0xd: {  	[smem:$0x3FB3] =	sst s5  }
0xe: {  	[smem:$0x3FB4] =	sst s6  }
0xf: {  	[smem:$0x3FB5] =	sst s7  }
0x10: {  	[smem:$0x3FB6] =	sst s8  }
0x11: {  	[smem:$0x3FB7] =	sst s9;
	s0 =	simm.s32 @!p0 $0x0  }
0x12: {  	s1 =	sld [smem:$0x3F9D];
	s0 =	simm.s32 @p0 $0x1  }
0x13: {  	[smem:$0x3FB8] =	sst s0;
	s0 =	simm.s32 @!p1 $0x0  }
0x14: {  	s2 =	sld [smem:$0x3F9C];
	s0 =	simm.s32 @p1 $0x1  }
0x15: {  	[smem:$0x3FB9] =	sst s0;
	s0 =	simm.s32 @!p2 $0x0  }
0x16: {  	s3 =	sld [smem:$0x3FDB];
	s0 =	simm.s32 @p2 $0x1  }
0x17: {  	s4 =	simm.s32 $0x1BF5;
	[smem:$0x3FBB] =	sst s0  }
0x18: {  	s0 =	sld [smem:$0x3F9E];
	_ =	swait.ge [sflag:s4], $0x0  }
0x19: {  	s7 =	sld [smem:$0x3F9F]  }
0x1a: {  	s8 =	sadd.s32 $0xFFFFE003, lr  }
0x1b: {  	s9 =	sadd.s32 $0xFFFFFEF7, lr;
	s5 =	simm.s32 $0xFFFFFFFF;
	p2 =	slt.u32 s8, $0xFFFFF086  }
0x1c: {  	p1 =	slt.u32 s9, $0xF7A;
	s5 =	simm.s32 @!p2 $0x0  }
0x1d: {  	s5 =	simm.s32 @p1 $0x1;
	p0 =	seq.s32 s7, s2  }
0x1e: {  	s7 =	smul.u32 @!p0 $0xF7A, s2;
	p2 =	seq.s32 @!p0 s5, $0x0  }
0x1f: {  	s9 =	smul.u32 $0xF7A, s1;
	s8 =	simm.s32 @!p0 $0x1BF5;
	p2 =	por !p2, p0  }
0x20: {  	[sflag:s8] =	ssyncset.s32 @!p0 $0xFFFFF086;
	s6 =	sadd.s32 @!p0 s3, s7;
	s7 =	simm.s32 @!p0 $0x108  }
0x21: {  	s3 =	sadd.s32 s3, s9;
	s6 =	sadd.s32 @!p0 $0x88, s6;
	s7 =	simm.s32 @p2 $0x1082  }
0x22: {  	[simem:s7], [sflag:s8] =	dma.local @!p0 [hbm:s6], $0xF7A  }
0x23: {  	s9 =	sor.u32 $0xD0000000, s2;
	s6 =	simm.s32 $0x108;
	_ =	swait.ge @!p0 [sflag:s8], $0x0  }
0x24: {  	s3 =	sadd.s32 $0x88, s3;
	s6 =	simm.s32 @!p1 $0x1082;
	[sflag:s4] =	ssyncset.s32 $0xFFFFF086  }
0x25: {  	[simem:s6], [sflag:s4] =	dma.local [hbm:s3], $0xF7A  }
0x26: {  	[smem:$0x3F9F] =	sst s1;
	(tag) =	ssettag s2;
	_ =	strace s9  }
0x27: {  	s1 =	sld [smem:$0x3FAF]  }
0x28: {  	s2 =	sld [smem:$0x3FB0]  }
0x29: {  	s4 =	sld [smem:$0x3FB2]  }
0x2a: {  	p0 =	seq.s32 s5, $0x0;
	s5 =	sld [smem:$0x3FB3]  }
0x2b: {  	s6 =	sld [smem:$0x3FB4]  }
0x2c: {  	s7 =	sld [smem:$0x3FB5]  }
0x2d: {  	s3 =	simm.s32 $0x108;
	s8 =	sld [smem:$0x3FB6]  }
0x2e: {  	s3 =	simm.s32 @!p0 $0x1082;
	s9 =	sld [smem:$0x3FB7]  }
0x2f: {  	lr =	sadd.s32 s0, s3;
	s0 =	sld [smem:$0x3FAE]  }
0x30: {  	s3 =	sld [smem:$0x3FB1]  }
0x31: {  	[smem:$0x3FBA] =	sst s10  }
0x32: {  	s10 =	sld [smem:$0x3FB8];
	_ =	sdelay $0x3  }
0x33: {  	p0 =	seq.s32 s10, $0x1;
	s10 =	sld [smem:$0x3FBA];
	_ =	sdelay $0x3  }
0x34: {  	[smem:$0x3FBA] =	sst s10  }
0x35: {  	s10 =	sld [smem:$0x3FB9];
	_ =	sdelay $0x3  }
0x36: {  	p1 =	seq.s32 s10, $0x1;
	s10 =	sld [smem:$0x3FBA];
	_ =	sdelay $0x3  }
0x37: {  	[smem:$0x3FBA] =	sst s10  }
0x38: {  	s10 =	sld [smem:$0x3FBB]  }
0x39: {  	_ = 	snop;
	(pc) =	sbr.ind lr, $3  }
0x3a: {  	_ = 	snop  }
0x3b: {  	_ = 	snop  }
0x3c: {  	p2 =	seq.s32 s10, $0x1;
	s10 =	sld [smem:$0x3FBA]  }
0x3d: {  	_ =	shalt  }
0x3e: {  	_ =	shalt  }
0x3f: {  	_ =	shalt  }
0x40: {  	_ =	shalt  }
0x41: {  	_ =	shalt  }
0x42: {  	_ =	shalt  }
0x43: {  	_ =	shalt  }
0x44: {  	_ =	shalt  }
0x45: {  	_ =	shalt  }
0x46: {  	_ =	shalt  }
0x47: {  	_ =	shalt  }
0x48: {  	_ =	shalt  }
0x49: {  	_ =	shalt  }
0x4a: {  	_ =	shalt  }
0x4b: {  	_ =	shalt  }
0x4c: {  	_ =	shalt  }
0x4d: {  	_ =	shalt  }
0x4e: {  	_ =	shalt  }
0x4f: {  	_ =	shalt  }
0x50: {  	_ =	shalt  }
0x51: {  	_ =	shalt  }
0x52: {  	_ =	shalt  }
0x53: {  	_ =	shalt  }
0x54: {  	_ =	shalt  }
0x55: {  	_ =	shalt  }
0x56: {  	_ =	shalt  }
0x57: {  	_ =	shalt  }
0x58: {  	_ =	shalt  }
0x59: {  	_ =	shalt  }
0x5a: {  	_ =	shalt  }
0x5b: {  	_ =	shalt  }
0x5c: {  	_ =	shalt  }
0x5d: {  	_ =	shalt  }
0x5e: {  	_ =	shalt  }
0x5f: {  	_ =	shalt  }
0x60: {  	_ =	shalt  }
0x61: {  	_ =	shalt  }
0x62: {  	_ =	shalt  }
0x63: {  	_ =	shalt  }
0x64: {  	_ =	shalt  }
0x65: {  	_ =	shalt  }
0x66: {  	_ =	shalt  }
0x67: {  	_ =	shalt  }
0x68: {  	_ =	shalt  }
0x69: {  	_ =	shalt  }
0x6a: {  	_ =	shalt  }
0x6b: {  	_ =	shalt  }
0x6c: {  	_ =	shalt  }
0x6d: {  	_ =	shalt  }
0x6e: {  	_ =	shalt  }
0x6f: {  	_ =	shalt  }
0x70: {  	_ =	shalt  }
0x71: {  	_ =	shalt  }
0x72: {  	_ =	shalt  }
0x73: {  	_ =	shalt  }
0x74: {  	_ =	shalt  }
0x75: {  	_ =	shalt  }
0x76: {  	_ =	shalt  }
0x77: {  	_ =	shalt  }
0x78: {  	_ =	shalt  }
0x79: {  	_ =	shalt  }
0x7a: {  	_ =	shalt  }
0x7b: {  	_ =	shalt  }
0x7c: {  	_ =	shalt  }
0x7d: {  	_ =	shalt  }
0x7e: {  	_ =	shalt  }
0x7f: {  	_ =	shalt  }
0x80: {  	_ =	shalt  }
0x81: {  	_ =	shalt  }
0x82: {  	_ =	shalt  }
0x83: {  	_ =	shalt  }
0x84: {  	_ =	shalt  }
0x85: {  	_ =	shalt  }
0x86: {  	_ =	shalt  }
0x87: {  	_ =	shalt  }
.Lfunc_end0:
.L_simem_size_0:
called_computation_lowered:
.L_overlay_start_0:
0x88: {  	s2 =	sld [smem:$0x3FD9]  }
0x89: {  	s3 =	sld [smem:$0x3FFE];
	_ =	sdelay $0x1  }
0x8a: {  	s1 =	srdreg.scid  }
0x8b: {  	s0 =	sand.u32 $0x1, s1  }
0x8c: {  	s17 =	sshll.u32 s0, $0xA;
	s2 =	sadd.s32 s3, s2  }
0x8d: {  	s2 =	sadd.s32 s2, s17  }
0x8e: {  	[smem:$0x3FC6] =	sst s2  }
0x8f: {  	_ = 	snop  }
0x90: {  	s2 =	sld [smem:$0x3FD0];
	(tm) =	ssettm $0x1  }
0x91: {  	s18 =	sld [smem:$0x3FFB];
	_ =	sdelay $0x3  }
0x92: {  	_ =	strace s18  }
0x93: {  	s3 =	sld [smem:$0x3FFC];
	_ =	sdelay $0x3  }
0x94: {  	_ =	strace s3  }
0x95: {  	s3 =	sld [smem:$0x3FFD];
	_ =	sdelay $0x3  }
0x96: {  	_ =	strace s3  }
0x97: {  	_ =	strace $0x8FFFFFFF  }
0x98: {  	s19 =	sld [smem:$0x3FDB];
	_ =	sdelay $0x1  }
0x99: {  	s4 =	simm.s32 $_scs_section_size  }
0x9a: {  	s5 =	simm.s32 $_size__tile_overlayer_lowered;
	s6 =	simm.s32 $_tile_overlayer_lowered  }
0x9b: {  	s22 =	simm.s32 $0x1BFF;
	s21 =	sshll.u32 s6, $0x1;
	s3 =	sadd.s32 s4, s19  }
0x9c: {  	s7 =	simm.s32 $0x0;
	s20 =	sshll.u32 s5, $0x1;
	s5 =	sadd.s32 s21, s3  }
0x9d: {  	[timem:s7], [sflag:s22] =	dma.local [hbm:s5], s20  }
0x9e: {  	_ =	swait.ge [sflag:s22], s20  }
0x9f: {  	s4 =	ssub.s32 $0x0, s20;
	[sflag:s22] =	ssyncset.done $0x0  }
0xa0: {  	[sflag:s22] =	ssyncadd.s32 s4;
	_ =	sdelay $0x1  }
0xa1: {  	s23 =	simm.s32 $0x1B8B  }
0xa2: {  	_ =	swait.ge [sflag:s23], $0x1  }
0xa3: {  	[sflag:s23] =	ssyncset.done $0x0  }
0xa4: {  	s25 =	simm.s32 $0x1B8E;
	s24 =	sld [smem:$0x3FFE];
	[sflag:s23] =	ssyncadd.s32 $0xFFFFFFFF  }
0xa5: {  	s26 =	simm.s32 $execute0_lowered;
	[smem:$0x3FD2] =	sst s25  }
0xa6: {  	s5 =	sshll.u32 s26, $0x1;
	_ =	strace $0x80000046;
	[dreg:$0x1] =	wrdreg $0xFFFFFFFF  }
0xa7: {  	s28 =	simm.s32 $_size_execute0_lowered;
	s3 =	sadd.s32 s3, s5;
	[dreg:$0x0] =	wrdreg $0x0  }
0xa8: {  	s5 =	sshll.u32 s28, $0x1;
	[dreg:$0x2] =	wrdreg s3  }
0xa9: {  	[dreg:$0x3] =	wrdreg s5  }
0xaa: {  	[dreg:$0x4] =	wrdreg $0xC0  }
0xab: {  	_ =	task [dreg:s7], $0x5FFFF  }
0xac: {  	[dreg:$0x1] =	wrdreg $0xFFFFFFFF  }
0xad: {  	[dreg:$0x0] =	wrdreg $0x60  }
0xae: {  	[dreg:$0x2] =	wrdreg s24  }
0xaf: {  	[dreg:$0x3] =	wrdreg s2  }
0xb0: {  	[dreg:$0x4] =	wrdreg $0x9  }
0xb1: {  	_ =	task.clear_ibuf [dreg:s7], $0x5FFFF;
	_ =	strace $0x90000046  }
0xb2: {  	s29 =	simm.s32 $0x9;
	_ =	strace $0x80000048  }
0xb3: {  	_ =	swait.ge [sflag:s29], $0x1  }
0xb4: {  	[sflag:s29] =	ssyncadd.s32 $0xFFFFFFFF  }
0xb5: {  	_ =	strace $0x90000048  }
0xb6: {  	_ =	sfence  }
0xb7: {  	s30 =	sld [smem:$0x0];
	_ =	sdelay $0x2  }
0xb8: {  	s31 =	sshll.u32 s1, $0xD;
	s1 =	sshrl.u32 s1, $0x2  }
0xb9: {  	s3 =	sand.u32 $0x4000, s31;
	s1 =	sadd.s32 s1, s30  }
0xba: {  	s0 =	sor.u32 s3, s0;
	s1 =	sshll.u32 s1, $0x11  }
0xbb: {  	s0 =	sor.u32 s1, s0  }
0xbc: {  	s0 =	sadd.s32 $0x8F2B, s0  }
0xbd: {  	[sflag:s0] =	ssyncadd.remote.s32 $0x1  }
0xbe: {  	_ =	sfence.sel $0xFFFF  }
0xbf: {  	[dreg:$0x0] =	wrdreg $0xFFFFFFFF;
	(pc) =	sbr.abs _section_cstart, $3  }
0xc0: {  	[dreg:$0x1] =	wrdreg $0xFFFFFFFF  }
0xc1: {  	_ =	task.clear_ibuf [dreg:s7], $0x2FFFF;
	_ =	strace $0x9FFFFFFF  }
0xc2: {  	(tm) =	ssettm $0x7FFFFFFF  }
0xc3: {  	_ =	shalt  }
tec
execute0_lowered:
.L_overlay_start_1:
0x0: {  	(tag) =	ssettag $0x1  }
0x1: {  	s1 =	srdreg.scid;
	s2 =	stileid.u32  }
0x2: {  	s1 =	sand.u32 $0x1, s1;
	s2 =	sshll.u32 s2, $0x1  }
0x3: {  	s2 =	sor.u32 s1, s2  }
0x4: {  	s0 =	rddreg [dreg:$0x0];
	s4 =	sshll.u32 s2, $0x6  }
0x5: {  	s3 =	simm.s32 $0x0;
	s6 =	sadd.s32 s4, s0  }
0x6: {  	[smem:$0x7FF] =	sst s3;
	s1 =	ssub.s32 $0x2, s1;
	s25 =	sadd.s32 $0x400, s6  }
0x7: {  	_ =	strace $0x80000047;
	s26 =	sadd.s32 $0xC00, s6;
	[dreg:$0x3] =	wrdreg s25  }
0x8: {  	s5 =	sshrl.u32 s1, $0x1;
	s29 =	sadd.s32 $0x1400, s6;
	[dreg:$0x4] =	wrdreg s26  }
0x9: {  	s4 =	sadd.s32 $0x19400, s0;
	s31 =	sadd.s32 $0x1C00, s6;
	[dreg:$0x5] =	wrdreg s29  }
0xa: {  	s0 =	ssub.s32 s1, s5;
	s5 =	sadd.s32 $0x2400, s6;
	[dreg:$0x6] =	wrdreg s31  }
0xb: {  	s7 =	sadd.s32 $0x2C00, s6;
	[dreg:$0x7] =	wrdreg s5  }
0xc: {  	s8 =	sadd.s32 $0x3400, s6;
	[dreg:$0x8] =	wrdreg s7  }
0xd: {  	s9 =	sadd.s32 $0x3C00, s6;
	[dreg:$0x9] =	wrdreg s8  }
0xe: {  	s10 =	sadd.s32 $0x4400, s6;
	[dreg:$0xa] =	wrdreg s9  }
0xf: {  	s11 =	sadd.s32 $0x4C00, s6;
	[dreg:$0xb] =	wrdreg s10  }
0x10: {  	s12 =	sadd.s32 $0x5400, s6;
	[dreg:$0xc] =	wrdreg s11  }
0x11: {  	s13 =	sadd.s32 $0x5C00, s6;
	[dreg:$0xd] =	wrdreg s12  }
0x12: {  	s14 =	sadd.s32 $0x6400, s6;
	[dreg:$0xe] =	wrdreg s13  }
0x13: {  	s15 =	sadd.s32 $0x6C00, s6;
	[dreg:$0xf] =	wrdreg s14  }
0x14: {  	s16 =	sadd.s32 $0x7400, s6;
	[dreg:$0x10] =	wrdreg s15  }
0x15: {  	s17 =	sadd.s32 $0x7C00, s6;
	[dreg:$0x11] =	wrdreg s16  }
0x16: {  	s18 =	sadd.s32 $0x8400, s6;
	[dreg:$0x12] =	wrdreg s17  }
0x17: {  	s19 =	sadd.s32 $0x8C00, s6;
	[dreg:$0x13] =	wrdreg s18  }
0x18: {  	s20 =	sadd.s32 $0x9400, s6;
	[dreg:$0x14] =	wrdreg s19  }
0x19: {  	s21 =	sadd.s32 $0x9C00, s6;
	[dreg:$0x15] =	wrdreg s20  }
0x1a: {  	s22 =	sadd.s32 $0xA400, s6;
	[dreg:$0x16] =	wrdreg s21  }
0x1b: {  	s23 =	sadd.s32 $0xAC00, s6;
	[dreg:$0x17] =	wrdreg s22  }
0x1c: {  	s24 =	sadd.s32 $0xB400, s6;
	[dreg:$0x18] =	wrdreg s23  }
0x1d: {  	s0 =	smax.u32 s0, $0x1;
	[dreg:$0x19] =	wrdreg s24  }
0x1e: {  	s25 =	sadd.s32 $0xBC00, s6;
	[smem:$0x7FD] =	sst s0  }
0x1f: {  	s26 =	sadd.s32 $0xC400, s6;
	[dreg:$0x1a] =	wrdreg s25  }
0x20: {  	s29 =	sadd.s32 $0xCC00, s6;
	[dreg:$0x1b] =	wrdreg s26  }
0x21: {  	s31 =	sadd.s32 $0xD400, s6;
	[dreg:$0x1c] =	wrdreg s29  }
0x22: {  	s5 =	sadd.s32 $0xDC00, s6;
	[dreg:$0x1d] =	wrdreg s31  }
0x23: {  	s7 =	sadd.s32 $0xE400, s6;
	[dreg:$0x1e] =	wrdreg s5  }
0x24: {  	s8 =	sadd.s32 $0xEC00, s6;
	[dreg:$0x1f] =	wrdreg s7  }
0x25: {  	s9 =	sadd.s32 $0xF400, s6;
	[smem:$0x7E8] =	sst s8  }
0x26: {  	s10 =	sadd.s32 $0xFC00, s6;
	[smem:$0x7E9] =	sst s9  }
0x27: {  	s11 =	sadd.s32 $0x10400, s6;
	[smem:$0x7EA] =	sst s10  }
0x28: {  	s12 =	sadd.s32 $0x10C00, s6;
	[smem:$0x7EB] =	sst s11  }
0x29: {  	s13 =	sadd.s32 $0x11400, s6;
	[smem:$0x7EC] =	sst s12  }
0x2a: {  	s14 =	sadd.s32 $0x11C00, s6;
	[smem:$0x7ED] =	sst s13  }
0x2b: {  	s15 =	sadd.s32 $0x12400, s6;
	[smem:$0x7EE] =	sst s14  }
0x2c: {  	s16 =	sadd.s32 $0x12C00, s6;
	[smem:$0x7EF] =	sst s15  }
0x2d: {  	s17 =	sadd.s32 $0x13400, s6;
	[smem:$0x7F0] =	sst s16  }
0x2e: {  	s18 =	sadd.s32 $0x13C00, s6;
	[smem:$0x7F1] =	sst s17  }
0x2f: {  	s19 =	sadd.s32 $0x14400, s6;
	[smem:$0x7F2] =	sst s18  }
0x30: {  	s20 =	sadd.s32 $0x14C00, s6;
	[smem:$0x7F3] =	sst s19  }
0x31: {  	s21 =	sadd.s32 $0x15400, s6;
	[smem:$0x7F4] =	sst s20  }
0x32: {  	s30 =	simm.s32 $0x1;
	s22 =	sadd.s32 $0x15C00, s6;
	[smem:$0x7F5] =	sst s21  }
0x33: {  	s28 =	sshll.u32 s2, $0x9;
	s23 =	sadd.s32 $0x16400, s6;
	[smem:$0x7F6] =	sst s22  }
0x34: {  	v0 =	vlaneseq.u32;
	s24 =	sadd.s32 $0x16C00, s6;
	s0 =	simm.s32 $0x8400;
	[smem:$0x7F7] =	sst s23  }
0x35: {  	v1 =	vimm.s32 $0x0;
	vm0 =	vcmask $0x300;
	v0 =	vmul.u32 $0x88, v0;
	[smem:$0x7F8] =	sst s24;
	s25 =	sadd.s32 $0x17400, s6;
	s26 =	sadd.s32 $0x17C00, s6  }
0x36: {  	v1 =	vsel vm0, $0x3, v1;
	s29 =	sadd.s32 $0x18400, s6;
	s31 =	sadd.s32 $0x18C00, s6;
	s9 =	simm.s32 $0x9500  }
.Ltmp0:
0x37: {  	v2 =	vor.u32 $0x1, v0;
	v3 =	vor.u32 $0x2, v0;
	v4 =	vor.u32 $0x3, v0;
	s8 =	simm.s32 $0xA248;
	s10 =	simm.s32 $0xA2D0;
	(pc) =	sbr.rel .LBB2_1-.Ltmp0, $4  }
0x38: {  	v5 =	vor.u32 $0x4, v0;
	v6 =	vor.u32 $0x5, v0;
	v7 =	vor.u32 $0x6, v0;
	s11 =	simm.s32 $0xA358;
	s12 =	simm.s32 $0xA3E0;
	[smem:$0x7F9] =	sst s25  }
0x39: {  	v8 =	vor.u32 $0x7, v0;
	v9 =	vadd.s32 $0x880, v0;
	v10 =	vadd.s32 $0x881, v0;
	s13 =	simm.s32 $0xA468;
	s14 =	simm.s32 $0xA4F0;
	[smem:$0x7FA] =	sst s26  }
0x3a: {  	v11 =	vadd.s32 $0x882, v0;
	v12 =	vadd.s32 $0x883, v0;
	v13 =	vadd.s32 $0x884, v0;
	s15 =	simm.s32 $0xA578;
	s5 =	simm.s32 $0x0;
	[smem:$0x7FB] =	sst s29  }
0x3b: {  	v14 =	vadd.s32 $0x885, v0;
	v15 =	vadd.s32 $0x886, v0;
	v16 =	vadd.s32 $0x887, v0;
	s21 =	simm.s32 $0x2;
	s22 =	simm.s32 $0x3;
	[smem:$0x7FC] =	sst s31  }
.LBB2_15:
0x3c: {  	s2 =	simm.s32 $0x2  }
0x3d: {  	_ =	swait.ge [sflag:s2], $0x1000  }
0x3e: {  	[sflag:s2] =	ssyncset.done $0x0  }
0x3f: {  	[sflag:s2] =	ssyncadd.s32 $0xFFFFF000  }
0x40: {  	_ =	swait.ge [sflag:s2], $0x1000  }
0x41: {  	s5 =	sld [smem:$0x7E7]  }
0x42: {  	s1 =	sld [smem:$0x7FD];
	_ =	sdelay $0x1  }
0x43: {  	s5 =	sadd.s32 $0x1, s5  }
0x44: {  	p0 =	sne.s32 s5, s1  }
.Ltmp1:
0x45: {  	_ = 	snop;
	(pc) =	sbr.rel @!p0 .LBB2_16-.Ltmp1, $3  }
0x46: {  	_ =	sdelay $0x1  }
0x47: {  	[sflag:s2] =	ssyncset.done $0x0  }
0x48: {  	[sflag:s2] =	ssyncadd.s32 $0xFFFFF000  }
.LBB2_1:
0x49: {  	[smem:$0x7E7] =	sst s5  }
0x4a: {  	s1 =	rddreg [dreg:$0x3]  }
0x4b: {  	s6 =	rddreg [dreg:$0x4]  }
0x4c: {  	[tilespmem:s3], [sflag:$0x1] =	stream.linear.gather [hbm4b:s1+s3], $0x200, $0x38;
	[tilespmem:$0xA600] =	vst v63  }
0x4d: {  	s2 =	simm.s32 $0x200;
	s7 =	rddreg [dreg:$0x5]  }
0x4e: {  	[tilespmem:s2], [sflag:$0x1] =	stream.linear.gather [hbm4b:s6+s3], $0x200, $0x38;
	[tilespmem:$0xA600] =	vst v63  }
0x4f: {  	s16 =	simm.s32 $0x400;
	s17 =	rddreg [dreg:$0x6]  }
0x50: {  	[tilespmem:s16], [sflag:$0x1] =	stream.linear.gather [hbm4b:s7+s3], $0x200, $0x38;
	[tilespmem:$0xA600] =	vst v63  }
0x51: {  	s18 =	simm.s32 $0x600;
	s19 =	rddreg [dreg:$0x7]  }
0x52: {  	[tilespmem:s18], [sflag:$0x1] =	stream.linear.gather [hbm4b:s17+s3], $0x200, $0x38;
	[tilespmem:$0xA600] =	vst v63  }
0x53: {  	s20 =	simm.s32 $0x800;
	s23 =	rddreg [dreg:$0x8]  }
0x54: {  	[tilespmem:s20], [sflag:$0x1] =	stream.linear.gather [hbm4b:s19+s3], $0x200, $0x38;
	[tilespmem:$0xA600] =	vst v63  }
0x55: {  	s24 =	simm.s32 $0xA00;
	s25 =	rddreg [dreg:$0x9]  }
0x56: {  	[tilespmem:s24], [sflag:$0x1] =	stream.linear.gather [hbm4b:s23+s3], $0x200, $0x38;
	[tilespmem:$0xA600] =	vst v63  }
0x57: {  	s26 =	simm.s32 $0xC00;
	s29 =	rddreg [dreg:$0xa]  }
0x58: {  	[tilespmem:s26], [sflag:$0x1] =	stream.linear.gather [hbm4b:s25+s3], $0x200, $0x38;
	[tilespmem:$0xA600] =	vst v63  }
0x59: {  	s31 =	simm.s32 $0xE00;
	s5 =	rddreg [dreg:$0xb]  }
0x5a: {  	[tilespmem:s31], [sflag:$0x1] =	stream.linear.gather [hbm4b:s29+s3], $0x200, $0x38;
	[tilespmem:$0xA600] =	vst v63  }
0x5b: {  	s6 =	simm.s32 $0x1000;
	s7 =	rddreg [dreg:$0xc]  }
0x5c: {  	[tilespmem:s6], [sflag:$0x1] =	stream.linear.gather [hbm4b:s5+s3], $0x200, $0x38;
	[tilespmem:$0xA600] =	vst v63  }
0x5d: {  	s16 =	simm.s32 $0x1200;
	s17 =	rddreg [dreg:$0xd]  }
0x5e: {  	[tilespmem:s16], [sflag:$0x1] =	stream.linear.gather [hbm4b:s7+s3], $0x200, $0x38;
	[tilespmem:$0xA600] =	vst v63  }
0x5f: {  	s18 =	simm.s32 $0x1400;
	s19 =	rddreg [dreg:$0xe]  }
0x60: {  	[tilespmem:s18], [sflag:$0x1] =	stream.linear.gather [hbm4b:s17+s3], $0x200, $0x38;
	[tilespmem:$0xA600] =	vst v63  }
0x61: {  	s20 =	simm.s32 $0x1600;
	s23 =	rddreg [dreg:$0xf]  }
0x62: {  	[tilespmem:s20], [sflag:$0x1] =	stream.linear.gather [hbm4b:s19+s3], $0x200, $0x38;
	[tilespmem:$0xA600] =	vst v63  }
0x63: {  	s24 =	simm.s32 $0x1800;
	s25 =	rddreg [dreg:$0x10]  }
0x64: {  	[tilespmem:s24], [sflag:$0x1] =	stream.linear.gather [hbm4b:s23+s3], $0x200, $0x38;
	[tilespmem:$0xA600] =	vst v63  }
0x65: {  	s26 =	simm.s32 $0x1A00;
	s29 =	rddreg [dreg:$0x11]  }
0x66: {  	[tilespmem:s26], [sflag:$0x1] =	stream.linear.gather [hbm4b:s25+s3], $0x200, $0x38;
	[tilespmem:$0xA600] =	vst v63  }
0x67: {  	s31 =	simm.s32 $0x1C00;
	s5 =	rddreg [dreg:$0x12]  }
0x68: {  	[tilespmem:s31], [sflag:$0x1] =	stream.linear.gather [hbm4b:s29+s3], $0x200, $0x38;
	[tilespmem:$0xA600] =	vst v63  }
0x69: {  	s6 =	simm.s32 $0x1E00;
	s7 =	rddreg [dreg:$0x13]  }
0x6a: {  	[tilespmem:s6], [sflag:$0x1] =	stream.linear.gather [hbm4b:s5+s3], $0x200, $0x38;
	[tilespmem:$0xA600] =	vst v63  }
0x6b: {  	s16 =	simm.s32 $0x2000;
	s17 =	rddreg [dreg:$0x14]  }
0x6c: {  	[tilespmem:s16], [sflag:$0x1] =	stream.linear.gather [hbm4b:s7+s3], $0x200, $0x38;
	[tilespmem:$0xA600] =	vst v63  }
0x6d: {  	s18 =	simm.s32 $0x2200;
	s19 =	rddreg [dreg:$0x15]  }
0x6e: {  	[tilespmem:s18], [sflag:$0x1] =	stream.linear.gather [hbm4b:s17+s3], $0x200, $0x38;
	[tilespmem:$0xA600] =	vst v63  }
0x6f: {  	s20 =	simm.s32 $0x2400;
	s23 =	rddreg [dreg:$0x16]  }
0x70: {  	[tilespmem:s20], [sflag:$0x1] =	stream.linear.gather [hbm4b:s19+s3], $0x200, $0x38;
	[tilespmem:$0xA600] =	vst v63  }
0x71: {  	s24 =	simm.s32 $0x2600;
	s25 =	rddreg [dreg:$0x17]  }
0x72: {  	[tilespmem:s24], [sflag:$0x1] =	stream.linear.gather [hbm4b:s23+s3], $0x200, $0x38;
	[tilespmem:$0xA600] =	vst v63  }
0x73: {  	s26 =	simm.s32 $0x2800;
	s29 =	rddreg [dreg:$0x18]  }
0x74: {  	[tilespmem:s26], [sflag:$0x1] =	stream.linear.gather [hbm4b:s25+s3], $0x200, $0x38;
	[tilespmem:$0xA600] =	vst v63  }
0x75: {  	s31 =	simm.s32 $0x2A00;
	s5 =	rddreg [dreg:$0x19]  }
0x76: {  	[tilespmem:s31], [sflag:$0x1] =	stream.linear.gather [hbm4b:s29+s3], $0x200, $0x38;
	[tilespmem:$0xA600] =	vst v63  }
0x77: {  	s6 =	simm.s32 $0x2C00;
	s7 =	rddreg [dreg:$0x1a]  }
0x78: {  	[tilespmem:s6], [sflag:$0x1] =	stream.linear.gather [hbm4b:s5+s3], $0x200, $0x38;
	[tilespmem:$0xA600] =	vst v63  }
0x79: {  	s16 =	simm.s32 $0x2E00;
	s17 =	rddreg [dreg:$0x1b]  }
0x7a: {  	[tilespmem:s16], [sflag:$0x1] =	stream.linear.gather [hbm4b:s7+s3], $0x200, $0x38;
	[tilespmem:$0xA600] =	vst v63  }
0x7b: {  	s18 =	simm.s32 $0x3000;
	s19 =	rddreg [dreg:$0x1c]  }
0x7c: {  	[tilespmem:s18], [sflag:$0x1] =	stream.linear.gather [hbm4b:s17+s3], $0x200, $0x38;
	[tilespmem:$0xA600] =	vst v63  }
0x7d: {  	s20 =	simm.s32 $0x3200;
	s23 =	rddreg [dreg:$0x1d]  }
0x7e: {  	[tilespmem:s20], [sflag:$0x1] =	stream.linear.gather [hbm4b:s19+s3], $0x200, $0x38;
	[tilespmem:$0xA600] =	vst v63  }
0x7f: {  	s24 =	simm.s32 $0x3400;
	s25 =	rddreg [dreg:$0x1e]  }
0x80: {  	[tilespmem:s24], [sflag:$0x1] =	stream.linear.gather [hbm4b:s23+s3], $0x200, $0x38;
	[tilespmem:$0xA600] =	vst v63  }
0x81: {  	s26 =	simm.s32 $0x3600;
	s29 =	rddreg [dreg:$0x1f]  }
0x82: {  	[tilespmem:s26], [sflag:$0x1] =	stream.linear.gather [hbm4b:s25+s3], $0x200, $0x38;
	[tilespmem:$0xA600] =	vst v63  }
0x83: {  	s31 =	simm.s32 $0x3800;
	s5 =	sld [smem:$0x7E8]  }
0x84: {  	[tilespmem:s31], [sflag:$0x1] =	stream.linear.gather [hbm4b:s29+s3], $0x200, $0x38;
	[tilespmem:$0xA600] =	vst v63  }
0x85: {  	s6 =	simm.s32 $0x3A00;
	s7 =	sld [smem:$0x7E9]  }
0x86: {  	[tilespmem:s6], [sflag:$0x1] =	stream.linear.gather [hbm4b:s5+s3], $0x200, $0x38;
	[tilespmem:$0xA600] =	vst v63  }
0x87: {  	s16 =	simm.s32 $0x3C00;
	s17 =	sld [smem:$0x7EA]  }
0x88: {  	[tilespmem:s16], [sflag:$0x1] =	stream.linear.gather [hbm4b:s7+s3], $0x200, $0x38;
	[tilespmem:$0xA600] =	vst v63  }
0x89: {  	s18 =	simm.s32 $0x3E00;
	s19 =	sld [smem:$0x7EB]  }
0x8a: {  	[tilespmem:s18], [sflag:$0x1] =	stream.linear.gather [hbm4b:s17+s3], $0x200, $0x38;
	[tilespmem:$0xA600] =	vst v63  }
0x8b: {  	s20 =	simm.s32 $0x4000;
	s23 =	sld [smem:$0x7EC]  }
0x8c: {  	[tilespmem:s20], [sflag:$0x1] =	stream.linear.gather [hbm4b:s19+s3], $0x200, $0x38;
	[tilespmem:$0xA600] =	vst v63  }
0x8d: {  	s24 =	simm.s32 $0x4200;
	s25 =	sld [smem:$0x7ED]  }
0x8e: {  	[tilespmem:s24], [sflag:$0x1] =	stream.linear.gather [hbm4b:s23+s3], $0x200, $0x38;
	[tilespmem:$0xA600] =	vst v63  }
0x8f: {  	s26 =	simm.s32 $0x4400;
	s29 =	sld [smem:$0x7EE]  }
0x90: {  	[tilespmem:s26], [sflag:$0x1] =	stream.linear.gather [hbm4b:s25+s3], $0x200, $0x38;
	[tilespmem:$0xA600] =	vst v63  }
0x91: {  	s31 =	simm.s32 $0x4600;
	s5 =	sld [smem:$0x7EF]  }
0x92: {  	[tilespmem:s31], [sflag:$0x1] =	stream.linear.gather [hbm4b:s29+s3], $0x200, $0x38;
	[tilespmem:$0xA600] =	vst v63  }
0x93: {  	s6 =	simm.s32 $0x4800;
	s7 =	sld [smem:$0x7F0]  }
0x94: {  	[tilespmem:s6], [sflag:$0x1] =	stream.linear.gather [hbm4b:s5+s3], $0x200, $0x38;
	[tilespmem:$0xA600] =	vst v63  }
0x95: {  	s16 =	simm.s32 $0x4A00;
	s17 =	sld [smem:$0x7F1]  }
0x96: {  	[tilespmem:s16], [sflag:$0x1] =	stream.linear.gather [hbm4b:s7+s3], $0x200, $0x38;
	[tilespmem:$0xA600] =	vst v63  }
0x97: {  	s18 =	simm.s32 $0x4C00;
	s19 =	sld [smem:$0x7F2]  }
0x98: {  	[tilespmem:s18], [sflag:$0x1] =	stream.linear.gather [hbm4b:s17+s3], $0x200, $0x38;
	[tilespmem:$0xA600] =	vst v63  }
0x99: {  	s20 =	simm.s32 $0x4E00;
	s23 =	sld [smem:$0x7F3]  }
0x9a: {  	[tilespmem:s20], [sflag:$0x1] =	stream.linear.gather [hbm4b:s19+s3], $0x200, $0x38;
	[tilespmem:$0xA600] =	vst v63  }
0x9b: {  	s24 =	simm.s32 $0x5000;
	s25 =	sld [smem:$0x7F4]  }
0x9c: {  	[tilespmem:s24], [sflag:$0x1] =	stream.linear.gather [hbm4b:s23+s3], $0x200, $0x38;
	[tilespmem:$0xA600] =	vst v63  }
0x9d: {  	s26 =	simm.s32 $0x5200;
	s29 =	sld [smem:$0x7F5]  }
0x9e: {  	[tilespmem:s26], [sflag:$0x1] =	stream.linear.gather [hbm4b:s25+s3], $0x200, $0x38;
	[tilespmem:$0xA600] =	vst v63  }
0x9f: {  	s31 =	simm.s32 $0x5400;
	s5 =	sld [smem:$0x7F6]  }
0xa0: {  	[tilespmem:s31], [sflag:$0x1] =	stream.linear.gather [hbm4b:s29+s3], $0x200, $0x38;
	[tilespmem:$0xA600] =	vst v63  }
0xa1: {  	s6 =	simm.s32 $0x5600;
	s7 =	sld [smem:$0x7F7]  }
0xa2: {  	[tilespmem:s6], [sflag:$0x1] =	stream.linear.gather [hbm4b:s5+s3], $0x200, $0x38;
	[tilespmem:$0xA600] =	vst v63  }
0xa3: {  	s16 =	simm.s32 $0x5800;
	s17 =	sld [smem:$0x7F8]  }
0xa4: {  	[tilespmem:s16], [sflag:$0x1] =	stream.linear.gather [hbm4b:s7+s3], $0x200, $0x38;
	[tilespmem:$0xA600] =	vst v63  }
0xa5: {  	s18 =	simm.s32 $0x5A00;
	s19 =	sld [smem:$0x7F9]  }
0xa6: {  	[tilespmem:s18], [sflag:$0x1] =	stream.linear.gather [hbm4b:s17+s3], $0x200, $0x38;
	[tilespmem:$0xA600] =	vst v63  }
0xa7: {  	s20 =	simm.s32 $0x5C00;
	s23 =	sld [smem:$0x7FA]  }
0xa8: {  	[tilespmem:s20], [sflag:$0x1] =	stream.linear.gather [hbm4b:s19+s3], $0x200, $0x38;
	[tilespmem:$0xA600] =	vst v63  }
0xa9: {  	s24 =	simm.s32 $0x5E00;
	s25 =	sld [smem:$0x7FB]  }
0xaa: {  	[tilespmem:s24], [sflag:$0x1] =	stream.linear.gather [hbm4b:s23+s3], $0x200, $0x38;
	[tilespmem:$0xA600] =	vst v63  }
0xab: {  	s26 =	simm.s32 $0x6000;
	s29 =	sld [smem:$0x7FC]  }
0xac: {  	[tilespmem:s26], [sflag:$0x1] =	stream.linear.gather [hbm4b:s25+s3], $0x200, $0x38;
	[tilespmem:$0xA600] =	vst v63  }
0xad: {  	s31 =	simm.s32 $0x6200  }
0xae: {  	[tilespmem:s31], [sflag:$0x1] =	stream.linear.gather [hbm4b:s29+s3], $0x200, $0x38;
	[tilespmem:$0xA600] =	vst v63  }
0xaf: {  	_ =	swait.ge [sflag:s30], $0x200  }
0xb0: {  	[sflag:s30] =	ssyncset.done $0x0  }
0xb1: {  	[sflag:s30] =	ssyncadd.s32 $0xFFFFFE00  }
0xb2: {  	_ =	swait.ge [sflag:s30], $0x200  }
0xb3: {  	[sflag:s30] =	ssyncset.done $0x0  }
0xb4: {  	[sflag:s30] =	ssyncadd.s32 $0xFFFFFE00  }
0xb5: {  	_ =	swait.ge [sflag:s30], $0x200  }
0xb6: {  	[sflag:s30] =	ssyncset.done $0x0  }
0xb7: {  	[sflag:s30] =	ssyncadd.s32 $0xFFFFFE00  }
0xb8: {  	_ =	swait.ge [sflag:s30], $0x200  }
0xb9: {  	[sflag:s30] =	ssyncset.done $0x0  }
0xba: {  	[sflag:s30] =	ssyncadd.s32 $0xFFFFFE00  }
0xbb: {  	_ =	swait.ge [sflag:s30], $0x200  }
0xbc: {  	[sflag:s30] =	ssyncset.done $0x0  }
0xbd: {  	[sflag:s30] =	ssyncadd.s32 $0xFFFFFE00  }
0xbe: {  	_ =	swait.ge [sflag:s30], $0x200  }
0xbf: {  	[sflag:s30] =	ssyncset.done $0x0  }
0xc0: {  	[sflag:s30] =	ssyncadd.s32 $0xFFFFFE00  }
0xc1: {  	_ =	swait.ge [sflag:s30], $0x200  }
0xc2: {  	[sflag:s30] =	ssyncset.done $0x0  }
0xc3: {  	[sflag:s30] =	ssyncadd.s32 $0xFFFFFE00  }
0xc4: {  	_ =	swait.ge [sflag:s30], $0x200  }
0xc5: {  	[sflag:s30] =	ssyncset.done $0x0  }
0xc6: {  	[sflag:s30] =	ssyncadd.s32 $0xFFFFFE00  }
0xc7: {  	_ =	swait.ge [sflag:s30], $0x200  }
0xc8: {  	[sflag:s30] =	ssyncset.done $0x0  }
0xc9: {  	[sflag:s30] =	ssyncadd.s32 $0xFFFFFE00  }
0xca: {  	_ =	swait.ge [sflag:s30], $0x200  }
0xcb: {  	[sflag:s30] =	ssyncset.done $0x0  }
0xcc: {  	[sflag:s30] =	ssyncadd.s32 $0xFFFFFE00  }
0xcd: {  	_ =	swait.ge [sflag:s30], $0x200  }
0xce: {  	[sflag:s30] =	ssyncset.done $0x0  }
0xcf: {  	[sflag:s30] =	ssyncadd.s32 $0xFFFFFE00  }
0xd0: {  	_ =	swait.ge [sflag:s30], $0x200  }
0xd1: {  	[sflag:s30] =	ssyncset.done $0x0  }
0xd2: {  	[sflag:s30] =	ssyncadd.s32 $0xFFFFFE00  }
0xd3: {  	_ =	swait.ge [sflag:s30], $0x200  }
0xd4: {  	[sflag:s30] =	ssyncset.done $0x0  }
0xd5: {  	[sflag:s30] =	ssyncadd.s32 $0xFFFFFE00  }
0xd6: {  	_ =	swait.ge [sflag:s30], $0x200  }
0xd7: {  	[sflag:s30] =	ssyncset.done $0x0  }
0xd8: {  	[sflag:s30] =	ssyncadd.s32 $0xFFFFFE00  }
0xd9: {  	_ =	swait.ge [sflag:s30], $0x200  }
0xda: {  	[sflag:s30] =	ssyncset.done $0x0  }
0xdb: {  	[sflag:s30] =	ssyncadd.s32 $0xFFFFFE00  }
0xdc: {  	_ =	swait.ge [sflag:s30], $0x200  }
0xdd: {  	[sflag:s30] =	ssyncset.done $0x0  }
0xde: {  	[sflag:s30] =	ssyncadd.s32 $0xFFFFFE00  }
0xdf: {  	_ =	swait.ge [sflag:s30], $0x200  }
0xe0: {  	[sflag:s30] =	ssyncset.done $0x0  }
0xe1: {  	[sflag:s30] =	ssyncadd.s32 $0xFFFFFE00  }
0xe2: {  	_ =	swait.ge [sflag:s30], $0x200  }
0xe3: {  	[sflag:s30] =	ssyncset.done $0x0  }
0xe4: {  	[sflag:s30] =	ssyncadd.s32 $0xFFFFFE00  }
0xe5: {  	_ =	swait.ge [sflag:s30], $0x200  }
0xe6: {  	[sflag:s30] =	ssyncset.done $0x0  }
0xe7: {  	[sflag:s30] =	ssyncadd.s32 $0xFFFFFE00  }
0xe8: {  	_ =	swait.ge [sflag:s30], $0x200  }
0xe9: {  	[sflag:s30] =	ssyncset.done $0x0  }
0xea: {  	[sflag:s30] =	ssyncadd.s32 $0xFFFFFE00  }
0xeb: {  	_ =	swait.ge [sflag:s30], $0x200  }
0xec: {  	[sflag:s30] =	ssyncset.done $0x0  }
0xed: {  	[sflag:s30] =	ssyncadd.s32 $0xFFFFFE00  }
0xee: {  	_ =	swait.ge [sflag:s30], $0x200  }
0xef: {  	[sflag:s30] =	ssyncset.done $0x0  }
0xf0: {  	[sflag:s30] =	ssyncadd.s32 $0xFFFFFE00  }
0xf1: {  	_ =	swait.ge [sflag:s30], $0x200  }
0xf2: {  	[sflag:s30] =	ssyncset.done $0x0  }
0xf3: {  	[sflag:s30] =	ssyncadd.s32 $0xFFFFFE00  }
0xf4: {  	_ =	swait.ge [sflag:s30], $0x200  }
0xf5: {  	[sflag:s30] =	ssyncset.done $0x0  }
0xf6: {  	[sflag:s30] =	ssyncadd.s32 $0xFFFFFE00  }
0xf7: {  	_ =	swait.ge [sflag:s30], $0x200  }
0xf8: {  	[sflag:s30] =	ssyncset.done $0x0  }
0xf9: {  	[sflag:s30] =	ssyncadd.s32 $0xFFFFFE00  }
0xfa: {  	_ =	swait.ge [sflag:s30], $0x200  }
0xfb: {  	[sflag:s30] =	ssyncset.done $0x0  }
0xfc: {  	[sflag:s30] =	ssyncadd.s32 $0xFFFFFE00  }
0xfd: {  	_ =	swait.ge [sflag:s30], $0x200  }
0xfe: {  	[sflag:s30] =	ssyncset.done $0x0  }
0xff: {  	[sflag:s30] =	ssyncadd.s32 $0xFFFFFE00  }
0x100: {  	_ =	swait.ge [sflag:s30], $0x200  }
0x101: {  	[sflag:s30] =	ssyncset.done $0x0  }
0x102: {  	[sflag:s30] =	ssyncadd.s32 $0xFFFFFE00  }
0x103: {  	_ =	swait.ge [sflag:s30], $0x200  }
0x104: {  	[sflag:s30] =	ssyncset.done $0x0  }
0x105: {  	[sflag:s30] =	ssyncadd.s32 $0xFFFFFE00  }
0x106: {  	_ =	swait.ge [sflag:s30], $0x200  }
0x107: {  	[sflag:s30] =	ssyncset.done $0x0  }
0x108: {  	[sflag:s30] =	ssyncadd.s32 $0xFFFFFE00  }
0x109: {  	_ =	swait.ge [sflag:s30], $0x200  }
0x10a: {  	[sflag:s30] =	ssyncset.done $0x0  }
0x10b: {  	[sflag:s30] =	ssyncadd.s32 $0xFFFFFE00  }
0x10c: {  	_ =	swait.ge [sflag:s30], $0x200  }
0x10d: {  	[sflag:s30] =	ssyncset.done $0x0  }
0x10e: {  	[sflag:s30] =	ssyncadd.s32 $0xFFFFFE00  }
0x10f: {  	_ =	swait.ge [sflag:s30], $0x200  }
0x110: {  	[sflag:s30] =	ssyncset.done $0x0  }
0x111: {  	[sflag:s30] =	ssyncadd.s32 $0xFFFFFE00  }
0x112: {  	_ =	swait.ge [sflag:s30], $0x200  }
0x113: {  	[sflag:s30] =	ssyncset.done $0x0  }
0x114: {  	[sflag:s30] =	ssyncadd.s32 $0xFFFFFE00  }
0x115: {  	_ =	swait.ge [sflag:s30], $0x200  }
0x116: {  	[sflag:s30] =	ssyncset.done $0x0  }
0x117: {  	[sflag:s30] =	ssyncadd.s32 $0xFFFFFE00  }
0x118: {  	_ =	swait.ge [sflag:s30], $0x200  }
0x119: {  	[sflag:s30] =	ssyncset.done $0x0  }
0x11a: {  	[sflag:s30] =	ssyncadd.s32 $0xFFFFFE00  }
0x11b: {  	_ =	swait.ge [sflag:s30], $0x200  }
0x11c: {  	[sflag:s30] =	ssyncset.done $0x0  }
0x11d: {  	[sflag:s30] =	ssyncadd.s32 $0xFFFFFE00  }
0x11e: {  	_ =	swait.ge [sflag:s30], $0x200  }
0x11f: {  	[sflag:s30] =	ssyncset.done $0x0  }
0x120: {  	[sflag:s30] =	ssyncadd.s32 $0xFFFFFE00  }
0x121: {  	_ =	swait.ge [sflag:s30], $0x200  }
0x122: {  	[sflag:s30] =	ssyncset.done $0x0  }
0x123: {  	[sflag:s30] =	ssyncadd.s32 $0xFFFFFE00  }
0x124: {  	_ =	swait.ge [sflag:s30], $0x200  }
0x125: {  	[sflag:s30] =	ssyncset.done $0x0  }
0x126: {  	[sflag:s30] =	ssyncadd.s32 $0xFFFFFE00  }
0x127: {  	_ =	swait.ge [sflag:s30], $0x200  }
0x128: {  	[sflag:s30] =	ssyncset.done $0x0  }
0x129: {  	[sflag:s30] =	ssyncadd.s32 $0xFFFFFE00  }
0x12a: {  	_ =	swait.ge [sflag:s30], $0x200  }
0x12b: {  	[sflag:s30] =	ssyncset.done $0x0  }
0x12c: {  	[sflag:s30] =	ssyncadd.s32 $0xFFFFFE00  }
0x12d: {  	_ =	swait.ge [sflag:s30], $0x200  }
0x12e: {  	[sflag:s30] =	ssyncset.done $0x0  }
0x12f: {  	[sflag:s30] =	ssyncadd.s32 $0xFFFFFE00  }
0x130: {  	_ =	swait.ge [sflag:s30], $0x200  }
0x131: {  	[sflag:s30] =	ssyncset.done $0x0  }
0x132: {  	[sflag:s30] =	ssyncadd.s32 $0xFFFFFE00  }
0x133: {  	_ =	swait.ge [sflag:s30], $0x200  }
0x134: {  	[sflag:s30] =	ssyncset.done $0x0  }
0x135: {  	[sflag:s30] =	ssyncadd.s32 $0xFFFFFE00  }
0x136: {  	_ =	swait.ge [sflag:s30], $0x200  }
0x137: {  	[sflag:s30] =	ssyncset.done $0x0  }
0x138: {  	[sflag:s30] =	ssyncadd.s32 $0xFFFFFE00  }
0x139: {  	_ =	swait.ge [sflag:s30], $0x200  }
0x13a: {  	[sflag:s30] =	ssyncset.done $0x0  }
0x13b: {  	[sflag:s30] =	ssyncadd.s32 $0xFFFFFE00  }
0x13c: {  	_ =	swait.ge [sflag:s30], $0x200  }
0x13d: {  	[sflag:s30] =	ssyncset.done $0x0  }
0x13e: {  	[sflag:s30] =	ssyncadd.s32 $0xFFFFFE00  }
0x13f: {  	_ =	swait.ge [sflag:s30], $0x200  }
0x140: {  	[sflag:s30] =	ssyncset.done $0x0  }
0x141: {  	[sflag:s30] =	ssyncadd.s32 $0xFFFFFE00  }
0x142: {  	_ =	swait.ge [sflag:s30], $0x200  }
0x143: {  	[sflag:s30] =	ssyncset.done $0x0  }
0x144: {  	s16 =	simm.s32 $0x40;
	[sflag:s30] =	ssyncadd.s32 $0xFFFFFE00  }
0x145: {  	v17 =	vld [tilespmem:s16+$0x30]  }
0x146: {  	v19 =	vld [tilespmem:s16+$0xFFFFFFD0]  }
0x147: {  	v21 =	vld [tilespmem:s16+$0xFFFFFFF0]  }
0x148: {  	v23 =	vld [tilespmem:s16+$0xFFFFFFC0]  }
0x149: {  	v20 =	vld [tilespmem:s16+$0xFFFFFFE0]  }
0x14a: {  	v25 =	vld [tilespmem:s16+$0x0]  }
0x14b: {  	v18 =	vshll.u32 v17, $0x2  }
0x14c: {  	v26 =	vld [tilespmem:s16+$0x10];
	v22 =	vand.u32 $0xFFFFE000, v17;
	v17 =	vshrl.u32 v17, $0xB;
	v24 =	vshll.u32 v19, $0x2  }
0x14d: {  	v28 =	vshll.u32 v21, $0x2;
	v36 =	vand.u32 $0xFFFFE000, v19;
	v29 =	vand.u32 $0xFFFFE000, v23  }
0x14e: {  	v27 =	vld [tilespmem:s16+$0x20];
	v19 =	vshrl.u32 v19, $0xB;
	v37 =	vand.u32 $0xFFFFE000, v20;
	v38 =	vand.u32 $0xFFFFE000, v21  }
0x14f: {  	v39 =	vand.u32 $0xFFFFE000, v25;
	v18 =	vand.u32 $0x1FFC, v18;
	v17 =	vand.u32 $0x3, v17  }
0x150: {  	v31 =	vand.u32 $0x1FFC, v24;
	v34 =	vand.u32 $0x1FFC, v28;
	v24 =	vshrl.u32 v23, $0xB  }
0x151: {  	v28 =	vand.u32 $0xFFFFE000, v26;
	v18 =	vor.u32 v22, v18;
	v22 =	vshll.u32 v20, $0x2  }
0x152: {  	v31 =	vor.u32 v36, v31;
	v32 =	vor.u32 v17, v18;
	v33 =	vand.u32 $0x1FFC, v22  }
0x153: {  	v17 =	vshll.u32 v25, $0x2;
	v18 =	vshll.u32 v27, $0x2;
	v22 =	vshll.u32 v23, $0x2  }
0x154: {  	v23 =	vshrl.u32 v21, $0xB;
	v21 =	vshrl.u32 v26, $0xB;
	v35 =	vand.u32 $0x1FFC, v17  }
0x155: {  	v17 =	vshll.u32 v26, $0x2;
	v18 =	vand.u32 $0x1FFC, v18;
	v30 =	vand.u32 $0x1FFC, v22  }
0x156: {  	v22 =	vshrl.u32 v20, $0xB;
	v20 =	vshrl.u32 v25, $0xB;
	v25 =	vshrl.u32 v27, $0xB  }
0x157: {  	[tilespmem:s16+$0x30] =	vst v32;
	v32 =	vor.u32 v37, v33;
	v17 =	vand.u32 $0x1FFC, v17;
	v30 =	vor.u32 v29, v30  }
0x158: {  	s17 =	simm.s32 $0x0;
	s18 =	simm.s32 $0xC0;
	v29 =	vand.u32 $0xFFFFE000, v27;
	v27 =	vor.u32 v38, v34;
	v26 =	vor.u32 v39, v35  }
.LBB2_2:
0x159: {  	v33 =	vld [tilespmem:s18+$0x30];
	s17 =	sadd.s32 $0x8, s17;
	v24 =	vand.u32 $0x3, v24;
	v17 =	vor.u32 v28, v17;
	v18 =	vor.u32 v29, v18  }
0x15a: {  	v19 =	vand.u32 $0x3, v19;
	v22 =	vand.u32 $0x3, v22;
	v23 =	vand.u32 $0x3, v23;
	v28 =	vld [tilespmem:s18+$0xFFFFFFD0];
	p0 =	slt.u32 s17, $0x638  }
0x15b: {  	v20 =	vand.u32 $0x3, v20;
	v21 =	vand.u32 $0x3, v21;
	v25 =	vand.u32 $0x3, v25;
	v29 =	vld [tilespmem:s18+$0xFFFFFFE0]  }
0x15c: {  	v24 =	vor.u32 v24, v30;
	v19 =	vor.u32 v19, v31;
	v22 =	vor.u32 v22, v32;
	v34 =	vld [tilespmem:s18+$0xFFFFFFF0]  }
0x15d: {  	v23 =	vor.u32 v23, v27;
	v20 =	vor.u32 v20, v26;
	v17 =	vor.u32 v21, v17;
	v30 =	vld [tilespmem:s18+$0x0];
	[tilespmem:s16+$0xFFFFFFC0] =	vst v24  }
0x15e: {  	v18 =	vor.u32 v25, v18;
	v21 =	vld [tilespmem:s18+$0x10];
	v24 =	vshll.u32 v33, $0x2;
	[tilespmem:s16+$0xFFFFFFD0] =	vst v19  }
0x15f: {  	v19 =	vand.u32 $0xFFFFE000, v33;
	v26 =	vshrl.u32 v33, $0xB;
	v25 =	vld [tilespmem:s18+$0x20];
	v24 =	vand.u32 $0x1FFC, v24;
	[tilespmem:s16+$0xFFFFFFE0] =	vst v22  }
0x160: {  	v27 =	vshll.u32 v28, $0x2;
	v22 =	vld [tilespmem:s18+$0xFFFFFFC0];
	v19 =	vor.u32 v19, v24;
	v24 =	vand.u32 $0x3, v26;
	[tilespmem:s16+$0xFFFFFFF0] =	vst v23  }
0x161: {  	v23 =	vshll.u32 v29, $0x2;
	v26 =	vshll.u32 v34, $0x2;
	v19 =	vor.u32 v24, v19;
	[tilespmem:s16+$0x0] =	vst v20  }
0x162: {  	v27 =	vand.u32 $0x1FFC, v27;
	v32 =	vand.u32 $0x1FFC, v23;
	v20 =	vshll.u32 v30, $0x2;
	[tilespmem:s18+$0x30] =	vst v19  }
0x163: {  	v26 =	vand.u32 $0x1FFC, v26;
	v33 =	vand.u32 $0x1FFC, v20;
	v19 =	vshll.u32 v21, $0x2;
	[tilespmem:s16+$0x10] =	vst v17  }
0x164: {  	v31 =	vand.u32 $0xFFFFE000, v28;
	v17 =	vand.u32 $0x1FFC, v19;
	v19 =	vshll.u32 v25, $0x2;
	[tilespmem:s16+$0x20] =	vst v18;
	s16 =	smov.u32 s18  }
0x165: {  	v35 =	vand.u32 $0xFFFFE000, v22;
	v20 =	vshll.u32 v22, $0x2;
	v18 =	vand.u32 $0x1FFC, v19  }
0x166: {  	v24 =	vshrl.u32 v22, $0xB;
	v19 =	vshrl.u32 v28, $0xB;
	v36 =	vand.u32 $0x1FFC, v20  }
.Ltmp2:
0x167: {  	v37 =	vand.u32 $0xFFFFE000, v29;
	v38 =	vand.u32 $0xFFFFE000, v34;
	v22 =	vshrl.u32 v29, $0xB;
	(pc) =	sbr.rel @p0 .LBB2_2-.Ltmp2, $4  }
0x168: {  	v23 =	vshrl.u32 v34, $0xB;
	v34 =	vand.u32 $0xFFFFE000, v30;
	v20 =	vshrl.u32 v30, $0xB  }
0x169: {  	v28 =	vand.u32 $0xFFFFE000, v21;
	v21 =	vshrl.u32 v21, $0xB;
	v29 =	vand.u32 $0xFFFFE000, v25  }
0x16a: {  	v31 =	vor.u32 v31, v27;
	v25 =	vshrl.u32 v25, $0xB;
	v30 =	vor.u32 v35, v36  }
0x16b: {  	v32 =	vor.u32 v37, v32;
	v27 =	vor.u32 v38, v26;
	v26 =	vor.u32 v34, v33;
	s18 =	sadd.s32 $0x80, s18  }
0x16c: {  	v24 =	vand.u32 $0x3, v24  }
0x16d: {  	v19 =	vand.u32 $0x3, v19;
	v24 =	vor.u32 v24, v30  }
0x16e: {  	v22 =	vand.u32 $0x3, v22;
	v19 =	vor.u32 v19, v31;
	[tilespmem:s16+$0xFFFFFFC0] =	vst v24  }
0x16f: {  	v23 =	vand.u32 $0x3, v23;
	v22 =	vor.u32 v22, v32;
	[tilespmem:s16+$0xFFFFFFD0] =	vst v19  }
0x170: {  	v17 =	vor.u32 v28, v17;
	v21 =	vand.u32 $0x3, v21;
	v62 =	vor.u32 v23, v27;
	[tilespmem:s16+$0xFFFFFFE0] =	vst v22  }
0x171: {  	v18 =	vor.u32 v29, v18;
	v63 =	vand.u32 $0x3, v25;
	v17 =	vor.u32 v21, v17;
	[tilespmem:s16+$0xFFFFFFF0] =	vst v62  }
0x172: {  	v18 =	vor.u32 v63, v18;
	v19 =	vand.u32 $0x3, v20;
	[tilespmem:s16+$0x10] =	vst v17  }
0x173: {  	[tilespmem:s16+$0x20] =	vst v18;
	v19 =	vor.u32 v19, v26  }
0x174: {  	s1 =	simm.s32 $0x80;
	s2 =	simm.s32 $0x6400;
	[tilespmem:s16+$0x0] =	vst v19;
	s16 =	simm.s32 $0x0  }
0x175: {  	[tilespmem:s2], [sflag:$0x1] =	stream.indirect.gather [hbm4b:s4+s1], $0x20, s16, s1, $0xb8;
	[tilespmem:$0xA600] =	vst v63  }
0x176: {  	s31 =	simm.s32 $0x7400;
	s17 =	simm.s32 $0x0  }
0x177: {  	[tilespmem:s31], [sflag:$0x1] =	stream.indirect.gather [hbm4b:s4+s1], $0x20, s1, s1, $0xb8;
	[tilespmem:$0xA600] =	vst v63  }
.LBB2_4:
0x178: {  	_ =	swait.ge [sflag:s30], $0x1000;
	v17 =	vmov s16;
	s1 =	simm.s32 $0x1  }
0x179: {  	s2 =	simm.s32 $0x2;
	s5 =	simm.s32 $0x3;
	s19 =	simm.s32 $0x4;
	v17 =	vshrl.u32 v17, $0x3;
	v18 =	vmov s1  }
0x17a: {  	s6 =	simm.s32 $0x5;
	s20 =	simm.s32 $0x7;
	s23 =	simm.s32 $0x6;
	v19 =	vmov s2;
	v20 =	vmov s5;
	v21 =	vmov s19  }
0x17b: {  	p0 =	seq.s32 s17, $0x0;
	[sflag:s30] =	ssyncset.done $0x0;
	v22 =	vmov s6;
	v23 =	vmov s20;
	v24 =	vmov s23  }
0x17c: {  	s2 =	simm.s32 @!p0 $0x2;
	[sflag:s30] =	ssyncadd.s32 $0xFFFFF000;
	v18 =	vshrl.u32 v18, $0x3;
	v23 =	vshrl.u32 v23, $0x3;
	v19 =	vshrl.u32 v19, $0x3  }
0x17d: {  	v20 =	vshrl.u32 v20, $0x3;
	_ =	swait.ge @!p0 [sflag:s2], $0x1000;
	v23 =	vshll.u32 v23, v1;
	v18 =	vshll.u32 v18, v1  }
0x17e: {  	v21 =	vshrl.u32 v21, $0x3;
	[sflag:s2] =	ssyncset.done @!p0 $0x0;
	v23 =	vbroadcast v23, $0x0;
	v18 =	vbroadcast v18, $0x0  }
0x17f: {  	s19 =	simm.s32 $0x6480;
	v22 =	vshrl.u32 v22, $0x3;
	v19 =	vshll.u32 v19, v1;
	v20 =	vshll.u32 v20, v1;
	[sflag:s2] =	ssyncadd.s32 @!p0 $0xFFFFF000  }
0x180: {  	v19 =	vbroadcast v19, $0x0;
	v25 =	vld [tilespmem:s19+$0x60];
	v23 =	vadd.s32 v8, v23;
	v27 =	vadd.s32 v2, v18  }
0x181: {  	v26 =	vld [tilespmem:s19+$0xFFFFFFA0];
	v18 =	vbroadcast v20, $0x0;
	v20 =	vshll.u32 v21, v1;
	v21 =	vshrl.u32 v24, $0x3  }
0x182: {  	v28 =	vld [tilespmem:s19+$0xFFFFFFC0];
	v29 =	vadd.s32 v3, v19;
	v19 =	vbroadcast v20, $0x0;
	v20 =	vshll.u32 v22, v1  }
0x183: {  	v30 =	vld [tilespmem:s19+$0xFFFFFFE0];
	v21 =	vshll.u32 v21, v1;
	v31 =	vadd.s32 v4, v18;
	v22 =	vbroadcast v20, $0x0  }
0x184: {  	v17 =	vshll.u32 v17, v1;
	v18 =	vld [tilespmem:s19+$0x0];
	v24 =	vbroadcast v21, $0x0;
	v20 =	vadd.s32 v5, v19  }
0x185: {  	s24 =	simm.s32 $0x8;
	v32 =	vbroadcast v17, $0x0;
	v19 =	vld [tilespmem:s19+$0x20];
	v21 =	vadd.s32 v6, v22;
	[tilespmem:v23+s0+$0x0] =	vst.idx.msk $0xffff, v25  }
0x186: {  	s18 =	sshll.u32 s17, $0x8;
	s25 =	simm.s32 $0x9;
	s26 =	simm.s32 $0xA;
	v17 =	vmov s24;
	v22 =	vld [tilespmem:s19+$0x40];
	[tilespmem:v27+s0+$0x0] =	vst.idx.msk $0xffff, v26;
	v23 =	vadd.s32 v7, v24  }
0x187: {  	s29 =	simm.s32 $0xB;
	s31 =	simm.s32 $0xC;
	s1 =	simm.s32 $0xD;
	v17 =	vshrl.u32 v17, $0x3;
	v26 =	vmov s25;
	v24 =	vld [tilespmem:s19+$0xFFFFFF80];
	v25 =	vadd.s32 v0, v32;
	[tilespmem:v29+s0+$0x0] =	vst.idx.msk $0xffff, v28  }
0x188: {  	s5 =	simm.s32 $0xE;
	s6 =	simm.s32 $0xF;
	s2 =	simm.s32 $0x10;
	v29 =	vmov s26;
	v27 =	vmov s29;
	v28 =	vmov s31;
	[tilespmem:v31+s0+$0x0] =	vst.idx.msk $0xffff, v30  }
.LBB2_5:
0x189: {  	p1 =	slt.u32 s2, $0x78;
	v30 =	vmov s1;
	v31 =	vmov s5;
	v32 =	vmov s6;
	[tilespmem:v20+s0+$0x0] =	vst.idx.msk $0xffff, v18  }
0x18a: {  	v18 =	vshrl.u32 v26, $0x3;
	v20 =	vshrl.u32 v29, $0x3;
	v26 =	vshrl.u32 v32, $0x3;
	[tilespmem:v21+s0+$0x0] =	vst.idx.msk $0xffff, v19  }
0x18b: {  	v19 =	vshrl.u32 v27, $0x3;
	v21 =	vshrl.u32 v28, $0x3;
	v26 =	vshll.u32 v26, v1;
	[tilespmem:v23+s0+$0x0] =	vst.idx.msk $0xffff, v22  }
0x18c: {  	v18 =	vshll.u32 v18, v1;
	v22 =	vshrl.u32 v30, $0x3;
	v23 =	vbroadcast v26, $0x0;
	[tilespmem:v25+s0+$0x0] =	vst.idx.msk $0xffff, v24  }
0x18d: {  	s19 =	sadd.s32 $0x100, s19;
	v20 =	vshll.u32 v20, v1;
	v18 =	vbroadcast v18, $0x0;
	v24 =	vshrl.u32 v31, $0x3  }
0x18e: {  	v20 =	vbroadcast v20, $0x0;
	v19 =	vshll.u32 v19, v1;
	v25 =	vld [tilespmem:s19+$0x60];
	v23 =	vadd.s32 v8, v23  }
0x18f: {  	v27 =	vadd.s32 v2, v18;
	v18 =	vbroadcast v19, $0x0;
	v19 =	vshll.u32 v21, v1;
	v26 =	vld [tilespmem:s19+$0xFFFFFFA0]  }
0x190: {  	v29 =	vadd.s32 v3, v20;
	v20 =	vshll.u32 v22, v1;
	v19 =	vbroadcast v19, $0x0;
	v28 =	vld [tilespmem:s19+$0xFFFFFFC0]  }
0x191: {  	v22 =	vshll.u32 v24, v1;
	v21 =	vbroadcast v20, $0x0;
	v31 =	vadd.s32 v4, v18;
	v30 =	vld [tilespmem:s19+$0xFFFFFFE0]  }
.Ltmp3:
0x192: {  	v17 =	vshll.u32 v17, v1;
	v24 =	vbroadcast v22, $0x0;
	v20 =	vadd.s32 v5, v19;
	v18 =	vld [tilespmem:s19+$0x0];
	(pc) =	sbr.rel @p1 .LBB2_5-.Ltmp3, $4  }
0x193: {  	v32 =	vbroadcast v17, $0x0;
	v21 =	vadd.s32 v6, v21;
	v19 =	vld [tilespmem:s19+$0x20];
	[tilespmem:v23+s0+$0x0] =	vst.idx.msk $0xffff, v25  }
0x194: {  	s1 =	sadd.s32 $0x1, s2;
	s5 =	sadd.s32 $0x2, s2;
	v17 =	vmov s2;
	v23 =	vadd.s32 v7, v24;
	[tilespmem:v27+s0+$0x0] =	vst.idx.msk $0xffff, v26;
	v22 =	vld [tilespmem:s19+$0x40]  }
0x195: {  	s6 =	sadd.s32 $0x3, s2;
	s20 =	sadd.s32 $0x4, s2;
	v17 =	vshrl.u32 v17, $0x3;
	v25 =	vadd.s32 v0, v32;
	v26 =	vmov s1;
	s1 =	sadd.s32 $0x5, s2;
	v24 =	vld [tilespmem:s19+$0xFFFFFF80];
	[tilespmem:v29+s0+$0x0] =	vst.idx.msk $0xffff, v28  }
0x196: {  	v27 =	vmov s6;
	s6 =	sadd.s32 $0x7, s2;
	v29 =	vmov s5;
	v28 =	vmov s20;
	s5 =	sadd.s32 $0x6, s2;
	s2 =	sadd.s32 $0x8, s2;
	[tilespmem:v31+s0+$0x0] =	vst.idx.msk $0xffff, v30  }
0x197: {  	v30 =	vmov s1;
	v31 =	vmov s5;
	v32 =	vmov s6  }
0x198: {  	v26 =	vshrl.u32 v26, $0x3;
	v29 =	vshrl.u32 v29, $0x3;
	v27 =	vshrl.u32 v27, $0x3  }
0x199: {  	v28 =	vshrl.u32 v28, $0x3;
	v17 =	vshll.u32 v17, v1;
	v32 =	vshrl.u32 v32, $0x3  }
0x19a: {  	v26 =	vshll.u32 v26, v1;
	v30 =	vshrl.u32 v30, $0x3;
	v29 =	vshll.u32 v29, v1  }
0x19b: {  	v31 =	vshrl.u32 v31, $0x3;
	v27 =	vshll.u32 v27, v1;
	v26 =	vbroadcast v26, $0x0  }
0x19c: {  	s26 =	sadd.s32 $0x100, s19;
	[tilespmem:v20+s0+$0x0] =	vst.idx.msk $0xffff, v18;
	v17 =	vbroadcast v17, $0x0;
	v32 =	vshll.u32 v32, v1;
	v29 =	vbroadcast v29, $0x0  }
0x19d: {  	v18 =	vld [tilespmem:s26+$0xFFFFFFA0];
	[tilespmem:v21+s0+$0x0] =	vst.idx.msk $0xffff, v19;
	v32 =	vbroadcast v32, $0x0;
	v20 =	vadd.s32 v2, v26;
	v26 =	vbroadcast v27, $0x0  }
0x19e: {  	v19 =	vld [tilespmem:s26+$0xFFFFFFC0];
	v27 =	vshll.u32 v28, v1;
	v21 =	vadd.s32 v3, v29;
	v28 =	vshll.u32 v30, v1  }
0x19f: {  	v29 =	vld [tilespmem:s26+$0xFFFFFF80];
	v30 =	vadd.s32 v0, v17;
	v32 =	vadd.s32 v8, v32;
	v27 =	vbroadcast v27, $0x0  }
0x1a0: {  	v33 =	vld [tilespmem:s26+$0x60];
	[tilespmem:v23+s0+$0x0] =	vst.idx.msk $0xffff, v22;
	v23 =	vadd.s32 v4, v26;
	v26 =	vbroadcast v28, $0x0;
	v28 =	vshll.u32 v31, v1  }
0x1a1: {  	v22 =	vld [tilespmem:s26+$0xFFFFFFE0];
	[tilespmem:v25+s0+$0x0] =	vst.idx.msk $0xffff, v24;
	v25 =	vadd.s32 v5, v27;
	v27 =	vbroadcast v28, $0x0  }
0x1a2: {  	v24 =	vld [tilespmem:s26+$0x0];
	[tilespmem:v20+s0+$0x0] =	vst.idx.msk $0xffff, v18  }
0x1a3: {  	v20 =	vld [tilespmem:s26+$0x40];
	v27 =	vadd.s32 v7, v27;
	[tilespmem:v21+s0+$0x0] =	vst.idx.msk $0xffff, v19  }
0x1a4: {  	p2 =	por $0x1, $0x1;
	v28 =	vld [tilespmem:s26+$0x20];
	v26 =	vadd.s32 v6, v26;
	[tilespmem:v30+s0+$0x0] =	vst.idx.msk $0xffff, v29  }
.Ltmp4:
0x1a5: {  	s2 =	simm.s32 $0x0;
	[tilespmem:v32+s0+$0x0] =	vst.idx.msk $0xffff, v33;
	(pc) =	sbr.rel @!p2 .LBB2_10-.Ltmp4, $4  }
0x1a6: {  	s23 =	simm.s32 $0x6490;
	s20 =	simm.s32 $0x1;
	s19 =	simm.s32 $0x4;
	v17 =	vmov s2;
	[tilespmem:v23+s0+$0x0] =	vst.idx.msk $0xffff, v22  }
0x1a7: {  	s25 =	simm.s32 $0x6;
	s29 =	simm.s32 $0x7;
	s24 =	simm.s32 $0x8;
	v18 =	vshrl.u32 v17, $0x3;
	v19 =	vmov s20;
	[tilespmem:v25+s0+$0x0] =	vst.idx.msk $0xffff, v24  }
0x1a8: {  	p1 =	por $0x0, $0x0;
	s1 =	simm.s32 $0x5;
	s5 =	simm.s32 $0x6;
	v21 =	vmov s21;
	v22 =	vmov s22;
	[tilespmem:v27+s0+$0x0] =	vst.idx.msk $0xffff, v20;
	v20 =	vmov s19  }
0x1a9: {  	s6 =	simm.s32 $0x7;
	s31 =	simm.s32 $0x6490;
	s26 =	simm.s32 $0x5;
	v32 =	vmovc v19;
	v33 =	vmovc v21;
	v23 =	vmov v18;
	v34 =	vmov v22;
	[tilespmem:v26+s0+$0x0] =	vst.idx.msk $0xffff, v28;
	v35 =	vmov v20  }
0x1aa: {  	v23 =	vmov s26;
	v24 =	vmov s29;
	v25 =	vmov s25  }
0x1ab: {  	v26 =	vshrl.u32 v19, $0x3;
	v27 =	vshrl.u32 v21, $0x3;
	v28 =	vshrl.u32 v22, $0x3  }
0x1ac: {  	v29 =	vshrl.u32 v20, $0x3;
	v24 =	vshrl.u32 v24, $0x3;
	v26 =	vshll.u32 v26, v1  }
0x1ad: {  	v27 =	vshll.u32 v27, v1;
	v24 =	vshll.u32 v24, v1;
	v26 =	vbroadcast v26, $0x0  }
0x1ae: {  	v23 =	vshrl.u32 v23, $0x3;
	v27 =	vbroadcast v27, $0x0;
	v24 =	vbroadcast v24, $0x0  }
0x1af: {  	v32 =	vld [tilespmem:s23+$0xFFFFFFA0];
	v28 =	vshll.u32 v28, v1;
	v33 =	vadd.s32 v10, v26;
	v26 =	vshll.u32 v29, v1  }
0x1b0: {  	v34 =	vld [tilespmem:s23+$0xFFFFFFC0];
	v35 =	vadd.s32 v11, v27;
	v31 =	vadd.s32 v16, v24;
	v24 =	vbroadcast v28, $0x0  }
0x1b1: {  	v30 =	vld [tilespmem:s23+$0x60];
	v25 =	vshrl.u32 v25, $0x3;
	v23 =	vshll.u32 v23, v1;
	v26 =	vbroadcast v26, $0x0  }
0x1b2: {  	v36 =	vld [tilespmem:s23+$0xFFFFFFE0];
	p2 =	por $0x1, $0x1;
	v23 =	vbroadcast v23, $0x0;
	v37 =	vadd.s32 v12, v24;
	v24 =	vshll.u32 v25, v1  }
.Ltmp5:
0x1b3: {  	v27 =	vshll.u32 v18, v1;
	v25 =	vadd.s32 v13, v26;
	v28 =	vbroadcast v24, $0x0;
	v24 =	vld [tilespmem:s23+$0x0];
	(pc) =	sbr.rel @!p2 .LBB2_8-.Ltmp5, $4  }
0x1b4: {  	s1 =	simm.s32 $0x9;
	v38 =	vbroadcast v27, $0x0;
	v27 =	vadd.s32 v14, v23;
	v26 =	vld [tilespmem:s23+$0x20];
	[tilespmem:v33+s0+$0x0] =	vst.idx.msk $0xffff, v32  }
0x1b5: {  	s2 =	simm.s32 $0xA;
	s31 =	simm.s32 $0xB;
	s7 =	simm.s32 $0xC;
	v29 =	vld [tilespmem:s23+$0x40];
	v23 =	vmov s24;
	[tilespmem:v35+s0+$0x0] =	vst.idx.msk $0xffff, v34;
	v28 =	vadd.s32 v15, v28  }
0x1b6: {  	s5 =	simm.s32 $0xE;
	s6 =	simm.s32 $0xF;
	p1 =	por $0x1, $0x1;
	v23 =	vshrl.u32 v23, $0x3;
	v32 =	vmov s1;
	[tilespmem:v31+s0+$0x0] =	vst.idx.msk $0xffff, v30;
	v30 =	vld [tilespmem:s23+$0xFFFFFF80];
	v31 =	vadd.s32 v9, v38  }
0x1b7: {  	s1 =	simm.s32 $0xD;
	v33 =	vmov s2;
	v34 =	vmov s31;
	v35 =	vmov s7;
	s2 =	simm.s32 $0x10;
	s31 =	simm.s32 $0x6490;
	[tilespmem:v37+s0+$0x0] =	vst.idx.msk $0xffff, v36  }
.LBB2_9:
0x1b8: {  	p2 =	slt.u32 s2, $0x78;
	v36 =	vmov s1;
	v37 =	vmov s5;
	v38 =	vmov s6;
	[tilespmem:v25+s0+$0x0] =	vst.idx.msk $0xffff, v24  }
0x1b9: {  	v24 =	vshrl.u32 v32, $0x3;
	v25 =	vshrl.u32 v33, $0x3;
	v32 =	vshrl.u32 v38, $0x3;
	[tilespmem:v27+s0+$0x0] =	vst.idx.msk $0xffff, v26  }
0x1ba: {  	v26 =	vshrl.u32 v34, $0x3;
	v27 =	vshrl.u32 v35, $0x3;
	v32 =	vshll.u32 v32, v1;
	[tilespmem:v28+s0+$0x0] =	vst.idx.msk $0xffff, v29  }
0x1bb: {  	v24 =	vshll.u32 v24, v1;
	v28 =	vshrl.u32 v36, $0x3;
	v29 =	vbroadcast v32, $0x0;
	[tilespmem:v31+s0+$0x0] =	vst.idx.msk $0xffff, v30  }
0x1bc: {  	s31 =	sadd.s32 $0x100, s31;
	v25 =	vshll.u32 v25, v1;
	v24 =	vbroadcast v24, $0x0;
	v30 =	vshrl.u32 v37, $0x3  }
0x1bd: {  	v25 =	vbroadcast v25, $0x0;
	v26 =	vshll.u32 v26, v1;
	v31 =	vld [tilespmem:s31+$0x60];
	v29 =	vadd.s32 v16, v29  }
0x1be: {  	v33 =	vadd.s32 v10, v24;
	v24 =	vbroadcast v26, $0x0;
	v26 =	vshll.u32 v27, v1;
	v32 =	vld [tilespmem:s31+$0xFFFFFFA0]  }
0x1bf: {  	v35 =	vadd.s32 v11, v25;
	v25 =	vbroadcast v26, $0x0;
	v26 =	vshll.u32 v28, v1;
	v34 =	vld [tilespmem:s31+$0xFFFFFFC0]  }
0x1c0: {  	v37 =	vadd.s32 v12, v24;
	v27 =	vbroadcast v26, $0x0;
	v26 =	vshll.u32 v30, v1;
	v36 =	vld [tilespmem:s31+$0xFFFFFFE0]  }
.Ltmp6:
0x1c1: {  	v23 =	vshll.u32 v23, v1;
	v25 =	vadd.s32 v13, v25;
	v28 =	vbroadcast v26, $0x0;
	v24 =	vld [tilespmem:s31+$0x0];
	(pc) =	sbr.rel @p2 .LBB2_9-.Ltmp6, $4  }
0x1c2: {  	v38 =	vbroadcast v23, $0x0;
	v27 =	vadd.s32 v14, v27;
	v26 =	vld [tilespmem:s31+$0x20];
	[tilespmem:v29+s0+$0x0] =	vst.idx.msk $0xffff, v31  }
0x1c3: {  	s1 =	sadd.s32 $0x1, s2;
	s5 =	sadd.s32 $0x2, s2;
	v23 =	vmov s2;
	v28 =	vadd.s32 v15, v28;
	[tilespmem:v33+s0+$0x0] =	vst.idx.msk $0xffff, v32;
	v29 =	vld [tilespmem:s31+$0x40]  }
0x1c4: {  	s6 =	sadd.s32 $0x3, s2;
	s7 =	sadd.s32 $0x4, s2;
	v23 =	vshrl.u32 v23, $0x3;
	v31 =	vadd.s32 v9, v38;
	v32 =	vmov s1;
	s1 =	sadd.s32 $0x5, s2;
	v30 =	vld [tilespmem:s31+$0xFFFFFF80];
	[tilespmem:v35+s0+$0x0] =	vst.idx.msk $0xffff, v34  }
0x1c5: {  	v33 =	vmov s5;
	s5 =	sadd.s32 $0x6, s2;
	v34 =	vmov s6;
	v35 =	vmov s7;
	s6 =	sadd.s32 $0x7, s2;
	s2 =	sadd.s32 $0x8, s2;
	[tilespmem:v37+s0+$0x0] =	vst.idx.msk $0xffff, v36  }
.LBB2_10:
0x1c6: {  	v36 =	vmov s1;
	v37 =	vmov s5;
	v38 =	vmov s6  }
0x1c7: {  	v32 =	vshrl.u32 v32, $0x3;
	v33 =	vshrl.u32 v33, $0x3;
	v34 =	vshrl.u32 v34, $0x3  }
0x1c8: {  	v35 =	vshrl.u32 v35, $0x3;
	v23 =	vshll.u32 v23, v1;
	v38 =	vshrl.u32 v38, $0x3  }
0x1c9: {  	s1 =	sadd.s32 @p1 $0x100, s31;
	v32 =	vshll.u32 v32, v1;
	v36 =	vshrl.u32 v36, $0x3;
	v23 =	vbroadcast v23, $0x0  }
0x1ca: {  	v33 =	vshll.u32 v33, v1;
	v37 =	vshrl.u32 v37, $0x3;
	s23 =	smov.u32 @p1 s1;
	v32 =	vbroadcast v32, $0x0  }
0x1cb: {  	v34 =	vshll.u32 v34, v1;
	v33 =	vbroadcast v33, $0x0;
	v61 =	vld [tilespmem:s23+$0xFFFFFF80];
	v23 =	vadd.s32 v9, v23  }
0x1cc: {  	[tilespmem:v25+s0+$0x0] =	vst.idx.msk @p1 $0xffff, v24;
	v54 =	vshll.u32 v35, v1;
	v24 =	vld [tilespmem:s23+$0xFFFFFFA0];
	v53 =	vbroadcast v34, $0x0;
	v25 =	vadd.s32 v10, v32  }
0x1cd: {  	[tilespmem:v27+s0+$0x0] =	vst.idx.msk @p1 $0xffff, v26;
	v38 =	vshll.u32 v38, v1;
	v26 =	vld [tilespmem:s23+$0xFFFFFFC0];
	v55 =	vbroadcast v54, $0x0;
	v27 =	vadd.s32 v11, v33  }
0x1ce: {  	v56 =	vshll.u32 v36, v1;
	[tilespmem:v28+s0+$0x0] =	vst.idx.msk @p1 $0xffff, v29;
	v28 =	vld [tilespmem:s23+$0xFFFFFFE0];
	v38 =	vbroadcast v38, $0x0;
	v29 =	vadd.s32 v12, v53  }
0x1cf: {  	v58 =	vshll.u32 v37, v1;
	v57 =	vbroadcast v56, $0x0;
	[tilespmem:v31+s0+$0x0] =	vst.idx.msk @p1 $0xffff, v30;
	v30 =	vld [tilespmem:s23+$0x0];
	v31 =	vadd.s32 v13, v55  }
0x1d0: {  	v39 =	vld [tilespmem:s23+$0x60];
	v59 =	vbroadcast v58, $0x0;
	v38 =	vadd.s32 v16, v38;
	[tilespmem:v23+s0+$0x0] =	vst.idx.msk $0xffff, v61  }
0x1d1: {  	v60 =	vld [tilespmem:s23+$0x20];
	v32 =	vadd.s32 v14, v57;
	[tilespmem:v25+s0+$0x0] =	vst.idx.msk $0xffff, v24  }
0x1d2: {  	v24 =	vld [tilespmem:s23+$0x40];
	v25 =	vadd.s32 v15, v59;
	[tilespmem:v27+s0+$0x0] =	vst.idx.msk $0xffff, v26  }
0x1d3: {  	[tilespmem:v29+s0+$0x0] =	vst.idx.msk $0xffff, v28  }
0x1d4: {  	p1 =	seq.s32 s17, $0x63;
	[tilespmem:v31+s0+$0x0] =	vst.idx.msk $0xffff, v30  }
0x1d5: {  	s1 =	sshll.u32 @!p1 s17, $0x8;
	[tilespmem:v38+s0+$0x0] =	vst.idx.msk $0xffff, v39  }
0x1d6: {  	s23 =	sand.u32 @!p1 $0x3FFFFF00, s1;
	[tilespmem:v32+s0+$0x0] =	vst.idx.msk $0xffff, v60  }
0x1d7: {  	s2 =	simm.s32 @!p1 $0x80;
	s5 =	simm.s32 @!p1 $0x6400;
	s1 =	sadd.s32 @!p1 $0x100, s23;
	[tilespmem:v25+s0+$0x0] =	vst.idx.msk $0xffff, v24  }
0x1d8: {  	[tilespmem:s5], [sflag:$0x1] =	stream.indirect.gather @!p1 [hbm4b:s4+s2], $0x20, s1, s2, $0xb8;
	[tilespmem:$0xA600] =	vst v63  }
0x1d9: {  	s2 =	sshll.u32 s17, $0xF  }
0x1da: {  	s6 =	rddreg [dreg:$0x1];
	s5 =	sand.u32 $0x100, s18;
	s1 =	sand.u32 $0x3F0000, s2  }
0x1db: {  	s2 =	sor.u32 s28, s5;
	s1 =	sadd.s32 s6, s1  }
0x1dc: {  	s18 =	sadd.s32 s2, s1  }
0x1dd: {  	[hbm4b:s18+s3] =	stream.linear.scatter [tilespmem:s0], [sflag:$0x2], $0x80, $0x38;
	[tilespmem:$0xA600] =	vst v63  }
0x1de: {  	s7 =	simm.s32 $0x8488;
	s1 =	sadd.s32 $0x10, s18  }
0x1df: {  	[hbm4b:s1+s3] =	stream.linear.scatter [tilespmem:s7], [sflag:$0x2], $0x80, $0x38;
	[tilespmem:$0xA600] =	vst v63  }
0x1e0: {  	s5 =	simm.s32 $0x8510;
	s2 =	sadd.s32 $0x20, s18  }
0x1e1: {  	[hbm4b:s2+s3] =	stream.linear.scatter [tilespmem:s5], [sflag:$0x2], $0x80, $0x38;
	[tilespmem:$0xA600] =	vst v63  }
0x1e2: {  	s6 =	sadd.s32 $0x30, s18;
	s7 =	simm.s32 $0x8598  }
0x1e3: {  	[hbm4b:s6+s3] =	stream.linear.scatter [tilespmem:s7], [sflag:$0x2], $0x80, $0x38;
	[tilespmem:$0xA600] =	vst v63  }
0x1e4: {  	s2 =	sadd.s32 $0x40, s18;
	s5 =	simm.s32 $0x8620  }
0x1e5: {  	[hbm4b:s2+s3] =	stream.linear.scatter [tilespmem:s5], [sflag:$0x2], $0x80, $0x38;
	[tilespmem:$0xA600] =	vst v63  }
0x1e6: {  	s6 =	sadd.s32 $0x50, s18;
	s7 =	simm.s32 $0x86A8  }
0x1e7: {  	[hbm4b:s6+s3] =	stream.linear.scatter [tilespmem:s7], [sflag:$0x2], $0x80, $0x38;
	[tilespmem:$0xA600] =	vst v63  }
0x1e8: {  	s2 =	sadd.s32 $0x60, s18;
	s5 =	simm.s32 $0x8730  }
0x1e9: {  	[hbm4b:s2+s3] =	stream.linear.scatter [tilespmem:s5], [sflag:$0x2], $0x80, $0x38;
	[tilespmem:$0xA600] =	vst v63  }
0x1ea: {  	s6 =	sadd.s32 $0x70, s18;
	s7 =	simm.s32 $0x87B8  }
0x1eb: {  	[hbm4b:s6+s3] =	stream.linear.scatter [tilespmem:s7], [sflag:$0x2], $0x80, $0x38;
	[tilespmem:$0xA600] =	vst v63  }
0x1ec: {  	s2 =	sadd.s32 $0x4000, s18;
	s5 =	simm.s32 $0x8840  }
0x1ed: {  	[hbm4b:s2+s3] =	stream.linear.scatter [tilespmem:s5], [sflag:$0x2], $0x80, $0x38;
	[tilespmem:$0xA600] =	vst v63  }
0x1ee: {  	s6 =	sadd.s32 $0x4010, s18;
	s7 =	simm.s32 $0x88C8  }
0x1ef: {  	[hbm4b:s6+s3] =	stream.linear.scatter [tilespmem:s7], [sflag:$0x2], $0x80, $0x38;
	[tilespmem:$0xA600] =	vst v63  }
0x1f0: {  	s2 =	sadd.s32 $0x4020, s18;
	s5 =	simm.s32 $0x8950  }
0x1f1: {  	[hbm4b:s2+s3] =	stream.linear.scatter [tilespmem:s5], [sflag:$0x2], $0x80, $0x38;
	[tilespmem:$0xA600] =	vst v63  }
0x1f2: {  	s6 =	sadd.s32 $0x4030, s18;
	s7 =	simm.s32 $0x89D8  }
0x1f3: {  	[hbm4b:s6+s3] =	stream.linear.scatter [tilespmem:s7], [sflag:$0x2], $0x80, $0x38;
	[tilespmem:$0xA600] =	vst v63  }
0x1f4: {  	s2 =	sadd.s32 $0x4040, s18;
	s5 =	simm.s32 $0x8A60  }
0x1f5: {  	[hbm4b:s2+s3] =	stream.linear.scatter [tilespmem:s5], [sflag:$0x2], $0x80, $0x38;
	[tilespmem:$0xA600] =	vst v63  }
0x1f6: {  	s6 =	sadd.s32 $0x4050, s18;
	s7 =	simm.s32 $0x8AE8  }
0x1f7: {  	[hbm4b:s6+s3] =	stream.linear.scatter [tilespmem:s7], [sflag:$0x2], $0x80, $0x38;
	[tilespmem:$0xA600] =	vst v63  }
0x1f8: {  	s2 =	sadd.s32 $0x4060, s18;
	s5 =	simm.s32 $0x8B70  }
0x1f9: {  	[hbm4b:s2+s3] =	stream.linear.scatter [tilespmem:s5], [sflag:$0x2], $0x80, $0x38;
	[tilespmem:$0xA600] =	vst v63  }
0x1fa: {  	s6 =	sadd.s32 $0x4070, s18;
	s7 =	simm.s32 $0x8BF8  }
0x1fb: {  	[hbm4b:s6+s3] =	stream.linear.scatter [tilespmem:s7], [sflag:$0x2], $0x80, $0x38;
	[tilespmem:$0xA600] =	vst v63  }
0x1fc: {  	s2 =	sadd.s32 $0x8000, s18;
	s5 =	simm.s32 $0x8C80  }
0x1fd: {  	[hbm4b:s2+s3] =	stream.linear.scatter [tilespmem:s5], [sflag:$0x2], $0x80, $0x38;
	[tilespmem:$0xA600] =	vst v63  }
0x1fe: {  	s6 =	sadd.s32 $0x8010, s18;
	s7 =	simm.s32 $0x8D08  }
0x1ff: {  	[hbm4b:s6+s3] =	stream.linear.scatter [tilespmem:s7], [sflag:$0x2], $0x80, $0x38;
	[tilespmem:$0xA600] =	vst v63  }
0x200: {  	s2 =	sadd.s32 $0x8020, s18;
	s5 =	simm.s32 $0x8D90  }
0x201: {  	[hbm4b:s2+s3] =	stream.linear.scatter [tilespmem:s5], [sflag:$0x2], $0x80, $0x38;
	[tilespmem:$0xA600] =	vst v63  }
0x202: {  	s6 =	sadd.s32 $0x8030, s18;
	s7 =	simm.s32 $0x8E18  }
0x203: {  	[hbm4b:s6+s3] =	stream.linear.scatter [tilespmem:s7], [sflag:$0x2], $0x80, $0x38;
	[tilespmem:$0xA600] =	vst v63  }
0x204: {  	s2 =	sadd.s32 $0x8040, s18;
	s5 =	simm.s32 $0x8EA0  }
0x205: {  	[hbm4b:s2+s3] =	stream.linear.scatter [tilespmem:s5], [sflag:$0x2], $0x80, $0x38;
	[tilespmem:$0xA600] =	vst v63  }
0x206: {  	s6 =	sadd.s32 $0x8050, s18;
	s7 =	simm.s32 $0x8F28  }
0x207: {  	[hbm4b:s6+s3] =	stream.linear.scatter [tilespmem:s7], [sflag:$0x2], $0x80, $0x38;
	[tilespmem:$0xA600] =	vst v63  }
0x208: {  	s2 =	sadd.s32 $0x8060, s18;
	s5 =	simm.s32 $0x8FB0  }
0x209: {  	[hbm4b:s2+s3] =	stream.linear.scatter [tilespmem:s5], [sflag:$0x2], $0x80, $0x38;
	[tilespmem:$0xA600] =	vst v63  }
0x20a: {  	s6 =	sadd.s32 $0x8070, s18;
	s7 =	simm.s32 $0x9038  }
0x20b: {  	[hbm4b:s6+s3] =	stream.linear.scatter [tilespmem:s7], [sflag:$0x2], $0x80, $0x38;
	[tilespmem:$0xA600] =	vst v63  }
0x20c: {  	s2 =	sadd.s32 $0xC000, s18;
	s5 =	simm.s32 $0x90C0  }
0x20d: {  	[hbm4b:s2+s3] =	stream.linear.scatter [tilespmem:s5], [sflag:$0x2], $0x80, $0x38;
	[tilespmem:$0xA600] =	vst v63  }
0x20e: {  	s6 =	sadd.s32 $0xC010, s18;
	s7 =	simm.s32 $0x9148  }
0x20f: {  	[hbm4b:s6+s3] =	stream.linear.scatter [tilespmem:s7], [sflag:$0x2], $0x80, $0x38;
	[tilespmem:$0xA600] =	vst v63  }
0x210: {  	s2 =	sadd.s32 $0xC020, s18;
	s5 =	simm.s32 $0x91D0  }
0x211: {  	[hbm4b:s2+s3] =	stream.linear.scatter [tilespmem:s5], [sflag:$0x2], $0x80, $0x38;
	[tilespmem:$0xA600] =	vst v63  }
0x212: {  	s6 =	sadd.s32 $0xC030, s18;
	s7 =	simm.s32 $0x9258  }
0x213: {  	[hbm4b:s6+s3] =	stream.linear.scatter [tilespmem:s7], [sflag:$0x2], $0x80, $0x38;
	[tilespmem:$0xA600] =	vst v63  }
0x214: {  	s2 =	sadd.s32 $0xC040, s18;
	s5 =	simm.s32 $0x92E0  }
0x215: {  	[hbm4b:s2+s3] =	stream.linear.scatter [tilespmem:s5], [sflag:$0x2], $0x80, $0x38;
	[tilespmem:$0xA600] =	vst v63  }
0x216: {  	s6 =	sadd.s32 $0xC050, s18;
	s7 =	simm.s32 $0x9368  }
0x217: {  	[hbm4b:s6+s3] =	stream.linear.scatter [tilespmem:s7], [sflag:$0x2], $0x80, $0x38;
	[tilespmem:$0xA600] =	vst v63  }
0x218: {  	s2 =	sadd.s32 $0xC060, s18;
	s5 =	simm.s32 $0x93F0  }
0x219: {  	[hbm4b:s2+s3] =	stream.linear.scatter [tilespmem:s5], [sflag:$0x2], $0x80, $0x38;
	[tilespmem:$0xA600] =	vst v63  }
0x21a: {  	s6 =	sadd.s32 $0xC070, s18;
	s7 =	simm.s32 $0x9478  }
0x21b: {  	[hbm4b:s6+s3] =	stream.linear.scatter [tilespmem:s7], [sflag:$0x2], $0x80, $0x38;
	[tilespmem:$0xA600] =	vst v63  }
0x21c: {  	_ =	swait.ge [sflag:s30], $0x1000  }
0x21d: {  	v19 =	vshrl.u32 v19, $0x3;
	v21 =	vshrl.u32 v21, $0x3;
	v24 =	vmov s29;
	[sflag:s30] =	ssyncset.done $0x0  }
0x21e: {  	v22 =	vshrl.u32 v22, $0x3;
	v20 =	vshrl.u32 v20, $0x3;
	v24 =	vshrl.u32 v24, $0x3;
	s1 =	simm.s32 @!p0 $0x2;
	[sflag:s30] =	ssyncadd.s32 $0xFFFFF000  }
0x21f: {  	v19 =	vshll.u32 v19, v1;
	v21 =	vshll.u32 v21, v1;
	v24 =	vshll.u32 v24, v1;
	_ =	swait.ge @!p0 [sflag:s1], $0x1000  }
0x220: {  	v22 =	vshll.u32 v22, v1;
	v19 =	vbroadcast v19, $0x0;
	v24 =	vbroadcast v24, $0x0;
	[sflag:s1] =	ssyncset.done @!p0 $0x0  }
0x221: {  	s31 =	simm.s32 $0x7480;
	v20 =	vshll.u32 v20, v1;
	v21 =	vbroadcast v21, $0x0;
	v22 =	vbroadcast v22, $0x0;
	[sflag:s1] =	ssyncadd.s32 @!p0 $0xFFFFF000  }
0x222: {  	v20 =	vbroadcast v20, $0x0;
	v23 =	vmov s26;
	v24 =	vadd.s32 v8, v24;
	v26 =	vld [tilespmem:s31+$0x60]  }
0x223: {  	v19 =	vadd.s32 v2, v19;
	v23 =	vshrl.u32 v23, $0x3;
	v25 =	vmov s25;
	v27 =	vld [tilespmem:s31+$0xFFFFFFA0]  }
0x224: {  	v30 =	vadd.s32 v3, v21;
	v21 =	vshll.u32 v23, v1;
	v25 =	vshrl.u32 v25, $0x3;
	v29 =	vld [tilespmem:s31+$0xFFFFFFC0]  }
0x225: {  	v63 =	vadd.s32 v4, v22;
	v21 =	vbroadcast v21, $0x0;
	v23 =	vshll.u32 v25, v1;
	v62 =	vld [tilespmem:s31+$0xFFFFFFE0]  }
0x226: {  	v18 =	vshll.u32 v18, v1;
	v25 =	vadd.s32 v5, v20;
	v28 =	vbroadcast v23, $0x0;
	v22 =	vld [tilespmem:s31+$0x0]  }
0x227: {  	v31 =	vbroadcast v18, $0x0;
	v21 =	vadd.s32 v6, v21;
	v20 =	vld [tilespmem:s31+$0x20];
	[tilespmem:v24+s9+$0x0] =	vst.idx.msk $0xffff, v26  }
0x228: {  	s26 =	simm.s32 $0xB;
	v18 =	vmov s24;
	s25 =	simm.s32 $0x9;
	v23 =	vld [tilespmem:s31+$0x40];
	[tilespmem:v19+s9+$0x0] =	vst.idx.msk $0xffff, v27;
	v24 =	vadd.s32 v7, v28  }
0x229: {  	s24 =	simm.s32 $0xA;
	s29 =	simm.s32 $0xC;
	s5 =	simm.s32 $0xE;
	v19 =	vshrl.u32 v18, $0x3;
	v28 =	vmov s25;
	v26 =	vld [tilespmem:s31+$0xFFFFFF80];
	v27 =	vadd.s32 v0, v31;
	[tilespmem:v30+s9+$0x0] =	vst.idx.msk $0xffff, v29  }
0x22a: {  	s2 =	simm.s32 $0x10;
	s6 =	simm.s32 $0xF;
	s1 =	simm.s32 $0xD;
	v31 =	vmov s24;
	v29 =	vmov s26;
	v30 =	vmov s29;
	[tilespmem:v63+s9+$0x0] =	vst.idx.msk $0xffff, v62  }
.LBB2_11:
0x22b: {  	p0 =	slt.u32 s2, $0x78;
	v32 =	vmov s1;
	v33 =	vmov s5;
	v34 =	vmov s6;
	[tilespmem:v25+s9+$0x0] =	vst.idx.msk $0xffff, v22  }
0x22c: {  	v22 =	vshrl.u32 v28, $0x3;
	v25 =	vshrl.u32 v31, $0x3;
	v28 =	vshrl.u32 v34, $0x3;
	[tilespmem:v21+s9+$0x0] =	vst.idx.msk $0xffff, v20  }
0x22d: {  	v20 =	vshrl.u32 v29, $0x3;
	v21 =	vshrl.u32 v30, $0x3;
	v28 =	vshll.u32 v28, v1;
	[tilespmem:v24+s9+$0x0] =	vst.idx.msk $0xffff, v23  }
0x22e: {  	v22 =	vshll.u32 v22, v1;
	v23 =	vshrl.u32 v32, $0x3;
	v24 =	vbroadcast v28, $0x0;
	[tilespmem:v27+s9+$0x0] =	vst.idx.msk $0xffff, v26  }
0x22f: {  	s31 =	sadd.s32 $0x100, s31;
	v25 =	vshll.u32 v25, v1;
	v22 =	vbroadcast v22, $0x0;
	v26 =	vshrl.u32 v33, $0x3  }
0x230: {  	v25 =	vbroadcast v25, $0x0;
	v20 =	vshll.u32 v20, v1;
	v27 =	vld [tilespmem:s31+$0x60];
	v24 =	vadd.s32 v8, v24  }
0x231: {  	v21 =	vshll.u32 v21, v1;
	v20 =	vbroadcast v20, $0x0;
	v29 =	vadd.s32 v2, v22;
	v28 =	vld [tilespmem:s31+$0xFFFFFFA0]  }
0x232: {  	v21 =	vbroadcast v21, $0x0;
	v31 =	vadd.s32 v3, v25;
	v22 =	vshll.u32 v23, v1;
	v30 =	vld [tilespmem:s31+$0xFFFFFFC0]  }
0x233: {  	v33 =	vadd.s32 v4, v20;
	v23 =	vbroadcast v22, $0x0;
	v20 =	vshll.u32 v26, v1;
	v32 =	vld [tilespmem:s31+$0xFFFFFFE0]  }
.Ltmp7:
0x234: {  	v19 =	vshll.u32 v19, v1;
	v25 =	vadd.s32 v5, v21;
	v26 =	vbroadcast v20, $0x0;
	v22 =	vld [tilespmem:s31+$0x0];
	(pc) =	sbr.rel @p0 .LBB2_11-.Ltmp7, $4  }
0x235: {  	v34 =	vbroadcast v19, $0x0;
	v21 =	vadd.s32 v6, v23;
	v20 =	vld [tilespmem:s31+$0x20];
	[tilespmem:v24+s9+$0x0] =	vst.idx.msk $0xffff, v27  }
0x236: {  	s1 =	sadd.s32 $0x1, s2;
	s5 =	sadd.s32 $0x2, s2;
	v19 =	vmov s2;
	v24 =	vadd.s32 v7, v26;
	[tilespmem:v29+s9+$0x0] =	vst.idx.msk $0xffff, v28;
	v23 =	vld [tilespmem:s31+$0x40]  }
0x237: {  	s6 =	sadd.s32 $0x3, s2;
	s7 =	sadd.s32 $0x4, s2;
	v19 =	vshrl.u32 v19, $0x3;
	v27 =	vadd.s32 v0, v34;
	v28 =	vmov s1;
	s1 =	sadd.s32 $0x5, s2;
	v26 =	vld [tilespmem:s31+$0xFFFFFF80];
	[tilespmem:v31+s9+$0x0] =	vst.idx.msk $0xffff, v30  }
0x238: {  	v29 =	vmov s6;
	s6 =	sadd.s32 $0x7, s2;
	v31 =	vmov s5;
	v30 =	vmov s7;
	s5 =	sadd.s32 $0x6, s2;
	s2 =	sadd.s32 $0x8, s2;
	[tilespmem:v33+s9+$0x0] =	vst.idx.msk $0xffff, v32  }
0x239: {  	v32 =	vmov s1  }
0x23a: {  	v34 =	vmov s6;
	v28 =	vshrl.u32 v28, $0x3;
	v31 =	vshrl.u32 v31, $0x3  }
0x23b: {  	v29 =	vshrl.u32 v29, $0x3;
	v30 =	vshrl.u32 v30, $0x3;
	v28 =	vshll.u32 v28, v1  }
0x23c: {  	v34 =	vshrl.u32 v34, $0x3;
	v31 =	vshll.u32 v31, v1;
	v28 =	vbroadcast v28, $0x0  }
0x23d: {  	s7 =	sadd.s32 $0x100, s31;
	v32 =	vshrl.u32 v32, $0x3;
	v29 =	vshll.u32 v29, v1;
	v31 =	vbroadcast v31, $0x0  }
0x23e: {  	v58 =	vld [tilespmem:s7+$0xFFFFFFA0];
	v34 =	vshll.u32 v34, v1;
	v29 =	vbroadcast v29, $0x0;
	v28 =	vadd.s32 v2, v28  }
0x23f: {  	[tilespmem:v25+s9+$0x0] =	vst.idx.msk $0xffff, v22;
	v30 =	vshll.u32 v30, v1;
	v59 =	vld [tilespmem:s7+$0xFFFFFFC0];
	v34 =	vbroadcast v34, $0x0;
	v31 =	vadd.s32 v3, v31  }
0x240: {  	[tilespmem:v21+s9+$0x0] =	vst.idx.msk $0xffff, v20;
	v20 =	vbroadcast v30, $0x0;
	v21 =	vshll.u32 v32, v1;
	v30 =	vld [tilespmem:s7+$0xFFFFFFE0];
	v29 =	vadd.s32 v4, v29  }
0x241: {  	v33 =	vmov s5;
	v35 =	vld [tilespmem:s7+$0x60];
	[tilespmem:v24+s9+$0x0] =	vst.idx.msk $0xffff, v23;
	v21 =	vbroadcast v21, $0x0;
	v25 =	vadd.s32 v8, v34  }
0x242: {  	v19 =	vshll.u32 v19, v1;
	v22 =	vshrl.u32 v33, $0x3;
	v23 =	vld [tilespmem:s7+$0x0];
	[tilespmem:v27+s9+$0x0] =	vst.idx.msk $0xffff, v26;
	v20 =	vadd.s32 v5, v20  }
0x243: {  	v19 =	vbroadcast v19, $0x0;
	v22 =	vshll.u32 v22, v1;
	v24 =	vld [tilespmem:s7+$0x20];
	v21 =	vadd.s32 v6, v21;
	[tilespmem:v28+s9+$0x0] =	vst.idx.msk $0xffff, v58  }
0x244: {  	v17 =	vshrl.u32 v17, $0x3;
	s2 =	simm.s32 $0x7;
	v22 =	vbroadcast v22, $0x0;
	[tilespmem:v31+s9+$0x0] =	vst.idx.msk $0xffff, v59  }
0x245: {  	v60 =	vmov s2;
	v26 =	vld [tilespmem:s7+$0xFFFFFF80];
	v19 =	vadd.s32 v0, v19;
	v27 =	vmov s20;
	[tilespmem:v29+s9+$0x0] =	vst.idx.msk $0xffff, v30  }
0x246: {  	s31 =	simm.s32 $0x6;
	s20 =	simm.s32 $0x5;
	v22 =	vadd.s32 v7, v22;
	v28 =	vmov s21;
	v31 =	vmov s22;
	[tilespmem:v25+s9+$0x0] =	vst.idx.msk $0xffff, v35;
	v25 =	vld [tilespmem:s7+$0x40]  }
0x247: {  	v29 =	vmov s19;
	v30 =	vmov s20;
	[tilespmem:v20+s9+$0x0] =	vst.idx.msk $0xffff, v23;
	v20 =	vmov s31  }
0x248: {  	v23 =	vshrl.u32 v27, $0x3;
	v27 =	vshrl.u32 v60, $0x3;
	[tilespmem:v21+s9+$0x0] =	vst.idx.msk $0xffff, v24;
	v21 =	vshrl.u32 v28, $0x3  }
0x249: {  	v24 =	vshrl.u32 v31, $0x3;
	v27 =	vshll.u32 v27, v1;
	v23 =	vshll.u32 v23, v1  }
0x24a: {  	[tilespmem:v19+s9+$0x0] =	vst.idx.msk $0xffff, v26;
	v19 =	vshrl.u32 v30, $0x3;
	v23 =	vbroadcast v23, $0x0;
	v21 =	vshll.u32 v21, v1  }
0x24b: {  	s19 =	simm.s32 $0x7490;
	v20 =	vshrl.u32 v20, $0x3;
	v24 =	vshll.u32 v24, v1;
	v21 =	vbroadcast v21, $0x0;
	[tilespmem:v22+s9+$0x0] =	vst.idx.msk $0xffff, v25  }
0x24c: {  	v28 =	vadd.s32 v10, v23;
	v22 =	vshrl.u32 v29, $0x3;
	v25 =	vbroadcast v27, $0x0;
	v27 =	vld [tilespmem:s19+$0xFFFFFFA0]  }
0x24d: {  	v23 =	vbroadcast v24, $0x0;
	v30 =	vadd.s32 v11, v21;
	v22 =	vshll.u32 v22, v1;
	v29 =	vld [tilespmem:s19+$0xFFFFFFC0]  }
0x24e: {  	v19 =	vshll.u32 v19, v1;
	v26 =	vld [tilespmem:s19+$0x60];
	v25 =	vadd.s32 v16, v25;
	v21 =	vbroadcast v22, $0x0  }
0x24f: {  	v24 =	vbroadcast v19, $0x0;
	v61 =	vadd.s32 v12, v23;
	v31 =	vld [tilespmem:s19+$0xFFFFFFE0];
	v22 =	vshll.u32 v20, v1  }
0x250: {  	v17 =	vshll.u32 v17, v1;
	v20 =	vld [tilespmem:s19+$0x0];
	v62 =	vbroadcast v22, $0x0;
	v23 =	vadd.s32 v13, v21  }
0x251: {  	v63 =	vbroadcast v17, $0x0;
	v19 =	vld [tilespmem:s19+$0x20];
	v22 =	vadd.s32 v14, v24;
	[tilespmem:v28+s9+$0x0] =	vst.idx.msk $0xffff, v27  }
0x252: {  	v21 =	vld [tilespmem:s19+$0x40];
	v24 =	vadd.s32 v15, v62;
	[tilespmem:v30+s9+$0x0] =	vst.idx.msk $0xffff, v29  }
0x253: {  	s1 =	simm.s32 $0xD;
	v17 =	vshrl.u32 v18, $0x3;
	v18 =	vld [tilespmem:s19+$0xFFFFFF80];
	v29 =	vmov s24;
	[tilespmem:v25+s9+$0x0] =	vst.idx.msk $0xffff, v26;
	v25 =	vadd.s32 v9, v63  }
0x254: {  	s5 =	simm.s32 $0xE;
	s6 =	simm.s32 $0xF;
	s2 =	simm.s32 $0x10;
	v27 =	vmov s26;
	v28 =	vmov s29;
	[tilespmem:v61+s9+$0x0] =	vst.idx.msk $0xffff, v31;
	v26 =	vmov s25  }
.LBB2_13:
0x255: {  	p0 =	slt.u32 s2, $0x78;
	v30 =	vmov s1;
	v31 =	vmov s5;
	v32 =	vmov s6;
	[tilespmem:v23+s9+$0x0] =	vst.idx.msk $0xffff, v20  }
0x256: {  	v20 =	vshrl.u32 v26, $0x3;
	v23 =	vshrl.u32 v29, $0x3;
	v26 =	vshrl.u32 v32, $0x3;
	[tilespmem:v22+s9+$0x0] =	vst.idx.msk $0xffff, v19  }
0x257: {  	v19 =	vshrl.u32 v27, $0x3;
	v22 =	vshrl.u32 v28, $0x3;
	v26 =	vshll.u32 v26, v1;
	[tilespmem:v24+s9+$0x0] =	vst.idx.msk $0xffff, v21  }
0x258: {  	v20 =	vshll.u32 v20, v1;
	v21 =	vshrl.u32 v30, $0x3;
	v24 =	vbroadcast v26, $0x0;
	[tilespmem:v25+s9+$0x0] =	vst.idx.msk $0xffff, v18  }
0x259: {  	s19 =	sadd.s32 $0x100, s19;
	v18 =	vbroadcast v20, $0x0;
	v20 =	vshll.u32 v23, v1;
	v23 =	vshrl.u32 v31, $0x3  }
0x25a: {  	v19 =	vshll.u32 v19, v1;
	v20 =	vbroadcast v20, $0x0;
	v25 =	vld [tilespmem:s19+$0x60];
	v24 =	vadd.s32 v16, v24  }
0x25b: {  	v22 =	vshll.u32 v22, v1;
	v19 =	vbroadcast v19, $0x0;
	v18 =	vadd.s32 v10, v18;
	v26 =	vld [tilespmem:s19+$0xFFFFFFA0]  }
0x25c: {  	v22 =	vbroadcast v22, $0x0;
	v28 =	vadd.s32 v11, v20;
	v20 =	vshll.u32 v21, v1;
	v27 =	vld [tilespmem:s19+$0xFFFFFFC0]  }
0x25d: {  	v31 =	vadd.s32 v12, v19;
	v19 =	vshll.u32 v23, v1;
	v21 =	vbroadcast v20, $0x0;
	v30 =	vld [tilespmem:s19+$0xFFFFFFE0]  }
.Ltmp8:
0x25e: {  	v17 =	vshll.u32 v17, v1;
	v23 =	vadd.s32 v13, v22;
	v29 =	vbroadcast v19, $0x0;
	v20 =	vld [tilespmem:s19+$0x0];
	(pc) =	sbr.rel @p0 .LBB2_13-.Ltmp8, $4  }
0x25f: {  	v32 =	vbroadcast v17, $0x0;
	v22 =	vadd.s32 v14, v21;
	v19 =	vld [tilespmem:s19+$0x20];
	[tilespmem:v24+s9+$0x0] =	vst.idx.msk $0xffff, v25  }
0x260: {  	s1 =	sadd.s32 $0x1, s2;
	s5 =	sadd.s32 $0x2, s2;
	v17 =	vmov s2;
	v24 =	vadd.s32 v15, v29;
	[tilespmem:v18+s9+$0x0] =	vst.idx.msk $0xffff, v26;
	v21 =	vld [tilespmem:s19+$0x40]  }
0x261: {  	s6 =	sadd.s32 $0x3, s2;
	s7 =	sadd.s32 $0x4, s2;
	v17 =	vshrl.u32 v17, $0x3;
	v25 =	vadd.s32 v9, v32;
	v26 =	vmov s1;
	s1 =	sadd.s32 $0x5, s2;
	v18 =	vld [tilespmem:s19+$0xFFFFFF80];
	[tilespmem:v28+s9+$0x0] =	vst.idx.msk $0xffff, v27  }
0x262: {  	v29 =	vmov s5;
	s5 =	sadd.s32 $0x6, s2;
	v27 =	vmov s6;
	v28 =	vmov s7;
	s6 =	sadd.s32 $0x7, s2;
	s2 =	sadd.s32 $0x8, s2;
	[tilespmem:v31+s9+$0x0] =	vst.idx.msk $0xffff, v30  }
0x263: {  	v30 =	vmov s1;
	v31 =	vmov s5;
	v32 =	vmov s6  }
0x264: {  	v26 =	vshrl.u32 v26, $0x3;
	v29 =	vshrl.u32 v29, $0x3;
	v27 =	vshrl.u32 v27, $0x3  }
0x265: {  	v28 =	vshrl.u32 v28, $0x3;
	v17 =	vshll.u32 v17, v1;
	v32 =	vshrl.u32 v32, $0x3  }
0x266: {  	v26 =	vshll.u32 v26, v1;
	v30 =	vshrl.u32 v30, $0x3;
	v17 =	vbroadcast v17, $0x0  }
0x267: {  	s6 =	sadd.s32 $0x100, s19;
	v29 =	vshll.u32 v29, v1;
	v31 =	vshrl.u32 v31, $0x3;
	v26 =	vbroadcast v26, $0x0  }
0x268: {  	v27 =	vshll.u32 v27, v1;
	v63 =	vld [tilespmem:s6+$0xFFFFFF80];
	v29 =	vbroadcast v29, $0x0;
	v17 =	vadd.s32 v9, v17  }
0x269: {  	[tilespmem:v23+s9+$0x0] =	vst.idx.msk $0xffff, v20;
	v48 =	vld [tilespmem:s6+$0xFFFFFFA0];
	v51 =	vshll.u32 v28, v1;
	v50 =	vbroadcast v27, $0x0;
	v49 =	vadd.s32 v10, v26  }
0x26a: {  	[tilespmem:v22+s9+$0x0] =	vst.idx.msk $0xffff, v19;
	v19 =	vld [tilespmem:s6+$0xFFFFFFC0];
	v32 =	vshll.u32 v32, v1;
	v27 =	vbroadcast v51, $0x0;
	v52 =	vadd.s32 v11, v29  }
0x26b: {  	v54 =	vld [tilespmem:s6+$0xFFFFFFE0];
	v53 =	vshll.u32 v30, v1;
	[tilespmem:v24+s9+$0x0] =	vst.idx.msk $0xffff, v21;
	v32 =	vbroadcast v32, $0x0;
	v55 =	vadd.s32 v12, v50  }
0x26c: {  	v57 =	vshll.u32 v31, v1;
	v56 =	vbroadcast v53, $0x0;
	[tilespmem:v25+s9+$0x0] =	vst.idx.msk $0xffff, v18;
	v18 =	vld [tilespmem:s6+$0x0];
	v58 =	vadd.s32 v13, v27  }
0x26d: {  	v33 =	vld [tilespmem:s6+$0x60];
	v59 =	vbroadcast v57, $0x0;
	v32 =	vadd.s32 v16, v32;
	[tilespmem:v17+s9+$0x0] =	vst.idx.msk $0xffff, v63  }
0x26e: {  	v60 =	vld [tilespmem:s6+$0x20];
	v26 =	vadd.s32 v14, v56;
	[tilespmem:v49+s9+$0x0] =	vst.idx.msk $0xffff, v48  }
0x26f: {  	v61 =	vld [tilespmem:s6+$0x40];
	v62 =	vadd.s32 v15, v59;
	[tilespmem:v52+s9+$0x0] =	vst.idx.msk $0xffff, v19  }
0x270: {  	[tilespmem:v55+s9+$0x0] =	vst.idx.msk $0xffff, v54  }
0x271: {  	[tilespmem:v58+s9+$0x0] =	vst.idx.msk $0xffff, v18  }
0x272: {  	[tilespmem:v32+s9+$0x0] =	vst.idx.msk $0xffff, v33  }
0x273: {  	[tilespmem:v26+s9+$0x0] =	vst.idx.msk $0xffff, v60  }
0x274: {  	s1 =	sadd.s32 @!p1 $0x180, s23;
	s2 =	simm.s32 @!p1 $0x80;
	s5 =	simm.s32 @!p1 $0x7400;
	[tilespmem:v62+s9+$0x0] =	vst.idx.msk $0xffff, v61  }
0x275: {  	[tilespmem:s5], [sflag:$0x1] =	stream.indirect.gather @!p1 [hbm4b:s4+s2], $0x20, s1, s2, $0xb8;
	[tilespmem:$0xA600] =	vst v63  }
0x276: {  	s7 =	sadd.s32 $0x80, s18  }
0x277: {  	[hbm4b:s7+s3] =	stream.linear.scatter [tilespmem:s9], [sflag:$0x2], $0x80, $0x38;
	[tilespmem:$0xA600] =	vst v63  }
0x278: {  	s19 =	sadd.s32 $0x90, s18;
	s20 =	simm.s32 $0x9588  }
0x279: {  	[hbm4b:s19+s3] =	stream.linear.scatter [tilespmem:s20], [sflag:$0x2], $0x80, $0x38;
	[tilespmem:$0xA600] =	vst v63  }
0x27a: {  	s23 =	sadd.s32 $0xA0, s18;
	s24 =	simm.s32 $0x9610  }
0x27b: {  	[hbm4b:s23+s3] =	stream.linear.scatter [tilespmem:s24], [sflag:$0x2], $0x80, $0x38;
	[tilespmem:$0xA600] =	vst v63  }
0x27c: {  	s25 =	sadd.s32 $0xB0, s18;
	s26 =	simm.s32 $0x9698  }
0x27d: {  	[hbm4b:s25+s3] =	stream.linear.scatter [tilespmem:s26], [sflag:$0x2], $0x80, $0x38;
	[tilespmem:$0xA600] =	vst v63  }
0x27e: {  	s29 =	sadd.s32 $0xC0, s18;
	s31 =	simm.s32 $0x9720  }
0x27f: {  	[hbm4b:s29+s3] =	stream.linear.scatter [tilespmem:s31], [sflag:$0x2], $0x80, $0x38;
	[tilespmem:$0xA600] =	vst v63  }
0x280: {  	s2 =	sadd.s32 $0xD0, s18;
	s5 =	simm.s32 $0x97A8  }
0x281: {  	[hbm4b:s2+s3] =	stream.linear.scatter [tilespmem:s5], [sflag:$0x2], $0x80, $0x38;
	[tilespmem:$0xA600] =	vst v63  }
0x282: {  	s6 =	sadd.s32 $0xE0, s18;
	s7 =	simm.s32 $0x9830  }
0x283: {  	[hbm4b:s6+s3] =	stream.linear.scatter [tilespmem:s7], [sflag:$0x2], $0x80, $0x38;
	[tilespmem:$0xA600] =	vst v63  }
0x284: {  	s19 =	sadd.s32 $0xF0, s18;
	s20 =	simm.s32 $0x98B8  }
0x285: {  	[hbm4b:s19+s3] =	stream.linear.scatter [tilespmem:s20], [sflag:$0x2], $0x80, $0x38;
	[tilespmem:$0xA600] =	vst v63  }
0x286: {  	s23 =	sadd.s32 $0x4080, s18;
	s24 =	simm.s32 $0x9940  }
0x287: {  	[hbm4b:s23+s3] =	stream.linear.scatter [tilespmem:s24], [sflag:$0x2], $0x80, $0x38;
	[tilespmem:$0xA600] =	vst v63  }
0x288: {  	s25 =	sadd.s32 $0x4090, s18;
	s26 =	simm.s32 $0x99C8  }
0x289: {  	[hbm4b:s25+s3] =	stream.linear.scatter [tilespmem:s26], [sflag:$0x2], $0x80, $0x38;
	[tilespmem:$0xA600] =	vst v63  }
0x28a: {  	s29 =	sadd.s32 $0x40A0, s18;
	s31 =	simm.s32 $0x9A50  }
0x28b: {  	[hbm4b:s29+s3] =	stream.linear.scatter [tilespmem:s31], [sflag:$0x2], $0x80, $0x38;
	[tilespmem:$0xA600] =	vst v63  }
0x28c: {  	s2 =	sadd.s32 $0x40B0, s18;
	s5 =	simm.s32 $0x9AD8  }
0x28d: {  	[hbm4b:s2+s3] =	stream.linear.scatter [tilespmem:s5], [sflag:$0x2], $0x80, $0x38;
	[tilespmem:$0xA600] =	vst v63  }
0x28e: {  	s6 =	sadd.s32 $0x40C0, s18;
	s7 =	simm.s32 $0x9B60  }
0x28f: {  	[hbm4b:s6+s3] =	stream.linear.scatter [tilespmem:s7], [sflag:$0x2], $0x80, $0x38;
	[tilespmem:$0xA600] =	vst v63  }
0x290: {  	s19 =	sadd.s32 $0x40D0, s18;
	s20 =	simm.s32 $0x9BE8  }
0x291: {  	[hbm4b:s19+s3] =	stream.linear.scatter [tilespmem:s20], [sflag:$0x2], $0x80, $0x38;
	[tilespmem:$0xA600] =	vst v63  }
0x292: {  	s23 =	sadd.s32 $0x40E0, s18;
	s24 =	simm.s32 $0x9C70  }
0x293: {  	[hbm4b:s23+s3] =	stream.linear.scatter [tilespmem:s24], [sflag:$0x2], $0x80, $0x38;
	[tilespmem:$0xA600] =	vst v63  }
0x294: {  	s25 =	sadd.s32 $0x40F0, s18;
	s26 =	simm.s32 $0x9CF8  }
0x295: {  	[hbm4b:s25+s3] =	stream.linear.scatter [tilespmem:s26], [sflag:$0x2], $0x80, $0x38;
	[tilespmem:$0xA600] =	vst v63  }
0x296: {  	s29 =	sadd.s32 $0x8080, s18;
	s31 =	simm.s32 $0x9D80  }
0x297: {  	[hbm4b:s29+s3] =	stream.linear.scatter [tilespmem:s31], [sflag:$0x2], $0x80, $0x38;
	[tilespmem:$0xA600] =	vst v63  }
0x298: {  	s2 =	sadd.s32 $0x8090, s18;
	s5 =	simm.s32 $0x9E08  }
0x299: {  	[hbm4b:s2+s3] =	stream.linear.scatter [tilespmem:s5], [sflag:$0x2], $0x80, $0x38;
	[tilespmem:$0xA600] =	vst v63  }
0x29a: {  	s6 =	sadd.s32 $0x80A0, s18;
	s7 =	simm.s32 $0x9E90  }
0x29b: {  	[hbm4b:s6+s3] =	stream.linear.scatter [tilespmem:s7], [sflag:$0x2], $0x80, $0x38;
	[tilespmem:$0xA600] =	vst v63  }
0x29c: {  	s19 =	sadd.s32 $0x80B0, s18;
	s20 =	simm.s32 $0x9F18  }
0x29d: {  	[hbm4b:s19+s3] =	stream.linear.scatter [tilespmem:s20], [sflag:$0x2], $0x80, $0x38;
	[tilespmem:$0xA600] =	vst v63  }
0x29e: {  	s23 =	sadd.s32 $0x80C0, s18;
	s24 =	simm.s32 $0x9FA0  }
0x29f: {  	[hbm4b:s23+s3] =	stream.linear.scatter [tilespmem:s24], [sflag:$0x2], $0x80, $0x38;
	[tilespmem:$0xA600] =	vst v63  }
0x2a0: {  	s25 =	sadd.s32 $0x80D0, s18;
	s26 =	simm.s32 $0xA028  }
0x2a1: {  	[hbm4b:s25+s3] =	stream.linear.scatter [tilespmem:s26], [sflag:$0x2], $0x80, $0x38;
	[tilespmem:$0xA600] =	vst v63  }
0x2a2: {  	s29 =	sadd.s32 $0x80E0, s18;
	s31 =	simm.s32 $0xA0B0  }
0x2a3: {  	[hbm4b:s29+s3] =	stream.linear.scatter [tilespmem:s31], [sflag:$0x2], $0x80, $0x38;
	[tilespmem:$0xA600] =	vst v63  }
0x2a4: {  	s5 =	sadd.s32 $0x80F0, s18;
	s6 =	simm.s32 $0xA138  }
0x2a5: {  	[hbm4b:s5+s3] =	stream.linear.scatter [tilespmem:s6], [sflag:$0x2], $0x80, $0x38;
	[tilespmem:$0xA600] =	vst v63  }
0x2a6: {  	s7 =	sadd.s32 $0xC080, s18;
	s19 =	simm.s32 $0xA1C0  }
0x2a7: {  	[hbm4b:s7+s3] =	stream.linear.scatter [tilespmem:s19], [sflag:$0x2], $0x80, $0x38;
	[tilespmem:$0xA600] =	vst v63  }
0x2a8: {  	s20 =	sadd.s32 $0xC090, s18  }
0x2a9: {  	[hbm4b:s20+s3] =	stream.linear.scatter [tilespmem:s8], [sflag:$0x2], $0x80, $0x38;
	[tilespmem:$0xA600] =	vst v63  }
0x2aa: {  	s23 =	sadd.s32 $0xC0A0, s18  }
0x2ab: {  	[hbm4b:s23+s3] =	stream.linear.scatter [tilespmem:s10], [sflag:$0x2], $0x80, $0x38;
	[tilespmem:$0xA600] =	vst v63  }
0x2ac: {  	s24 =	sadd.s32 $0xC0B0, s18  }
0x2ad: {  	[hbm4b:s24+s3] =	stream.linear.scatter [tilespmem:s11], [sflag:$0x2], $0x80, $0x38;
	[tilespmem:$0xA600] =	vst v63  }
0x2ae: {  	s17 =	sadd.s32 $0x1, s17;
	s25 =	sadd.s32 $0xC0C0, s18  }
0x2af: {  	[hbm4b:s25+s3] =	stream.linear.scatter [tilespmem:s12], [sflag:$0x2], $0x80, $0x38;
	[tilespmem:$0xA600] =	vst v63  }
0x2b0: {  	p0 =	sne.s32 s17, $0x64;
	s26 =	sadd.s32 $0xC0D0, s18  }
0x2b1: {  	[hbm4b:s26+s3] =	stream.linear.scatter [tilespmem:s13], [sflag:$0x2], $0x80, $0x38;
	[tilespmem:$0xA600] =	vst v63  }
.Ltmp9:
0x2b2: {  	_ = 	snop;
	(pc) =	sbr.rel @p0 .LBB2_4-.Ltmp9, $4  }
.Ltmp10:
0x2b3: {  	s29 =	sadd.s32 $0xC0E0, s18;
	(pc) =	sbr.rel @!p0 .LBB2_15-.Ltmp10, $4  }
0x2b4: {  	[hbm4b:s29+s3] =	stream.linear.scatter [tilespmem:s14], [sflag:$0x2], $0x80, $0x38;
	[tilespmem:$0xA600] =	vst v63  }
0x2b5: {  	s31 =	sadd.s32 $0xC0F0, s18  }
0x2b6: {  	[hbm4b:s31+s3] =	stream.linear.scatter [tilespmem:s15], [sflag:$0x2], $0x80, $0x38;
	[tilespmem:$0xA600] =	vst v63  }
0x2b7: {  	_ = 	snop  }
.LBB2_8:
.Ltmp11:
0x2b8: {  	(pc) =	sbr.rel .LBB2_10-.Ltmp11, $2  }
0x2b9: {  	_ =	sdelay $0x2  }
0x2ba: {  	s31 =	simm.s32 $0x6490  }
.LBB2_16:
0x2bb: {  	_ =	sfence.sel $0x180000  }
0x2bc: {  	[bflag:$0x0] =	sbarrier.arrive $0xFFFF  }
0x2bd: {  	_ =	strace $0x90000047  }
0x2be: {  	s0 =	stileid.u32;
	[bflag:$0x2] =	sbarrier.arrive $0xFFFF  }
0x2bf: {  	p0 =	sne.s32 s0, $0x0;
	s0 =	rddreg [dreg:$0x2]  }
0x2c0: {  	s0 =	sadd.s32 @!p0 $0x100000, s0  }
0x2c1: {  	[sflag:s0] =	ssyncadd.tile.s32 @!p0 $0x1;
	_ =	shalt  }
.Lfunc_end2:
_tile_overlayer_lowered:
.L_overlay_start_2:
0x2c2: {  	(tag) =	ssettag $0x2  }
0x2c3: {  	s0 =	rddreg [dreg:$0x0];
	s2 =	stileid.u32  }
0x2c4: {  	s1 =	rddreg [dreg:$0x1];
	p0 =	sne.s32 s2, $0x0  }
0x2c5: {  	s3 =	rddreg [dreg:$0x2];
	[bflag:$0x3] =	sbarrier.arrive $0xFFFF;
	s2 =	simm.s32 @!p0 $0x1C03  }
0x2c6: {  	[timem:s3], [sflag:s2] =	dma.local @!p0 [hbm:s0], s1  }
0x2c7: {  	s0 =	simm.s32 @!p0 $0x3  }
0x2c8: {  	_ =	swait.ge @!p0 [sflag:s0], s1  }
0x2c9: {  	s1 =	ssub.s32 @!p0 $0x0, s1;
	[sflag:s0] =	ssyncset.done @!p0 $0x0  }
0x2ca: {  	[sflag:s0] =	ssyncadd.s32 @!p0 s1  }
0x2cb: {  	[bflag:$0x3] =	sbarrier.arrive $0xFFFF  }
0x2cc: {  	_ =	shalt  }

</sc_bundles>
